<compile_context>
chip_gen: v7x
topology: tpu7x:2x2x1
jax: 0.10.2.dev20260603
libtpu: 0.0.44.dev20260713+nightly
codegen_flags: <defaults>
</compile_context>

<pallas_src>
import functools

import jax
import jax.numpy as jnp
from jax import lax
from jax.experimental import pallas as pl
from jax.experimental.pallas import tpu as pltpu
from jax.experimental.pallas import tpu_sc as plsc

N = 10000
E = 320000
H = 4
C = 32
HID = 128
FIN = 128
ED = 16
HP = 16
K = 128
NW = 32
NCH = E // K
TPW = -(-NCH // NW)
NP = 10240
TROWS = NP // 16
ZR = 128


def _prep_nodes(x2d, W, As, Ad):
    BN = 1000

    def body(x_ref, w_ref, as_ref, ad_ref, xw_ref, als_ref, ald_ref):
        xw = jnp.dot(x_ref[...], w_ref[...], preferred_element_type=jnp.float32)
        xw_ref[...] = xw
        als_ref[...] = jnp.dot(xw, as_ref[...], preferred_element_type=jnp.float32)
        ald_ref[...] = jnp.dot(xw, ad_ref[...], preferred_element_type=jnp.float32)

    return pl.pallas_call(
        body,
        grid=(N // BN,),
        in_specs=[
            pl.BlockSpec((BN, FIN), lambda i: (i, 0)),
            pl.BlockSpec((FIN, HID), lambda i: (0, 0)),
            pl.BlockSpec((HID, HP), lambda i: (0, 0)),
            pl.BlockSpec((HID, HP), lambda i: (0, 0)),
        ],
        out_specs=[
            pl.BlockSpec((BN, HID), lambda i: (i, 0)),
            pl.BlockSpec((BN, HP), lambda i: (i, 0)),
            pl.BlockSpec((BN, HP), lambda i: (i, 0)),
        ],
        out_shape=[
            jax.ShapeDtypeStruct((N, HID), jnp.float32),
            jax.ShapeDtypeStruct((N, HP), jnp.float32),
            jax.ShapeDtypeStruct((N, HP), jnp.float32),
        ],
    )(x2d, W, As, Ad)


def _prep_edges(ea_pack, BD):
    BE = 4000

    def body(ea_ref, bd_ref, ae_ref):
        ae_ref[...] = jnp.dot(ea_ref[...], bd_ref[...],
                              preferred_element_type=jnp.float32)

    return pl.pallas_call(
        body,
        grid=(E // 8 // BE,),
        in_specs=[
            pl.BlockSpec((BE, 128), lambda i: (i, 0)),
            pl.BlockSpec((128, 128), lambda i: (0, 0)),
        ],
        out_specs=pl.BlockSpec((BE, 128), lambda i: (i, 0)),
        out_shape=jax.ShapeDtypeStruct((E // 8, 128), jnp.float32),
    )(ea_pack, BD)


def _sc_gat(src, dst, ae, asrc, adst, xw):
    mesh = plsc.VectorSubcoreMesh(core_axis_name="c", subcore_axis_name="s")

    @functools.partial(
        pl.kernel,
        out_type=[
            jax.ShapeDtypeStruct((2, NP, HID), jnp.float32),
            jax.ShapeDtypeStruct((2, NP, HP), jnp.float32),
        ],
        mesh=mesh,
        compiler_params=pltpu.CompilerParams(use_tc_tiling_on_sc=False),
        scratch_types=[
            pltpu.VMEM_SHARED((NP, HID), jnp.float32),
            pltpu.VMEM_SHARED((NP, HP), jnp.float32),
            pltpu.VMEM((K,), jnp.int32),
            pltpu.VMEM((K,), jnp.int32),
            pltpu.VMEM((K, HP), jnp.float32),
            pltpu.VMEM((K, HP), jnp.float32),
            pltpu.VMEM((K // 8, HID), jnp.float32),
            pltpu.VMEM((K, HP), jnp.float32),
            pltpu.VMEM((K, HID), jnp.float32),
            pltpu.SemaphoreType.DMA,
            pltpu.SemaphoreType.DMA,
            pltpu.SemaphoreType.DMA,
        ],
    )
    def k(src_hbm, dst_hbm, ae_hbm, asrc_hbm, adst_hbm, xw_hbm,
          out_hbm, den_hbm,
          acc_s, den_s, idx_s, idx_d, asrc_v, adst_v, ae_v, w_v, rows_v,
          sem_a, sem_b, sem_c):
        cid = lax.axis_index("c")
        sid = lax.axis_index("s")
        wid = sid * 2 + cid
        zv = jnp.zeros((16,), jnp.float32)

        def zbody(r, _):
            for j in range(HID // 16):
                rows_v[r, pl.ds(j * 16, 16)] = zv
            w_v[r, :] = zv
            return 0

        lax.fori_loop(0, K, zbody, 0)
        row0 = sid * TROWS
        for t in range(TROWS // ZR):
            pltpu.sync_copy(rows_v.at[pl.ds(0, ZR)],
                            acc_s.at[pl.ds(row0 + t * ZR, ZR)])
            pltpu.sync_copy(w_v.at[pl.ds(0, ZR)],
                            den_s.at[pl.ds(row0 + t * ZR, ZR)])
        plsc.subcore_barrier()

        def chunk(t, _):
            ch = t * NW + wid

            @pl.when(ch < NCH)
            def _():
                base = ch * K
                cp0 = pltpu.async_copy(src_hbm.at[pl.ds(base, K)], idx_s, sem_a)
                cp1 = pltpu.async_copy(dst_hbm.at[pl.ds(base, K)], idx_d, sem_b)
                cp2 = pltpu.async_copy(ae_hbm.at[pl.ds(ch * (K // 8), K // 8)],
                                       ae_v, sem_c)
                cp0.wait()
                cp1.wait()
                g0 = pltpu.async_copy(asrc_hbm.at[idx_s], asrc_v, sem_a)
                g1 = pltpu.async_copy(adst_hbm.at[idx_d], adst_v, sem_b)
                g2 = pltpu.async_copy(xw_hbm.at[idx_s], rows_v, sem_a)
                cp2.wait()
                g0.wait()
                g1.wait()

                def wbody(g, _):
                    for p in range(8):
                        i = g * 8 + p
                        a = (asrc_v[i, :] + adst_v[i, :]
                             + ae_v[g, pl.ds(p * 16, 16)])
                        a = jnp.where(a >= 0.0, a, 0.2 * a)
                        w_v[i, :] = jnp.exp(a)
                    return 0

                lax.fori_loop(0, K // 8, wbody, 0)
                pltpu.sync_copy(w_v, den_s.at[idx_d], add=True)
                g2.wait()

                gdn = lax.GatherDimensionNumbers(
                    offset_dims=(), collapsed_slice_dims=(0,),
                    start_index_map=(0,))

                def mbody(e, _):
                    wrow = w_v[e, :]
                    for j in range(HID // 16):
                        hidx = jnp.full((16, 1), j // 2, jnp.int32)
                        wb = lax.gather(
                            wrow, hidx, gdn, (1,),
                            mode=lax.GatherScatterMode.PROMISE_IN_BOUNDS)
                        sl = pl.ds(j * 16, 16)
                        rows_v[e, sl] = rows_v[e, sl] * wb
                    return 0

                lax.fori_loop(0, K, mbody, 0)
                pltpu.sync_copy(rows_v, acc_s.at[idx_d], add=True)

            return 0

        lax.fori_loop(0, TPW, chunk, 0)
        plsc.subcore_barrier()

        for t in range(TROWS // ZR):
            r = row0 + t * ZR
            pltpu.sync_copy(acc_s.at[pl.ds(r, ZR)], rows_v.at[pl.ds(0, ZR)])
            pltpu.sync_copy(rows_v.at[pl.ds(0, ZR)],
                            out_hbm.at[cid, pl.ds(r, ZR)])
            pltpu.sync_copy(den_s.at[pl.ds(r, ZR)], w_v.at[pl.ds(0, ZR)])
            pltpu.sync_copy(w_v.at[pl.ds(0, ZR)],
                            den_hbm.at[cid, pl.ds(r, ZR)])

    return k(src, dst, ae, asrc, adst, xw)


def _post(outp, denp, bgat2, W_ih, bias2, E4, gamma2, beta2):
    BN = 1000

    def body(op_ref, dp_ref, bg_ref, wih_ref, b2_ref, e4_ref, ga_ref, be_ref,
             hout_ref, h_ref, c_ref):
        s = op_ref[0] + op_ref[1]
        den = dp_ref[0] + dp_ref[1]
        denf = jnp.dot(den, e4_ref[...], preferred_element_type=jnp.float32)
        sf = s / (denf + 1e-16) + bg_ref[...]
        gates = lax.dot_general(sf, wih_ref[...],
                                (((1,), (1,)), ((), ())),
                                preferred_element_type=jnp.float32) + b2_ref[...]
        ig = jax.nn.sigmoid(gates[:, 0:HID])
        gg = jnp.tanh(gates[:, 2 * HID:3 * HID])
        og = jax.nn.sigmoid(gates[:, 3 * HID:4 * HID])
        c = ig * gg
        h = og * jnp.tanh(c)
        mu = jnp.mean(h, axis=1, keepdims=True)
        var = jnp.mean((h - mu) * (h - mu), axis=1, keepdims=True)
        hn = (h - mu) / jnp.sqrt(var + 1e-5) * ga_ref[...] + be_ref[...]
        hout_ref[...] = hn
        h_ref[...] = h
        c_ref[...] = c

    return pl.pallas_call(
        body,
        grid=(N // BN,),
        in_specs=[
            pl.BlockSpec((2, BN, HID), lambda i: (0, i, 0)),
            pl.BlockSpec((2, BN, HP), lambda i: (0, i, 0)),
            pl.BlockSpec((1, HID), lambda i: (0, 0)),
            pl.BlockSpec((4 * HID, HID), lambda i: (0, 0)),
            pl.BlockSpec((1, 4 * HID), lambda i: (0, 0)),
            pl.BlockSpec((HP, HID), lambda i: (0, 0)),
            pl.BlockSpec((1, HID), lambda i: (0, 0)),
            pl.BlockSpec((1, HID), lambda i: (0, 0)),
        ],
        out_specs=[
            pl.BlockSpec((BN, HID), lambda i: (i, 0)),
            pl.BlockSpec((BN, HID), lambda i: (i, 0)),
            pl.BlockSpec((BN, HID), lambda i: (i, 0)),
        ],
        out_shape=[
            jax.ShapeDtypeStruct((N, HID), jnp.float32),
            jax.ShapeDtypeStruct((N, HID), jnp.float32),
            jax.ShapeDtypeStruct((N, HID), jnp.float32),
        ],
    )(outp, denp, bgat2, W_ih, bias2, E4, gamma2, beta2)


def kernel(x, edge_index, edge_attr, W, att_src, att_dst, att_edge, W_edge,
           b_gat, W_ih, W_hh, b_ih, b_hh, gamma, beta):
    x2d = x.reshape(N, FIN)
    src = edge_index[0]
    dst = edge_index[1]

    hmask = (jnp.arange(HP)[None, :] == jnp.arange(H)[:, None]).astype(jnp.float32)
    As = (att_src[:, :, None] * hmask[:, None, :]).reshape(FIN, HP)
    Ad = (att_dst[:, :, None] * hmask[:, None, :]).reshape(FIN, HP)
    Vp = ((W_edge.reshape(ED, H, C) * att_edge[None]).sum(-1) @ hmask)
    BD = jnp.kron(jnp.eye(8, dtype=jnp.float32), Vp)
    E4 = (jnp.arange(HP)[:, None] == (jnp.arange(HID)[None, :] // C)).astype(jnp.float32)
    bias2 = (b_ih + b_hh).reshape(1, 4 * HID)
    bgat2 = b_gat.reshape(1, HID)
    gamma2 = gamma.reshape(1, HID)
    beta2 = beta.reshape(1, HID)

    xw, asrc, adst = _prep_nodes(x2d, W, As, Ad)
    ae = _prep_edges(edge_attr.reshape(E // 8, 128), BD)
    outp, denp = _sc_gat(src, dst, ae, asrc, adst, xw)
    hout, h, c = _post(outp, denp, bgat2, W_ih, bias2, E4, gamma2, beta2)
    return (hout.reshape(1, N, HID), h.reshape(1, N, HID), c.reshape(1, N, HID))

# --- scband reference (transcript-rebuilt; emitter-appended) ---
"""Pipeline reference for scband-temporal-gnncell-38989713113511 (READ-ONLY COPY).

The authoritative reference and input builder live on the scoring server;
editing this copy changes nothing except your own understanding.
"""

import jax, jax.numpy as jnp
import numpy as np

B, N, E = 1, 10000, 320000
F_IN, H, C, HID, ED = 128, 4, 32, 128, 16

def setup_inputs(seed: int = 0) -> dict:
    key = jax.random.key(seed)
    ks = jax.random.split(key, 16)
    s = lambda fan: 1.0 / np.sqrt(fan)
    inp = {}
    inp["x"] = jax.random.normal(ks[0], (B, N, F_IN), dtype=jnp.float32)
    inp["edge_index"] = jax.random.randint(ks[1], (2, E), 0, N, dtype=jnp.int32)
    inp["edge_attr"] = jax.random.normal(ks[2], (E, ED), dtype=jnp.float32)
    inp["W"] = jax.random.uniform(ks[3], (F_IN, H * C), jnp.float32, -s(F_IN), s(F_IN))
    inp["att_src"] = jax.random.uniform(ks[4], (H, C), jnp.float32, -s(C), s(C))
    inp["att_dst"] = jax.random.uniform(ks[5], (H, C), jnp.float32, -s(C), s(C))
    inp["att_edge"] = jax.random.uniform(ks[6], (H, C), jnp.float32, -s(C), s(C))
    inp["W_edge"] = jax.random.uniform(ks[7], (ED, H * C), jnp.float32, -s(ED), s(ED))
    inp["b_gat"] = jnp.zeros((H * C,), jnp.float32)
    inp["W_ih"] = jax.random.uniform(ks[8], (4 * HID, HID), jnp.float32, -s(HID), s(HID))
    inp["W_hh"] = jax.random.uniform(ks[9], (4 * HID, HID), jnp.float32, -s(HID), s(HID))
    inp["b_ih"] = jax.random.uniform(ks[10], (4 * HID,), jnp.float32, -s(HID), s(HID))
    inp["b_hh"] = jax.random.uniform(ks[11], (4 * HID,), jnp.float32, -s(HID), s(HID))
    inp["gamma"] = jnp.ones((HID,), jnp.float32)
    inp["beta"] = jnp.zeros((HID,), jnp.float32)
    return inp

def reference(x, edge_index, edge_attr, W, att_src, att_dst, att_edge, W_edge, b_gat, W_ih, W_hh, b_ih, b_hh, gamma, beta):
    src, dst = edge_index[0], edge_index[1]
    ew = (edge_attr @ W_edge).reshape(E, H, C)
    ae = jnp.sum(ew * att_edge, axis=-1)  # [E, H]

    def gat_one(xb):
        xw = (xb @ W).reshape(N, H, C)
        a = jnp.sum(xw[src] * att_src, axis=-1) + jnp.sum(xw[dst] * att_dst, axis=-1) + ae
        a = jax.nn.leaky_relu(a, 0.2)
        m = jax.ops.segment_max(a, dst, num_segments=N)
        a = jnp.exp(a - m[dst])
        den = jax.ops.segment_sum(a, dst, num_segments=N)
        a = a / (den[dst] + 1e-16)
        out = jax.ops.segment_sum(a[:, :, None] * xw[src], dst, num_segments=N)
        return out.reshape(N, H * C) + b_gat

    spatial = jax.vmap(gat_one)(x)  # [B, N, HID] (gat_out_dim == hidden_dim, no projection)
    sf = spatial.reshape(B * N, HID)  # seq_len = 1 LSTM step
    h0 = jnp.zeros((B * N, HID), jnp.float32)
    c0 = jnp.zeros((B * N, HID), jnp.float32)
    gates = sf @ W_ih.T + b_ih + h0 @ W_hh.T + b_hh
    i, f, g, o = jnp.split(gates, 4, axis=1)
    c = jax.nn.sigmoid(f) * c0 + jax.nn.sigmoid(i) * jnp.tanh(g)
    h = jax.nn.sigmoid(o) * jnp.tanh(c)
    h_out = h.reshape(B, N, HID)
    mu = jnp.mean(h_out, axis=-1, keepdims=True)
    var = jnp.var(h_out, axis=-1, keepdims=True)
    h_out = (h_out - mu) / jnp.sqrt(var + 1e-5) * gamma + beta
    return (h_out, h[None, :, :], c[None, :, :])

if __name__ == "__main__":
    import jax
    _d = setup_inputs()
    print(jax.jit(kernel)(*tuple(_d.values())))

</pallas_src>

<mosaic_0001>
#map = affine_map<(d0, d1) -> (0)>
#map1 = affine_map<(d0, d1) -> (0, 0)>
#map2 = affine_map<(d0, d1) -> (0, 0, 0)>
module attributes {stable_mosaic.version = 14 : i64} {
  func.func @k(%arg0: i32, %arg1: i32, %arg2: memref<320000xi32, #tpu.memory_space<hbm>>, %arg3: memref<320000xi32, #tpu.memory_space<hbm>>, %arg4: memref<40000x128xf32, #tpu.memory_space<hbm>>, %arg5: memref<10000x16xf32, #tpu.memory_space<hbm>>, %arg6: memref<10000x16xf32, #tpu.memory_space<hbm>>, %arg7: memref<10000x128xf32, #tpu.memory_space<hbm>>, %arg8: memref<2x10240x128xf32, #tpu.memory_space<hbm>>, %arg9: memref<2x10240x16xf32, #tpu.memory_space<hbm>>, %arg10: memref<10240x128xf32, #tpu.memory_space<vmem_shared>>, %arg11: memref<10240x16xf32, #tpu.memory_space<vmem_shared>>, %arg12: memref<128xi32, #tpu.memory_space<vmem>>, %arg13: memref<128xi32, #tpu.memory_space<vmem>>, %arg14: memref<128x16xf32, #tpu.memory_space<vmem>>, %arg15: memref<128x16xf32, #tpu.memory_space<vmem>>, %arg16: memref<16x128xf32, #tpu.memory_space<vmem>>, %arg17: memref<128x16xf32, #tpu.memory_space<vmem>>, %arg18: memref<128x128xf32, #tpu.memory_space<vmem>>, %arg19: memref<!tpu.dma_semaphore, #tpu.memory_space<semaphore_mem>>, %arg20: memref<!tpu.dma_semaphore, #tpu.memory_space<semaphore_mem>>, %arg21: memref<!tpu.dma_semaphore, #tpu.memory_space<semaphore_mem>>) attributes {dimension_semantics = [#tpu.dimension_semantics<core_parallel>, #tpu.dimension_semantics<subcore_parallel>], iteration_bounds = array<i64: 2, 16>, scalar_prefetch = 0 : i64, scratch_operands = 12 : i64, tpu.core_type = #tpu.core_type<sc_vector_subcore>, window_params = [{transform_indices = #map}, {transform_indices = #map}, {transform_indices = #map1}, {transform_indices = #map1}, {transform_indices = #map1}, {transform_indices = #map1}, {transform_indices = #map2}, {transform_indices = #map2}]} {
    %mul3A = arith.constant 2 : i32
    %mul3A_0 = arith.muli %arg1, %mul3A : i32
    %add3A = arith.addi %mul3A_0, %arg0 : i32
    %broadcast_in_dim3A = arith.constant 0.000000e+00 : f32
    %broadcast_in_dim3A_1 = vector.broadcast %broadcast_in_dim3A : f32 to vector<16xf32>
    %scan3A = arith.constant 0 : i32
    %scan3A_2 = arith.constant 0 : i32
    %scan3A_3 = arith.constant 128 : i32
    %scan3A_4 = arith.addi %scan3A_2, %scan3A_3 : i32
    %scan3A_5 = arith.constant 1 : i32
    %scan3A_6 = scf.for %scan3A_48 = %scan3A_2 to %scan3A_4 step %scan3A_5 iter_args(%scan3A_49 = %scan3A) -> (i32)  : i32 {
      %swap3A = arith.index_cast %scan3A_48 : i32 to index
      %swap3A_50 = arith.constant 0 : index
      %swap3A_51 = tpu.vector_load %arg18[%swap3A, %swap3A_50] {strides = array<i32>} : memref<128x128xf32, #tpu.memory_space<vmem>>, vector<1x16xf32>,
      %swap3A_52 = vector.shape_cast %swap3A_51 : vector<1x16xf32> to vector<16xf32>
      %swap3A_53 = vector.shape_cast %broadcast_in_dim3A_1 : vector<16xf32> to vector<1x16xf32>
      tpu.vector_store %arg18[%swap3A, %swap3A_50], %swap3A_53 {strides = array<i32>} : memref<128x128xf32, #tpu.memory_space<vmem>>, vector<1x16xf32>,
      %swap3A_54 = arith.index_cast %scan3A_48 : i32 to index
      %swap3A_55 = arith.constant 16 : index
      %swap3A_56 = tpu.vector_load %arg18[%swap3A_54, %swap3A_55] {strides = array<i32>} : memref<128x128xf32, #tpu.memory_space<vmem>>, vector<1x16xf32>,
      %swap3A_57 = vector.shape_cast %swap3A_56 : vector<1x16xf32> to vector<16xf32>
      %swap3A_58 = vector.shape_cast %broadcast_in_dim3A_1 : vector<16xf32> to vector<1x16xf32>
      tpu.vector_store %arg18[%swap3A_54, %swap3A_55], %swap3A_58 {strides = array<i32>} : memref<128x128xf32, #tpu.memory_space<vmem>>, vector<1x16xf32>,
      %swap3A_59 = arith.index_cast %scan3A_48 : i32 to index
      %swap3A_60 = arith.constant 32 : index
      %swap3A_61 = tpu.vector_load %arg18[%swap3A_59, %swap3A_60] {strides = array<i32>} : memref<128x128xf32, #tpu.memory_space<vmem>>, vector<1x16xf32>,
      %swap3A_62 = vector.shape_cast %swap3A_61 : vector<1x16xf32> to vector<16xf32>
      %swap3A_63 = vector.shape_cast %broadcast_in_dim3A_1 : vector<16xf32> to vector<1x16xf32>
      tpu.vector_store %arg18[%swap3A_59, %swap3A_60], %swap3A_63 {strides = array<i32>} : memref<128x128xf32, #tpu.memory_space<vmem>>, vector<1x16xf32>,
      %swap3A_64 = arith.index_cast %scan3A_48 : i32 to index
      %swap3A_65 = arith.constant 48 : index
      %swap3A_66 = tpu.vector_load %arg18[%swap3A_64, %swap3A_65] {strides = array<i32>} : memref<128x128xf32, #tpu.memory_space<vmem>>, vector<1x16xf32>,
      %swap3A_67 = vector.shape_cast %swap3A_66 : vector<1x16xf32> to vector<16xf32>
      %swap3A_68 = vector.shape_cast %broadcast_in_dim3A_1 : vector<16xf32> to vector<1x16xf32>
      tpu.vector_store %arg18[%swap3A_64, %swap3A_65], %swap3A_68 {strides = array<i32>} : memref<128x128xf32, #tpu.memory_space<vmem>>, vector<1x16xf32>,
      %swap3A_69 = arith.index_cast %scan3A_48 : i32 to index
      %swap3A_70 = arith.constant 64 : index
      %swap3A_71 = tpu.vector_load %arg18[%swap3A_69, %swap3A_70] {strides = array<i32>} : memref<128x128xf32, #tpu.memory_space<vmem>>, vector<1x16xf32>,
      %swap3A_72 = vector.shape_cast %swap3A_71 : vector<1x16xf32> to vector<16xf32>
      %swap3A_73 = vector.shape_cast %broadcast_in_dim3A_1 : vector<16xf32> to vector<1x16xf32>
      tpu.vector_store %arg18[%swap3A_69, %swap3A_70], %swap3A_73 {strides = array<i32>} : memref<128x128xf32, #tpu.memory_space<vmem>>, vector<1x16xf32>,
      %swap3A_74 = arith.index_cast %scan3A_48 : i32 to index
      %swap3A_75 = arith.constant 80 : index
      %swap3A_76 = tpu.vector_load %arg18[%swap3A_74, %swap3A_75] {strides = array<i32>} : memref<128x128xf32, #tpu.memory_space<vmem>>, vector<1x16xf32>,
      %swap3A_77 = vector.shape_cast %swap3A_76 : vector<1x16xf32> to vector<16xf32>
      %swap3A_78 = vector.shape_cast %broadcast_in_dim3A_1 : vector<16xf32> to vector<1x16xf32>
      tpu.vector_store %arg18[%swap3A_74, %swap3A_75], %swap3A_78 {strides = array<i32>} : memref<128x128xf32, #tpu.memory_space<vmem>>, vector<1x16xf32>,
      %swap3A_79 = arith.index_cast %scan3A_48 : i32 to index
      %swap3A_80 = arith.constant 96 : index
      %swap3A_81 = tpu.vector_load %arg18[%swap3A_79, %swap3A_80] {strides = array<i32>} : memref<128x128xf32, #tpu.memory_space<vmem>>, vector<1x16xf32>,
      %swap3A_82 = vector.shape_cast %swap3A_81 : vector<1x16xf32> to vector<16xf32>
      %swap3A_83 = vector.shape_cast %broadcast_in_dim3A_1 : vector<16xf32> to vector<1x16xf32>
      tpu.vector_store %arg18[%swap3A_79, %swap3A_80], %swap3A_83 {strides = array<i32>} : memref<128x128xf32, #tpu.memory_space<vmem>>, vector<1x16xf32>,
      %swap3A_84 = arith.index_cast %scan3A_48 : i32 to index
      %swap3A_85 = arith.constant 112 : index
      %swap3A_86 = tpu.vector_load %arg18[%swap3A_84, %swap3A_85] {strides = array<i32>} : memref<128x128xf32, #tpu.memory_space<vmem>>, vector<1x16xf32>,
      %swap3A_87 = vector.shape_cast %swap3A_86 : vector<1x16xf32> to vector<16xf32>
      %swap3A_88 = vector.shape_cast %broadcast_in_dim3A_1 : vector<16xf32> to vector<1x16xf32>
      tpu.vector_store %arg18[%swap3A_84, %swap3A_85], %swap3A_88 {strides = array<i32>} : memref<128x128xf32, #tpu.memory_space<vmem>>, vector<1x16xf32>,
      %swap3A_89 = arith.index_cast %scan3A_48 : i32 to index
      %swap3A_90 = arith.constant 0 : index
      %swap3A_91 = tpu.vector_load %arg17[%swap3A_89, %swap3A_90] {strides = array<i32>} : memref<128x16xf32, #tpu.memory_space<vmem>>, vector<1x16xf32>,
      %swap3A_92 = vector.shape_cast %swap3A_91 : vector<1x16xf32> to vector<16xf32>
      %swap3A_93 = vector.shape_cast %broadcast_in_dim3A_1 : vector<16xf32> to vector<1x16xf32>
      tpu.vector_store %arg17[%swap3A_89, %swap3A_90], %swap3A_93 {strides = array<i32>} : memref<128x16xf32, #tpu.memory_space<vmem>>, vector<1x16xf32>,
      %scan3A_94 = arith.constant 0 : i32
      scf.yield %scan3A_94 : i32
    }
    %scan3A_7 = arith.constant 128 : i32
    %mul3A_8 = arith.constant 640 : i32
    %mul3A_9 = arith.muli %arg1, %mul3A_8 : i32
    %add3A_10 = arith.constant 0 : i32
    %add3A_11 = arith.addi %mul3A_9, %add3A_10 : i32
    "tpu.region"() ({
      %run_scoped3A = tpu.sem_alloc : memref<!tpu.dma_semaphore, #tpu.memory_space<semaphore_mem>>
      %dma_start3A = arith.constant 0 : i32
      %dma_start3A_48 = arith.constant 0 : i32
      %dma_start3A_49 = tpu.memref_slice %arg18[%dma_start3A, %dma_start3A_48] : memref<128x128xf32, #tpu.memory_space<vmem>> -> memref<128x128xf32, #tpu.memory_space<vmem>>
      %dma_start3A_50 = arith.constant 0 : i32
      %dma_start3A_51 = tpu.memref_slice %arg10[%add3A_11, %dma_start3A_50] : memref<10240x128xf32, #tpu.memory_space<vmem_shared>> -> memref<128x128xf32, #tpu.memory_space<vmem_shared>>
      %dma_start3A_52 = arith.constant 0 : i32
      %dma_start3A_53 = tpu.memref_slice %arg10[%add3A_11, %dma_start3A_52] : memref<10240x128xf32, #tpu.memory_space<vmem_shared>> -> memref<128x128xf32, #tpu.memory_space<vmem_shared>>
      %dma_start3A_54 = arith.constant 0 : i32
      %dma_start3A_55 = arith.constant 0 : i32
      %dma_start3A_56 = tpu.memref_slice %arg18[%dma_start3A_54, %dma_start3A_55] : memref<128x128xf32, #tpu.memory_space<vmem>> -> memref<128x128xf32, #tpu.memory_space<vmem>>
      tpu.enqueue_dma source(%dma_start3A_56 : memref<128x128xf32, #tpu.memory_space<vmem>>) target(%dma_start3A_53 : memref<128x128xf32, #tpu.memory_space<vmem_shared>>) target_semaphore(%run_scoped3A : memref<!tpu.dma_semaphore, #tpu.memory_space<semaphore_mem>>)
      %dma_wait3A = arith.constant 0 : i32
      %dma_wait3A_57 = arith.constant 0 : i32
      %dma_wait3A_58 = tpu.memref_slice %arg18[%dma_wait3A, %dma_wait3A_57] : memref<128x128xf32, #tpu.memory_space<vmem>> -> memref<128x128xf32, #tpu.memory_space<vmem>>
      %dma_wait3A_59 = arith.constant 0 : i32
      %dma_wait3A_60 = tpu.memref_slice %arg10[%add3A_11, %dma_wait3A_59] : memref<10240x128xf32, #tpu.memory_space<vmem_shared>> -> memref<128x128xf32, #tpu.memory_space<vmem_shared>>
      %dma_wait3A_61 = arith.constant 0 : i32
      %dma_wait3A_62 = tpu.memref_slice %arg10[%add3A_11, %dma_wait3A_61] : memref<10240x128xf32, #tpu.memory_space<vmem_shared>> -> memref<128x128xf32, #tpu.memory_space<vmem_shared>>
      %dma_wait3A_63 = arith.constant 0 : i32
      %dma_wait3A_64 = arith.constant 0 : i32
      %dma_wait3A_65 = tpu.memref_slice %arg18[%dma_wait3A_63, %dma_wait3A_64] : memref<128x128xf32, #tpu.memory_space<vmem>> -> memref<128x128xf32, #tpu.memory_space<vmem>>
      tpu.wait_dma2 semaphore(%run_scoped3A : memref<!tpu.dma_semaphore, #tpu.memory_space<semaphore_mem>>) src(%dma_wait3A_65 : memref<128x128xf32, #tpu.memory_space<vmem>>) dst(%dma_wait3A_62 : memref<128x128xf32, #tpu.memory_space<vmem_shared>>)
      tpu.yield
    }) : () -> ()
    %add3A_12 = arith.constant 0 : i32
    %add3A_13 = arith.addi %mul3A_9, %add3A_12 : i32
    "tpu.region"() ({
      %run_scoped3A = tpu.sem_alloc : memref<!tpu.dma_semaphore, #tpu.memory_space<semaphore_mem>>
      %dma_start3A = arith.constant 0 : i32
      %dma_start3A_48 = arith.constant 0 : i32
      %dma_start3A_49 = tpu.memref_slice %arg17[%dma_start3A, %dma_start3A_48] : memref<128x16xf32, #tpu.memory_space<vmem>> -> memref<128x16xf32, #tpu.memory_space<vmem>>
      %dma_start3A_50 = arith.constant 0 : i32
      %dma_start3A_51 = tpu.memref_slice %arg11[%add3A_13, %dma_start3A_50] : memref<10240x16xf32, #tpu.memory_space<vmem_shared>> -> memref<128x16xf32, #tpu.memory_space<vmem_shared>>
      %dma_start3A_52 = arith.constant 0 : i32
      %dma_start3A_53 = tpu.memref_slice %arg11[%add3A_13, %dma_start3A_52] : memref<10240x16xf32, #tpu.memory_space<vmem_shared>> -> memref<128x16xf32, #tpu.memory_space<vmem_shared>>
      %dma_start3A_54 = arith.constant 0 : i32
      %dma_start3A_55 = arith.constant 0 : i32
      %dma_start3A_56 = tpu.memref_slice %arg17[%dma_start3A_54, %dma_start3A_55] : memref<128x16xf32, #tpu.memory_space<vmem>> -> memref<128x16xf32, #tpu.memory_space<vmem>>
      tpu.enqueue_dma source(%dma_start3A_56 : memref<128x16xf32, #tpu.memory_space<vmem>>) target(%dma_start3A_53 : memref<128x16xf32, #tpu.memory_space<vmem_shared>>) target_semaphore(%run_scoped3A : memref<!tpu.dma_semaphore, #tpu.memory_space<semaphore_mem>>)
      %dma_wait3A = arith.constant 0 : i32
      %dma_wait3A_57 = arith.constant 0 : i32
      %dma_wait3A_58 = tpu.memref_slice %arg17[%dma_wait3A, %dma_wait3A_57] : memref<128x16xf32, #tpu.memory_space<vmem>> -> memref<128x16xf32, #tpu.memory_space<vmem>>
      %dma_wait3A_59 = arith.constant 0 : i32
      %dma_wait3A_60 = tpu.memref_slice %arg11[%add3A_13, %dma_wait3A_59] : memref<10240x16xf32, #tpu.memory_space<vmem_shared>> -> memref<128x16xf32, #tpu.memory_space<vmem_shared>>
      %dma_wait3A_61 = arith.constant 0 : i32
      %dma_wait3A_62 = tpu.memref_slice %arg11[%add3A_13, %dma_wait3A_61] : memref<10240x16xf32, #tpu.memory_space<vmem_shared>> -> memref<128x16xf32, #tpu.memory_space<vmem_shared>>
      %dma_wait3A_63 = arith.constant 0 : i32
      %dma_wait3A_64 = arith.constant 0 : i32
      %dma_wait3A_65 = tpu.memref_slice %arg17[%dma_wait3A_63, %dma_wait3A_64] : memref<128x16xf32, #tpu.memory_space<vmem>> -> memref<128x16xf32, #tpu.memory_space<vmem>>
      tpu.wait_dma2 semaphore(%run_scoped3A : memref<!tpu.dma_semaphore, #tpu.memory_space<semaphore_mem>>) src(%dma_wait3A_65 : memref<128x16xf32, #tpu.memory_space<vmem>>) dst(%dma_wait3A_62 : memref<128x16xf32, #tpu.memory_space<vmem_shared>>)
      tpu.yield
    }) : () -> ()
    %add3A_14 = arith.constant 128 : i32
    %add3A_15 = arith.addi %mul3A_9, %add3A_14 : i32
    "tpu.region"() ({
      %run_scoped3A = tpu.sem_alloc : memref<!tpu.dma_semaphore, #tpu.memory_space<semaphore_mem>>
      %dma_start3A = arith.constant 0 : i32
      %dma_start3A_48 = arith.constant 0 : i32
      %dma_start3A_49 = tpu.memref_slice %arg18[%dma_start3A, %dma_start3A_48] : memref<128x128xf32, #tpu.memory_space<vmem>> -> memref<128x128xf32, #tpu.memory_space<vmem>>
      %dma_start3A_50 = arith.constant 0 : i32
      %dma_start3A_51 = tpu.memref_slice %arg10[%add3A_15, %dma_start3A_50] : memref<10240x128xf32, #tpu.memory_space<vmem_shared>> -> memref<128x128xf32, #tpu.memory_space<vmem_shared>>
      %dma_start3A_52 = arith.constant 0 : i32
      %dma_start3A_53 = tpu.memref_slice %arg10[%add3A_15, %dma_start3A_52] : memref<10240x128xf32, #tpu.memory_space<vmem_shared>> -> memref<128x128xf32, #tpu.memory_space<vmem_shared>>
      %dma_start3A_54 = arith.constant 0 : i32
      %dma_start3A_55 = arith.constant 0 : i32
      %dma_start3A_56 = tpu.memref_slice %arg18[%dma_start3A_54, %dma_start3A_55] : memref<128x128xf32, #tpu.memory_space<vmem>> -> memref<128x128xf32, #tpu.memory_space<vmem>>
      tpu.enqueue_dma source(%dma_start3A_56 : memref<128x128xf32, #tpu.memory_space<vmem>>) target(%dma_start3A_53 : memref<128x128xf32, #tpu.memory_space<vmem_shared>>) target_semaphore(%run_scoped3A : memref<!tpu.dma_semaphore, #tpu.memory_space<semaphore_mem>>)
      %dma_wait3A = arith.constant 0 : i32
      %dma_wait3A_57 = arith.constant 0 : i32
      %dma_wait3A_58 = tpu.memref_slice %arg18[%dma_wait3A, %dma_wait3A_57] : memref<128x128xf32, #tpu.memory_space<vmem>> -> memref<128x128xf32, #tpu.memory_space<vmem>>
      %dma_wait3A_59 = arith.constant 0 : i32
      %dma_wait3A_60 = tpu.memref_slice %arg10[%add3A_15, %dma_wait3A_59] : memref<10240x128xf32, #tpu.memory_space<vmem_shared>> -> memref<128x128xf32, #tpu.memory_space<vmem_shared>>
      %dma_wait3A_61 = arith.constant 0 : i32
      %dma_wait3A_62 = tpu.memref_slice %arg10[%add3A_15, %dma_wait3A_61] : memref<10240x128xf32, #tpu.memory_space<vmem_shared>> -> memref<128x128xf32, #tpu.memory_space<vmem_shared>>
      %dma_wait3A_63 = arith.constant 0 : i32
      %dma_wait3A_64 = arith.constant 0 : i32
      %dma_wait3A_65 = tpu.memref_slice %arg18[%dma_wait3A_63, %dma_wait3A_64] : memref<128x128xf32, #tpu.memory_space<vmem>> -> memref<128x128xf32, #tpu.memory_space<vmem>>
      tpu.wait_dma2 semaphore(%run_scoped3A : memref<!tpu.dma_semaphore, #tpu.memory_space<semaphore_mem>>) src(%dma_wait3A_65 : memref<128x128xf32, #tpu.memory_space<vmem>>) dst(%dma_wait3A_62 : memref<128x128xf32, #tpu.memory_space<vmem_shared>>)
      tpu.yield
    }) : () -> ()
    %add3A_16 = arith.constant 128 : i32
    %add3A_17 = arith.addi %mul3A_9, %add3A_16 : i32
    "tpu.region"() ({
      %run_scoped3A = tpu.sem_alloc : memref<!tpu.dma_semaphore, #tpu.memory_space<semaphore_mem>>
      %dma_start3A = arith.constant 0 : i32
      %dma_start3A_48 = arith.constant 0 : i32
      %dma_start3A_49 = tpu.memref_slice %arg17[%dma_start3A, %dma_start3A_48] : memref<128x16xf32, #tpu.memory_space<vmem>> -> memref<128x16xf32, #tpu.memory_space<vmem>>
      %dma_start3A_50 = arith.constant 0 : i32
      %dma_start3A_51 = tpu.memref_slice %arg11[%add3A_17, %dma_start3A_50] : memref<10240x16xf32, #tpu.memory_space<vmem_shared>> -> memref<128x16xf32, #tpu.memory_space<vmem_shared>>
      %dma_start3A_52 = arith.constant 0 : i32
      %dma_start3A_53 = tpu.memref_slice %arg11[%add3A_17, %dma_start3A_52] : memref<10240x16xf32, #tpu.memory_space<vmem_shared>> -> memref<128x16xf32, #tpu.memory_space<vmem_shared>>
      %dma_start3A_54 = arith.constant 0 : i32
      %dma_start3A_55 = arith.constant 0 : i32
      %dma_start3A_56 = tpu.memref_slice %arg17[%dma_start3A_54, %dma_start3A_55] : memref<128x16xf32, #tpu.memory_space<vmem>> -> memref<128x16xf32, #tpu.memory_space<vmem>>
      tpu.enqueue_dma source(%dma_start3A_56 : memref<128x16xf32, #tpu.memory_space<vmem>>) target(%dma_start3A_53 : memref<128x16xf32, #tpu.memory_space<vmem_shared>>) target_semaphore(%run_scoped3A : memref<!tpu.dma_semaphore, #tpu.memory_space<semaphore_mem>>)
      %dma_wait3A = arith.constant 0 : i32
      %dma_wait3A_57 = arith.constant 0 : i32
      %dma_wait3A_58 = tpu.memref_slice %arg17[%dma_wait3A, %dma_wait3A_57] : memref<128x16xf32, #tpu.memory_space<vmem>> -> memref<128x16xf32, #tpu.memory_space<vmem>>
      %dma_wait3A_59 = arith.constant 0 : i32
      %dma_wait3A_60 = tpu.memref_slice %arg11[%add3A_17, %dma_wait3A_59] : memref<10240x16xf32, #tpu.memory_space<vmem_shared>> -> memref<128x16xf32, #tpu.memory_space<vmem_shared>>
      %dma_wait3A_61 = arith.constant 0 : i32
      %dma_wait3A_62 = tpu.memref_slice %arg11[%add3A_17, %dma_wait3A_61] : memref<10240x16xf32, #tpu.memory_space<vmem_shared>> -> memref<128x16xf32, #tpu.memory_space<vmem_shared>>
      %dma_wait3A_63 = arith.constant 0 : i32
      %dma_wait3A_64 = arith.constant 0 : i32
      %dma_wait3A_65 = tpu.memref_slice %arg17[%dma_wait3A_63, %dma_wait3A_64] : memref<128x16xf32, #tpu.memory_space<vmem>> -> memref<128x16xf32, #tpu.memory_space<vmem>>
      tpu.wait_dma2 semaphore(%run_scoped3A : memref<!tpu.dma_semaphore, #tpu.memory_space<semaphore_mem>>) src(%dma_wait3A_65 : memref<128x16xf32, #tpu.memory_space<vmem>>) dst(%dma_wait3A_62 : memref<128x16xf32, #tpu.memory_space<vmem_shared>>)
      tpu.yield
    }) : () -> ()
    %add3A_18 = arith.constant 256 : i32
    %add3A_19 = arith.addi %mul3A_9, %add3A_18 : i32
    "tpu.region"() ({
      %run_scoped3A = tpu.sem_alloc : memref<!tpu.dma_semaphore, #tpu.memory_space<semaphore_mem>>
      %dma_start3A = arith.constant 0 : i32
      %dma_start3A_48 = arith.constant 0 : i32
      %dma_start3A_49 = tpu.memref_slice %arg18[%dma_start3A, %dma_start3A_48] : memref<128x128xf32, #tpu.memory_space<vmem>> -> memref<128x128xf32, #tpu.memory_space<vmem>>
      %dma_start3A_50 = arith.constant 0 : i32
      %dma_start3A_51 = tpu.memref_slice %arg10[%add3A_19, %dma_start3A_50] : memref<10240x128xf32, #tpu.memory_space<vmem_shared>> -> memref<128x128xf32, #tpu.memory_space<vmem_shared>>
      %dma_start3A_52 = arith.constant 0 : i32
      %dma_start3A_53 = tpu.memref_slice %arg10[%add3A_19, %dma_start3A_52] : memref<10240x128xf32, #tpu.memory_space<vmem_shared>> -> memref<128x128xf32, #tpu.memory_space<vmem_shared>>
      %dma_start3A_54 = arith.constant 0 : i32
      %dma_start3A_55 = arith.constant 0 : i32
      %dma_start3A_56 = tpu.memref_slice %arg18[%dma_start3A_54, %dma_start3A_55] : memref<128x128xf32, #tpu.memory_space<vmem>> -> memref<128x128xf32, #tpu.memory_space<vmem>>
      tpu.enqueue_dma source(%dma_start3A_56 : memref<128x128xf32, #tpu.memory_space<vmem>>) target(%dma_start3A_53 : memref<128x128xf32, #tpu.memory_space<vmem_shared>>) target_semaphore(%run_scoped3A : memref<!tpu.dma_semaphore, #tpu.memory_space<semaphore_mem>>)
      %dma_wait3A = arith.constant 0 : i32
      %dma_wait3A_57 = arith.constant 0 : i32
      %dma_wait3A_58 = tpu.memref_slice %arg18[%dma_wait3A, %dma_wait3A_57] : memref<128x128xf32, #tpu.memory_space<vmem>> -> memref<128x128xf32, #tpu.memory_space<vmem>>
      %dma_wait3A_59 = arith.constant 0 : i32
      %dma_wait3A_60 = tpu.memref_slice %arg10[%add3A_19, %dma_wait3A_59] : memref<10240x128xf32, #tpu.memory_space<vmem_shared>> -> memref<128x128xf32, #tpu.memory_space<vmem_shared>>
      %dma_wait3A_61 = arith.constant 0 : i32
      %dma_wait3A_62 = tpu.memref_slice %arg10[%add3A_19, %dma_wait3A_61] : memref<10240x128xf32, #tpu.memory_space<vmem_shared>> -> memref<128x128xf32, #tpu.memory_space<vmem_shared>>
      %dma_wait3A_63 = arith.constant 0 : i32
      %dma_wait3A_64 = arith.constant 0 : i32
      %dma_wait3A_65 = tpu.memref_slice %arg18[%dma_wait3A_63, %dma_wait3A_64] : memref<128x128xf32, #tpu.memory_space<vmem>> -> memref<128x128xf32, #tpu.memory_space<vmem>>
      tpu.wait_dma2 semaphore(%run_scoped3A : memref<!tpu.dma_semaphore, #tpu.memory_space<semaphore_mem>>) src(%dma_wait3A_65 : memref<128x128xf32, #tpu.memory_space<vmem>>) dst(%dma_wait3A_62 : memref<128x128xf32, #tpu.memory_space<vmem_shared>>)
      tpu.yield
    }) : () -> ()
    %add3A_20 = arith.constant 256 : i32
    %add3A_21 = arith.addi %mul3A_9, %add3A_20 : i32
    "tpu.region"() ({
      %run_scoped3A = tpu.sem_alloc : memref<!tpu.dma_semaphore, #tpu.memory_space<semaphore_mem>>
      %dma_start3A = arith.constant 0 : i32
      %dma_start3A_48 = arith.constant 0 : i32
      %dma_start3A_49 = tpu.memref_slice %arg17[%dma_start3A, %dma_start3A_48] : memref<128x16xf32, #tpu.memory_space<vmem>> -> memref<128x16xf32, #tpu.memory_space<vmem>>
      %dma_start3A_50 = arith.constant 0 : i32
      %dma_start3A_51 = tpu.memref_slice %arg11[%add3A_21, %dma_start3A_50] : memref<10240x16xf32, #tpu.memory_space<vmem_shared>> -> memref<128x16xf32, #tpu.memory_space<vmem_shared>>
      %dma_start3A_52 = arith.constant 0 : i32
      %dma_start3A_53 = tpu.memref_slice %arg11[%add3A_21, %dma_start3A_52] : memref<10240x16xf32, #tpu.memory_space<vmem_shared>> -> memref<128x16xf32, #tpu.memory_space<vmem_shared>>
      %dma_start3A_54 = arith.constant 0 : i32
      %dma_start3A_55 = arith.constant 0 : i32
      %dma_start3A_56 = tpu.memref_slice %arg17[%dma_start3A_54, %dma_start3A_55] : memref<128x16xf32, #tpu.memory_space<vmem>> -> memref<128x16xf32, #tpu.memory_space<vmem>>
      tpu.enqueue_dma source(%dma_start3A_56 : memref<128x16xf32, #tpu.memory_space<vmem>>) target(%dma_start3A_53 : memref<128x16xf32, #tpu.memory_space<vmem_shared>>) target_semaphore(%run_scoped3A : memref<!tpu.dma_semaphore, #tpu.memory_space<semaphore_mem>>)
      %dma_wait3A = arith.constant 0 : i32
      %dma_wait3A_57 = arith.constant 0 : i32
      %dma_wait3A_58 = tpu.memref_slice %arg17[%dma_wait3A, %dma_wait3A_57] : memref<128x16xf32, #tpu.memory_space<vmem>> -> memref<128x16xf32, #tpu.memory_space<vmem>>
      %dma_wait3A_59 = arith.constant 0 : i32
      %dma_wait3A_60 = tpu.memref_slice %arg11[%add3A_21, %dma_wait3A_59] : memref<10240x16xf32, #tpu.memory_space<vmem_shared>> -> memref<128x16xf32, #tpu.memory_space<vmem_shared>>
      %dma_wait3A_61 = arith.constant 0 : i32
      %dma_wait3A_62 = tpu.memref_slice %arg11[%add3A_21, %dma_wait3A_61] : memref<10240x16xf32, #tpu.memory_space<vmem_shared>> -> memref<128x16xf32, #tpu.memory_space<vmem_shared>>
      %dma_wait3A_63 = arith.constant 0 : i32
      %dma_wait3A_64 = arith.constant 0 : i32
      %dma_wait3A_65 = tpu.memref_slice %arg17[%dma_wait3A_63, %dma_wait3A_64] : memref<128x16xf32, #tpu.memory_space<vmem>> -> memref<128x16xf32, #tpu.memory_space<vmem>>
      tpu.wait_dma2 semaphore(%run_scoped3A : memref<!tpu.dma_semaphore, #tpu.memory_space<semaphore_mem>>) src(%dma_wait3A_65 : memref<128x16xf32, #tpu.memory_space<vmem>>) dst(%dma_wait3A_62 : memref<128x16xf32, #tpu.memory_space<vmem_shared>>)
      tpu.yield
    }) : () -> ()
    %add3A_22 = arith.constant 384 : i32
    %add3A_23 = arith.addi %mul3A_9, %add3A_22 : i32
    "tpu.region"() ({
      %run_scoped3A = tpu.sem_alloc : memref<!tpu.dma_semaphore, #tpu.memory_space<semaphore_mem>>
      %dma_start3A = arith.constant 0 : i32
      %dma_start3A_48 = arith.constant 0 : i32
      %dma_start3A_49 = tpu.memref_slice %arg18[%dma_start3A, %dma_start3A_48] : memref<128x128xf32, #tpu.memory_space<vmem>> -> memref<128x128xf32, #tpu.memory_space<vmem>>
      %dma_start3A_50 = arith.constant 0 : i32
      %dma_start3A_51 = tpu.memref_slice %arg10[%add3A_23, %dma_start3A_50] : memref<10240x128xf32, #tpu.memory_space<vmem_shared>> -> memref<128x128xf32, #tpu.memory_space<vmem_shared>>
      %dma_start3A_52 = arith.constant 0 : i32
      %dma_start3A_53 = tpu.memref_slice %arg10[%add3A_23, %dma_start3A_52] : memref<10240x128xf32, #tpu.memory_space<vmem_shared>> -> memref<128x128xf32, #tpu.memory_space<vmem_shared>>
      %dma_start3A_54 = arith.constant 0 : i32
      %dma_start3A_55 = arith.constant 0 : i32
      %dma_start3A_56 = tpu.memref_slice %arg18[%dma_start3A_54, %dma_start3A_55] : memref<128x128xf32, #tpu.memory_space<vmem>> -> memref<128x128xf32, #tpu.memory_space<vmem>>
      tpu.enqueue_dma source(%dma_start3A_56 : memref<128x128xf32, #tpu.memory_space<vmem>>) target(%dma_start3A_53 : memref<128x128xf32, #tpu.memory_space<vmem_shared>>) target_semaphore(%run_scoped3A : memref<!tpu.dma_semaphore, #tpu.memory_space<semaphore_mem>>)
      %dma_wait3A = arith.constant 0 : i32
      %dma_wait3A_57 = arith.constant 0 : i32
      %dma_wait3A_58 = tpu.memref_slice %arg18[%dma_wait3A, %dma_wait3A_57] : memref<128x128xf32, #tpu.memory_space<vmem>> -> memref<128x128xf32, #tpu.memory_space<vmem>>
      %dma_wait3A_59 = arith.constant 0 : i32
      %dma_wait3A_60 = tpu.memref_slice %arg10[%add3A_23, %dma_wait3A_59] : memref<10240x128xf32, #tpu.memory_space<vmem_shared>> -> memref<128x128xf32, #tpu.memory_space<vmem_shared>>
      %dma_wait3A_61 = arith.constant 0 : i32
      %dma_wait3A_62 = tpu.memref_slice %arg10[%add3A_23, %dma_wait3A_61] : memref<10240x128xf32, #tpu.memory_space<vmem_shared>> -> memref<128x128xf32, #tpu.memory_space<vmem_shared>>
      %dma_wait3A_63 = arith.constant 0 : i32
      %dma_wait3A_64 = arith.constant 0 : i32
      %dma_wait3A_65 = tpu.memref_slice %arg18[%dma_wait3A_63, %dma_wait3A_64] : memref<128x128xf32, #tpu.memory_space<vmem>> -> memref<128x128xf32, #tpu.memory_space<vmem>>
      tpu.wait_dma2 semaphore(%run_scoped3A : memref<!tpu.dma_semaphore, #tpu.memory_space<semaphore_mem>>) src(%dma_wait3A_65 : memref<128x128xf32, #tpu.memory_space<vmem>>) dst(%dma_wait3A_62 : memref<128x128xf32, #tpu.memory_space<vmem_shared>>)
      tpu.yield
    }) : () -> ()
    %add3A_24 = arith.constant 384 : i32
    %add3A_25 = arith.addi %mul3A_9, %add3A_24 : i32
    "tpu.region"() ({
      %run_scoped3A = tpu.sem_alloc : memref<!tpu.dma_semaphore, #tpu.memory_space<semaphore_mem>>
      %dma_start3A = arith.constant 0 : i32
      %dma_start3A_48 = arith.constant 0 : i32
      %dma_start3A_49 = tpu.memref_slice %arg17[%dma_start3A, %dma_start3A_48] : memref<128x16xf32, #tpu.memory_space<vmem>> -> memref<128x16xf32, #tpu.memory_space<vmem>>
      %dma_start3A_50 = arith.constant 0 : i32
      %dma_start3A_51 = tpu.memref_slice %arg11[%add3A_25, %dma_start3A_50] : memref<10240x16xf32, #tpu.memory_space<vmem_shared>> -> memref<128x16xf32, #tpu.memory_space<vmem_shared>>
      %dma_start3A_52 = arith.constant 0 : i32
      %dma_start3A_53 = tpu.memref_slice %arg11[%add3A_25, %dma_start3A_52] : memref<10240x16xf32, #tpu.memory_space<vmem_shared>> -> memref<128x16xf32, #tpu.memory_space<vmem_shared>>
      %dma_start3A_54 = arith.constant 0 : i32
      %dma_start3A_55 = arith.constant 0 : i32
      %dma_start3A_56 = tpu.memref_slice %arg17[%dma_start3A_54, %dma_start3A_55] : memref<128x16xf32, #tpu.memory_space<vmem>> -> memref<128x16xf32, #tpu.memory_space<vmem>>
      tpu.enqueue_dma source(%dma_start3A_56 : memref<128x16xf32, #tpu.memory_space<vmem>>) target(%dma_start3A_53 : memref<128x16xf32, #tpu.memory_space<vmem_shared>>) target_semaphore(%run_scoped3A : memref<!tpu.dma_semaphore, #tpu.memory_space<semaphore_mem>>)
      %dma_wait3A = arith.constant 0 : i32
      %dma_wait3A_57 = arith.constant 0 : i32
      %dma_wait3A_58 = tpu.memref_slice %arg17[%dma_wait3A, %dma_wait3A_57] : memref<128x16xf32, #tpu.memory_space<vmem>> -> memref<128x16xf32, #tpu.memory_space<vmem>>
      %dma_wait3A_59 = arith.constant 0 : i32
      %dma_wait3A_60 = tpu.memref_slice %arg11[%add3A_25, %dma_wait3A_59] : memref<10240x16xf32, #tpu.memory_space<vmem_shared>> -> memref<128x16xf32, #tpu.memory_space<vmem_shared>>
      %dma_wait3A_61 = arith.constant 0 : i32
      %dma_wait3A_62 = tpu.memref_slice %arg11[%add3A_25, %dma_wait3A_61] : memref<10240x16xf32, #tpu.memory_space<vmem_shared>> -> memref<128x16xf32, #tpu.memory_space<vmem_shared>>
      %dma_wait3A_63 = arith.constant 0 : i32
      %dma_wait3A_64 = arith.constant 0 : i32
      %dma_wait3A_65 = tpu.memref_slice %arg17[%dma_wait3A_63, %dma_wait3A_64] : memref<128x16xf32, #tpu.memory_space<vmem>> -> memref<128x16xf32, #tpu.memory_space<vmem>>
      tpu.wait_dma2 semaphore(%run_scoped3A : memref<!tpu.dma_semaphore, #tpu.memory_space<semaphore_mem>>) src(%dma_wait3A_65 : memref<128x16xf32, #tpu.memory_space<vmem>>) dst(%dma_wait3A_62 : memref<128x16xf32, #tpu.memory_space<vmem_shared>>)
      tpu.yield
    }) : () -> ()
    %add3A_26 = arith.constant 512 : i32
    %add3A_27 = arith.addi %mul3A_9, %add3A_26 : i32
    "tpu.region"() ({
      %run_scoped3A = tpu.sem_alloc : memref<!tpu.dma_semaphore, #tpu.memory_space<semaphore_mem>>
      %dma_start3A = arith.constant 0 : i32
      %dma_start3A_48 = arith.constant 0 : i32
      %dma_start3A_49 = tpu.memref_slice %arg18[%dma_start3A, %dma_start3A_48] : memref<128x128xf32, #tpu.memory_space<vmem>> -> memref<128x128xf32, #tpu.memory_space<vmem>>
      %dma_start3A_50 = arith.constant 0 : i32
      %dma_start3A_51 = tpu.memref_slice %arg10[%add3A_27, %dma_start3A_50] : memref<10240x128xf32, #tpu.memory_space<vmem_shared>> -> memref<128x128xf32, #tpu.memory_space<vmem_shared>>
      %dma_start3A_52 = arith.constant 0 : i32
      %dma_start3A_53 = tpu.memref_slice %arg10[%add3A_27, %dma_start3A_52] : memref<10240x128xf32, #tpu.memory_space<vmem_shared>> -> memref<128x128xf32, #tpu.memory_space<vmem_shared>>
      %dma_start3A_54 = arith.constant 0 : i32
      %dma_start3A_55 = arith.constant 0 : i32
      %dma_start3A_56 = tpu.memref_slice %arg18[%dma_start3A_54, %dma_start3A_55] : memref<128x128xf32, #tpu.memory_space<vmem>> -> memref<128x128xf32, #tpu.memory_space<vmem>>
      tpu.enqueue_dma source(%dma_start3A_56 : memref<128x128xf32, #tpu.memory_space<vmem>>) target(%dma_start3A_53 : memref<128x128xf32, #tpu.memory_space<vmem_shared>>) target_semaphore(%run_scoped3A : memref<!tpu.dma_semaphore, #tpu.memory_space<semaphore_mem>>)
      %dma_wait3A = arith.constant 0 : i32
      %dma_wait3A_57 = arith.constant 0 : i32
      %dma_wait3A_58 = tpu.memref_slice %arg18[%dma_wait3A, %dma_wait3A_57] : memref<128x128xf32, #tpu.memory_space<vmem>> -> memref<128x128xf32, #tpu.memory_space<vmem>>
      %dma_wait3A_59 = arith.constant 0 : i32
      %dma_wait3A_60 = tpu.memref_slice %arg10[%add3A_27, %dma_wait3A_59] : memref<10240x128xf32, #tpu.memory_space<vmem_shared>> -> memref<128x128xf32, #tpu.memory_space<vmem_shared>>
      %dma_wait3A_61 = arith.constant 0 : i32
      %dma_wait3A_62 = tpu.memref_slice %arg10[%add3A_27, %dma_wait3A_61] : memref<10240x128xf32, #tpu.memory_space<vmem_shared>> -> memref<128x128xf32, #tpu.memory_space<vmem_shared>>
      %dma_wait3A_63 = arith.constant 0 : i32
      %dma_wait3A_64 = arith.constant 0 : i32
      %dma_wait3A_65 = tpu.memref_slice %arg18[%dma_wait3A_63, %dma_wait3A_64] : memref<128x128xf32, #tpu.memory_space<vmem>> -> memref<128x128xf32, #tpu.memory_space<vmem>>
      tpu.wait_dma2 semaphore(%run_scoped3A : memref<!tpu.dma_semaphore, #tpu.memory_space<semaphore_mem>>) src(%dma_wait3A_65 : memref<128x128xf32, #tpu.memory_space<vmem>>) dst(%dma_wait3A_62 : memref<128x128xf32, #tpu.memory_space<vmem_shared>>)
      tpu.yield
    }) : () -> ()
    %add3A_28 = arith.constant 512 : i32
    %add3A_29 = arith.addi %mul3A_9, %add3A_28 : i32
    "tpu.region"() ({
      %run_scoped3A = tpu.sem_alloc : memref<!tpu.dma_semaphore, #tpu.memory_space<semaphore_mem>>
      %dma_start3A = arith.constant 0 : i32
      %dma_start3A_48 = arith.constant 0 : i32
      %dma_start3A_49 = tpu.memref_slice %arg17[%dma_start3A, %dma_start3A_48] : memref<128x16xf32, #tpu.memory_space<vmem>> -> memref<128x16xf32, #tpu.memory_space<vmem>>
      %dma_start3A_50 = arith.constant 0 : i32
      %dma_start3A_51 = tpu.memref_slice %arg11[%add3A_29, %dma_start3A_50] : memref<10240x16xf32, #tpu.memory_space<vmem_shared>> -> memref<128x16xf32, #tpu.memory_space<vmem_shared>>
      %dma_start3A_52 = arith.constant 0 : i32
      %dma_start3A_53 = tpu.memref_slice %arg11[%add3A_29, %dma_start3A_52] : memref<10240x16xf32, #tpu.memory_space<vmem_shared>> -> memref<128x16xf32, #tpu.memory_space<vmem_shared>>
      %dma_start3A_54 = arith.constant 0 : i32
      %dma_start3A_55 = arith.constant 0 : i32
      %dma_start3A_56 = tpu.memref_slice %arg17[%dma_start3A_54, %dma_start3A_55] : memref<128x16xf32, #tpu.memory_space<vmem>> -> memref<128x16xf32, #tpu.memory_space<vmem>>
      tpu.enqueue_dma source(%dma_start3A_56 : memref<128x16xf32, #tpu.memory_space<vmem>>) target(%dma_start3A_53 : memref<128x16xf32, #tpu.memory_space<vmem_shared>>) target_semaphore(%run_scoped3A : memref<!tpu.dma_semaphore, #tpu.memory_space<semaphore_mem>>)
      %dma_wait3A = arith.constant 0 : i32
      %dma_wait3A_57 = arith.constant 0 : i32
      %dma_wait3A_58 = tpu.memref_slice %arg17[%dma_wait3A, %dma_wait3A_57] : memref<128x16xf32, #tpu.memory_space<vmem>> -> memref<128x16xf32, #tpu.memory_space<vmem>>
      %dma_wait3A_59 = arith.constant 0 : i32
      %dma_wait3A_60 = tpu.memref_slice %arg11[%add3A_29, %dma_wait3A_59] : memref<10240x16xf32, #tpu.memory_space<vmem_shared>> -> memref<128x16xf32, #tpu.memory_space<vmem_shared>>
      %dma_wait3A_61 = arith.constant 0 : i32
      %dma_wait3A_62 = tpu.memref_slice %arg11[%add3A_29, %dma_wait3A_61] : memref<10240x16xf32, #tpu.memory_space<vmem_shared>> -> memref<128x16xf32, #tpu.memory_space<vmem_shared>>
      %dma_wait3A_63 = arith.constant 0 : i32
      %dma_wait3A_64 = arith.constant 0 : i32
      %dma_wait3A_65 = tpu.memref_slice %arg17[%dma_wait3A_63, %dma_wait3A_64] : memref<128x16xf32, #tpu.memory_space<vmem>> -> memref<128x16xf32, #tpu.memory_space<vmem>>
      tpu.wait_dma2 semaphore(%run_scoped3A : memref<!tpu.dma_semaphore, #tpu.memory_space<semaphore_mem>>) src(%dma_wait3A_65 : memref<128x16xf32, #tpu.memory_space<vmem>>) dst(%dma_wait3A_62 : memref<128x16xf32, #tpu.memory_space<vmem_shared>>)
      tpu.yield
    }) : () -> ()
    %barrier3A = arith.constant 0 : index
    tpu.barrier barrier_id(%barrier3A)
    %scan3A_30 = arith.constant 0 : i32
    %scan3A_31 = arith.constant 0 : i32
    %scan3A_32 = arith.constant 79 : i32
    %scan3A_33 = arith.addi %scan3A_31, %scan3A_32 : i32
    %scan3A_34 = arith.constant 1 : i32
    %scan3A_35 = scf.for %scan3A_48 = %scan3A_31 to %scan3A_33 step %scan3A_34 iter_args(%scan3A_49 = %scan3A_30) -> (i32)  : i32 {
      %mul3A_50 = arith.constant 32 : i32
      %mul3A_51 = arith.muli %scan3A_48, %mul3A_50 : i32
      %add3A_52 = arith.addi %mul3A_51, %add3A : i32
      %lt3A = arith.constant 2500 : i32
      %lt3A_53 = arith.cmpi slt, %add3A_52, %lt3A : i32
      %convert_element_type3A = arith.extui %lt3A_53 : i1 to i32
      %cond3A = arith.constant 0 : i32
      %cond3A_54 = arith.cmpi ne, %convert_element_type3A, %cond3A : i32
      scf.if %cond3A_54 {
        %mul3A_56 = arith.constant 128 : i32
        %mul3A_57 = arith.muli %add3A_52, %mul3A_56 : i32
        %dma_start3A = tpu.memref_slice %arg2[%mul3A_57] : memref<320000xi32, #tpu.memory_space<hbm>> -> memref<128xi32, #tpu.memory_space<hbm>>
        %dma_start3A_58 = tpu.memref_slice %arg2[%mul3A_57] : memref<320000xi32, #tpu.memory_space<hbm>> -> memref<128xi32, #tpu.memory_space<hbm>>
        tpu.enqueue_dma source(%dma_start3A_58 : memref<128xi32, #tpu.memory_space<hbm>>) target(%arg12 : memref<128xi32, #tpu.memory_space<vmem>>) target_semaphore(%arg19 : memref<!tpu.dma_semaphore, #tpu.memory_space<semaphore_mem>>)
        %dma_start3A_59 = tpu.memref_slice %arg3[%mul3A_57] : memref<320000xi32, #tpu.memory_space<hbm>> -> memref<128xi32, #tpu.memory_space<hbm>>
        %dma_start3A_60 = tpu.memref_slice %arg3[%mul3A_57] : memref<320000xi32, #tpu.memory_space<hbm>> -> memref<128xi32, #tpu.memory_space<hbm>>
        tpu.enqueue_dma source(%dma_start3A_60 : memref<128xi32, #tpu.memory_space<hbm>>) target(%arg13 : memref<128xi32, #tpu.memory_space<vmem>>) target_semaphore(%arg20 : memref<!tpu.dma_semaphore, #tpu.memory_space<semaphore_mem>>)
        %mul3A_61 = arith.constant 16 : i32
        %mul3A_62 = arith.muli %add3A_52, %mul3A_61 : i32
        %dma_start3A_63 = arith.constant 0 : i32
        %dma_start3A_64 = tpu.memref_slice %arg4[%mul3A_62, %dma_start3A_63] : memref<40000x128xf32, #tpu.memory_space<hbm>> -> memref<16x128xf32, #tpu.memory_space<hbm>>
        %dma_start3A_65 = arith.constant 0 : i32
        %dma_start3A_66 = tpu.memref_slice %arg4[%mul3A_62, %dma_start3A_65] : memref<40000x128xf32, #tpu.memory_space<hbm>> -> memref<16x128xf32, #tpu.memory_space<hbm>>
        tpu.enqueue_dma source(%dma_start3A_66 : memref<16x128xf32, #tpu.memory_space<hbm>>) target(%arg16 : memref<16x128xf32, #tpu.memory_space<vmem>>) target_semaphore(%arg21 : memref<!tpu.dma_semaphore, #tpu.memory_space<semaphore_mem>>)
        %dma_wait3A = tpu.memref_slice %arg2[%mul3A_57] : memref<320000xi32, #tpu.memory_space<hbm>> -> memref<128xi32, #tpu.memory_space<hbm>>
        %dma_wait3A_67 = tpu.memref_slice %arg2[%mul3A_57] : memref<320000xi32, #tpu.memory_space<hbm>> -> memref<128xi32, #tpu.memory_space<hbm>>
        tpu.wait_dma2 semaphore(%arg19 : memref<!tpu.dma_semaphore, #tpu.memory_space<semaphore_mem>>) src(%dma_wait3A_67 : memref<128xi32, #tpu.memory_space<hbm>>) dst(%arg12 : memref<128xi32, #tpu.memory_space<vmem>>)
        %dma_wait3A_68 = tpu.memref_slice %arg3[%mul3A_57] : memref<320000xi32, #tpu.memory_space<hbm>> -> memref<128xi32, #tpu.memory_space<hbm>>
        %dma_wait3A_69 = tpu.memref_slice %arg3[%mul3A_57] : memref<320000xi32, #tpu.memory_space<hbm>> -> memref<128xi32, #tpu.memory_space<hbm>>
        tpu.wait_dma2 semaphore(%arg20 : memref<!tpu.dma_semaphore, #tpu.memory_space<semaphore_mem>>) src(%dma_wait3A_69 : memref<128xi32, #tpu.memory_space<hbm>>) dst(%arg13 : memref<128xi32, #tpu.memory_space<vmem>>)
        %dma_start3A_70 = arith.constant 0 : i32
        %dma_start3A_71 = arith.constant 0 : i32
        %dma_start3A_72 = tpu.memref_slice %arg5[%dma_start3A_70, %dma_start3A_71] : memref<10000x16xf32, #tpu.memory_space<hbm>> -> memref<10000x16xf32, #tpu.memory_space<hbm>>
        tpu.enqueue_indirect_dma source(%dma_start3A_72 : memref<10000x16xf32, #tpu.memory_space<hbm>>) target(%arg14 : memref<128x16xf32, #tpu.memory_space<vmem>>) offsets(%arg12 : memref<128xi32, #tpu.memory_space<vmem>>) semaphore(%arg19 : memref<!tpu.dma_semaphore, #tpu.memory_space<semaphore_mem>>)
        %dma_start3A_73 = arith.constant 0 : i32
        %dma_start3A_74 = arith.constant 0 : i32
        %dma_start3A_75 = tpu.memref_slice %arg6[%dma_start3A_73, %dma_start3A_74] : memref<10000x16xf32, #tpu.memory_space<hbm>> -> memref<10000x16xf32, #tpu.memory_space<hbm>>
        tpu.enqueue_indirect_dma source(%dma_start3A_75 : memref<10000x16xf32, #tpu.memory_space<hbm>>) target(%arg15 : memref<128x16xf32, #tpu.memory_space<vmem>>) offsets(%arg13 : memref<128xi32, #tpu.memory_space<vmem>>) semaphore(%arg20 : memref<!tpu.dma_semaphore, #tpu.memory_space<semaphore_mem>>)
        %dma_start3A_76 = arith.constant 0 : i32
        %dma_start3A_77 = arith.constant 0 : i32
        %dma_start3A_78 = tpu.memref_slice %arg7[%dma_start3A_76, %dma_start3A_77] : memref<10000x128xf32, #tpu.memory_space<hbm>> -> memref<10000x128xf32, #tpu.memory_space<hbm>>
        tpu.enqueue_indirect_dma source(%dma_start3A_78 : memref<10000x128xf32, #tpu.memory_space<hbm>>) target(%arg18 : memref<128x128xf32, #tpu.memory_space<vmem>>) offsets(%arg12 : memref<128xi32, #tpu.memory_space<vmem>>) semaphore(%arg19 : memref<!tpu.dma_semaphore, #tpu.memory_space<semaphore_mem>>)
        %dma_wait3A_79 = arith.constant 0 : i32
        %dma_wait3A_80 = tpu.memref_slice %arg4[%mul3A_62, %dma_wait3A_79] : memref<40000x128xf32, #tpu.memory_space<hbm>> -> memref<16x128xf32, #tpu.memory_space<hbm>>
        %dma_wait3A_81 = arith.constant 0 : i32
        %dma_wait3A_82 = tpu.memref_slice %arg4[%mul3A_62, %dma_wait3A_81] : memref<40000x128xf32, #tpu.memory_space<hbm>> -> memref<16x128xf32, #tpu.memory_space<hbm>>
        tpu.wait_dma2 semaphore(%arg21 : memref<!tpu.dma_semaphore, #tpu.memory_space<semaphore_mem>>) src(%dma_wait3A_82 : memref<16x128xf32, #tpu.memory_space<hbm>>) dst(%arg16 : memref<16x128xf32, #tpu.memory_space<vmem>>)
        %dma_wait3A_83 = arith.constant 0 : i32
        %dma_wait3A_84 = arith.constant 0 : i32
        %dma_wait3A_85 = tpu.memref_slice %arg5[%dma_wait3A_83, %dma_wait3A_84] : memref<10000x16xf32, #tpu.memory_space<hbm>> -> memref<10000x16xf32, #tpu.memory_space<hbm>>
        tpu.wait_indirect_dma semaphore(%arg19 : memref<!tpu.dma_semaphore, #tpu.memory_space<semaphore_mem>>) src(%dma_wait3A_85 : memref<10000x16xf32, #tpu.memory_space<hbm>>) dst(%arg14 : memref<128x16xf32, #tpu.memory_space<vmem>>)
        %dma_wait3A_86 = arith.constant 0 : i32
        %dma_wait3A_87 = arith.constant 0 : i32
        %dma_wait3A_88 = tpu.memref_slice %arg6[%dma_wait3A_86, %dma_wait3A_87] : memref<10000x16xf32, #tpu.memory_space<hbm>> -> memref<10000x16xf32, #tpu.memory_space<hbm>>
        tpu.wait_indirect_dma semaphore(%arg20 : memref<!tpu.dma_semaphore, #tpu.memory_space<semaphore_mem>>) src(%dma_wait3A_88 : memref<10000x16xf32, #tpu.memory_space<hbm>>) dst(%arg15 : memref<128x16xf32, #tpu.memory_space<vmem>>)
        %scan3A_89 = arith.constant 0 : i32
        %scan3A_90 = arith.constant 0 : i32
        %scan3A_91 = arith.constant 16 : i32
        %scan3A_92 = arith.addi %scan3A_90, %scan3A_91 : i32
        %scan3A_93 = arith.constant 1 : i32
        %scan3A_94 = scf.for %scan3A_106 = %scan3A_90 to %scan3A_92 step %scan3A_93 iter_args(%scan3A_107 = %scan3A_89) -> (i32)  : i32 {
          %mul3A_108 = arith.constant 8 : i32
          %mul3A_109 = arith.muli %scan3A_106, %mul3A_108 : i32
          %add3A_110 = arith.constant 0 : i32
          %add3A_111 = arith.addi %mul3A_109, %add3A_110 : i32
          %get3A = arith.index_cast %add3A_111 : i32 to index
          %get3A_112 = arith.constant 0 : index
          %get3A_113 = tpu.vector_load %arg14[%get3A, %get3A_112] {strides = array<i32>} : memref<128x16xf32, #tpu.memory_space<vmem>>, vector<1x16xf32>,
          %get3A_114 = vector.shape_cast %get3A_113 : vector<1x16xf32> to vector<16xf32>
          %get3A_115 = arith.index_cast %add3A_111 : i32 to index
          %get3A_116 = arith.constant 0 : index
          %get3A_117 = tpu.vector_load %arg15[%get3A_115, %get3A_116] {strides = array<i32>} : memref<128x16xf32, #tpu.memory_space<vmem>>, vector<1x16xf32>,
          %get3A_118 = vector.shape_cast %get3A_117 : vector<1x16xf32> to vector<16xf32>
          %add3A_119 = arith.addf %get3A_114, %get3A_118 : vector<16xf32>
          %get3A_120 = arith.index_cast %scan3A_106 : i32 to index
          %get3A_121 = arith.constant 0 : index
          %get3A_122 = tpu.vector_load %arg16[%get3A_120, %get3A_121] {strides = array<i32>} : memref<16x128xf32, #tpu.memory_space<vmem>>, vector<1x16xf32>,
          %get3A_123 = vector.shape_cast %get3A_122 : vector<1x16xf32> to vector<16xf32>
          %add3A_124 = arith.addf %add3A_119, %get3A_123 : vector<16xf32>
          %ge3A = arith.constant 0.000000e+00 : f32
          %ge3A_125 = vector.broadcast %ge3A : f32 to vector<16xf32>
          %ge3A_126 = arith.cmpf oge, %add3A_124, %ge3A_125 : vector<16xf32>
          %mul3A_127 = arith.constant 2.000000e-01 : f32
          %mul3A_128 = vector.broadcast %mul3A_127 : f32 to vector<16xf32>
          %mul3A_129 = arith.mulf %mul3A_128, %add3A_124 : vector<16xf32>
          %select_n3A = arith.select %ge3A_126, %add3A_124, %mul3A_129 : vector<16xi1>, vector<16xf32>
          %exp3A = math.exp %select_n3A : vector<16xf32>
          %swap3A = arith.index_cast %add3A_111 : i32 to index
          %swap3A_130 = arith.constant 0 : index
          %swap3A_131 = tpu.vector_load %arg17[%swap3A, %swap3A_130] {strides = array<i32>} : memref<128x16xf32, #tpu.memory_space<vmem>>, vector<1x16xf32>,
          %swap3A_132 = vector.shape_cast %swap3A_131 : vector<1x16xf32> to vector<16xf32>
          %swap3A_133 = vector.shape_cast %exp3A : vector<16xf32> to vector<1x16xf32>
          tpu.vector_store %arg17[%swap3A, %swap3A_130], %swap3A_133 {strides = array<i32>} : memref<128x16xf32, #tpu.memory_space<vmem>>, vector<1x16xf32>,
          %mul3A_134 = arith.constant 8 : i32
          %mul3A_135 = arith.muli %scan3A_106, %mul3A_134 : i32
          %add3A_136 = arith.constant 1 : i32
          %add3A_137 = arith.addi %mul3A_135, %add3A_136 : i32
          %get3A_138 = arith.index_cast %add3A_137 : i32 to index
          %get3A_139 = arith.constant 0 : index
          %get3A_140 = tpu.vector_load %arg14[%get3A_138, %get3A_139] {strides = array<i32>} : memref<128x16xf32, #tpu.memory_space<vmem>>, vector<1x16xf32>,
          %get3A_141 = vector.shape_cast %get3A_140 : vector<1x16xf32> to vector<16xf32>
          %get3A_142 = arith.index_cast %add3A_137 : i32 to index
          %get3A_143 = arith.constant 0 : index
          %get3A_144 = tpu.vector_load %arg15[%get3A_142, %get3A_143] {strides = array<i32>} : memref<128x16xf32, #tpu.memory_space<vmem>>, vector<1x16xf32>,
          %get3A_145 = vector.shape_cast %get3A_144 : vector<1x16xf32> to vector<16xf32>
          %add3A_146 = arith.addf %get3A_141, %get3A_145 : vector<16xf32>
          %get3A_147 = arith.index_cast %scan3A_106 : i32 to index
          %get3A_148 = arith.constant 16 : index
          %get3A_149 = tpu.vector_load %arg16[%get3A_147, %get3A_148] {strides = array<i32>} : memref<16x128xf32, #tpu.memory_space<vmem>>, vector<1x16xf32>,
          %get3A_150 = vector.shape_cast %get3A_149 : vector<1x16xf32> to vector<16xf32>
          %add3A_151 = arith.addf %add3A_146, %get3A_150 : vector<16xf32>
          %ge3A_152 = arith.constant 0.000000e+00 : f32
          %ge3A_153 = vector.broadcast %ge3A_152 : f32 to vector<16xf32>
          %ge3A_154 = arith.cmpf oge, %add3A_151, %ge3A_153 : vector<16xf32>
          %mul3A_155 = arith.constant 2.000000e-01 : f32
          %mul3A_156 = vector.broadcast %mul3A_155 : f32 to vector<16xf32>
          %mul3A_157 = arith.mulf %mul3A_156, %add3A_151 : vector<16xf32>
          %select_n3A_158 = arith.select %ge3A_154, %add3A_151, %mul3A_157 : vector<16xi1>, vector<16xf32>
          %exp3A_159 = math.exp %select_n3A_158 : vector<16xf32>
          %swap3A_160 = arith.index_cast %add3A_137 : i32 to index
          %swap3A_161 = arith.constant 0 : index
          %swap3A_162 = tpu.vector_load %arg17[%swap3A_160, %swap3A_161] {strides = array<i32>} : memref<128x16xf32, #tpu.memory_space<vmem>>, vector<1x16xf32>,
          %swap3A_163 = vector.shape_cast %swap3A_162 : vector<1x16xf32> to vector<16xf32>
          %swap3A_164 = vector.shape_cast %exp3A_159 : vector<16xf32> to vector<1x16xf32>
          tpu.vector_store %arg17[%swap3A_160, %swap3A_161], %swap3A_164 {strides = array<i32>} : memref<128x16xf32, #tpu.memory_space<vmem>>, vector<1x16xf32>,
          %mul3A_165 = arith.constant 8 : i32
          %mul3A_166 = arith.muli %scan3A_106, %mul3A_165 : i32
          %add3A_167 = arith.constant 2 : i32
          %add3A_168 = arith.addi %mul3A_166, %add3A_167 : i32
          %get3A_169 = arith.index_cast %add3A_168 : i32 to index
          %get3A_170 = arith.constant 0 : index
          %get3A_171 = tpu.vector_load %arg14[%get3A_169, %get3A_170] {strides = array<i32>} : memref<128x16xf32, #tpu.memory_space<vmem>>, vector<1x16xf32>,
          %get3A_172 = vector.shape_cast %get3A_171 : vector<1x16xf32> to vector<16xf32>
          %get3A_173 = arith.index_cast %add3A_168 : i32 to index
          %get3A_174 = arith.constant 0 : index
          %get3A_175 = tpu.vector_load %arg15[%get3A_173, %get3A_174] {strides = array<i32>} : memref<128x16xf32, #tpu.memory_space<vmem>>, vector<1x16xf32>,
          %get3A_176 = vector.shape_cast %get3A_175 : vector<1x16xf32> to vector<16xf32>
          %add3A_177 = arith.addf %get3A_172, %get3A_176 : vector<16xf32>
          %get3A_178 = arith.index_cast %scan3A_106 : i32 to index
          %get3A_179 = arith.constant 32 : index
          %get3A_180 = tpu.vector_load %arg16[%get3A_178, %get3A_179] {strides = array<i32>} : memref<16x128xf32, #tpu.memory_space<vmem>>, vector<1x16xf32>,
          %get3A_181 = vector.shape_cast %get3A_180 : vector<1x16xf32> to vector<16xf32>
          %add3A_182 = arith.addf %add3A_177, %get3A_181 : vector<16xf32>
          %ge3A_183 = arith.constant 0.000000e+00 : f32
          %ge3A_184 = vector.broadcast %ge3A_183 : f32 to vector<16xf32>
          %ge3A_185 = arith.cmpf oge, %add3A_182, %ge3A_184 : vector<16xf32>
          %mul3A_186 = arith.constant 2.000000e-01 : f32
          %mul3A_187 = vector.broadcast %mul3A_186 : f32 to vector<16xf32>
          %mul3A_188 = arith.mulf %mul3A_187, %add3A_182 : vector<16xf32>
          %select_n3A_189 = arith.select %ge3A_185, %add3A_182, %mul3A_188 : vector<16xi1>, vector<16xf32>
          %exp3A_190 = math.exp %select_n3A_189 : vector<16xf32>
          %swap3A_191 = arith.index_cast %add3A_168 : i32 to index
          %swap3A_192 = arith.constant 0 : index
          %swap3A_193 = tpu.vector_load %arg17[%swap3A_191, %swap3A_192] {strides = array<i32>} : memref<128x16xf32, #tpu.memory_space<vmem>>, vector<1x16xf32>,
          %swap3A_194 = vector.shape_cast %swap3A_193 : vector<1x16xf32> to vector<16xf32>
          %swap3A_195 = vector.shape_cast %exp3A_190 : vector<16xf32> to vector<1x16xf32>
          tpu.vector_store %arg17[%swap3A_191, %swap3A_192], %swap3A_195 {strides = array<i32>} : memref<128x16xf32, #tpu.memory_space<vmem>>, vector<1x16xf32>,
          %mul3A_196 = arith.constant 8 : i32
          %mul3A_197 = arith.muli %scan3A_106, %mul3A_196 : i32
          %add3A_198 = arith.constant 3 : i32
          %add3A_199 = arith.addi %mul3A_197, %add3A_198 : i32
          %get3A_200 = arith.index_cast %add3A_199 : i32 to index
          %get3A_201 = arith.constant 0 : index
          %get3A_202 = tpu.vector_load %arg14[%get3A_200, %get3A_201] {strides = array<i32>} : memref<128x16xf32, #tpu.memory_space<vmem>>, vector<1x16xf32>,
          %get3A_203 = vector.shape_cast %get3A_202 : vector<1x16xf32> to vector<16xf32>
          %get3A_204 = arith.index_cast %add3A_199 : i32 to index
          %get3A_205 = arith.constant 0 : index
          %get3A_206 = tpu.vector_load %arg15[%get3A_204, %get3A_205] {strides = array<i32>} : memref<128x16xf32, #tpu.memory_space<vmem>>, vector<1x16xf32>,
          %get3A_207 = vector.shape_cast %get3A_206 : vector<1x16xf32> to vector<16xf32>
          %add3A_208 = arith.addf %get3A_203, %get3A_207 : vector<16xf32>
          %get3A_209 = arith.index_cast %scan3A_106 : i32 to index
          %get3A_210 = arith.constant 48 : index
          %get3A_211 = tpu.vector_load %arg16[%get3A_209, %get3A_210] {strides = array<i32>} : memref<16x128xf32, #tpu.memory_space<vmem>>, vector<1x16xf32>,
          %get3A_212 = vector.shape_cast %get3A_211 : vector<1x16xf32> to vector<16xf32>
          %add3A_213 = arith.addf %add3A_208, %get3A_212 : vector<16xf32>
          %ge3A_214 = arith.constant 0.000000e+00 : f32
          %ge3A_215 = vector.broadcast %ge3A_214 : f32 to vector<16xf32>
          %ge3A_216 = arith.cmpf oge, %add3A_213, %ge3A_215 : vector<16xf32>
          %mul3A_217 = arith.constant 2.000000e-01 : f32
          %mul3A_218 = vector.broadcast %mul3A_217 : f32 to vector<16xf32>
          %mul3A_219 = arith.mulf %mul3A_218, %add3A_213 : vector<16xf32>
          %select_n3A_220 = arith.select %ge3A_216, %add3A_213, %mul3A_219 : vector<16xi1>, vector<16xf32>
          %exp3A_221 = math.exp %select_n3A_220 : vector<16xf32>
          %swap3A_222 = arith.index_cast %add3A_199 : i32 to index
          %swap3A_223 = arith.constant 0 : index
          %swap3A_224 = tpu.vector_load %arg17[%swap3A_222, %swap3A_223] {strides = array<i32>} : memref<128x16xf32, #tpu.memory_space<vmem>>, vector<1x16xf32>,
          %swap3A_225 = vector.shape_cast %swap3A_224 : vector<1x16xf32> to vector<16xf32>
          %swap3A_226 = vector.shape_cast %exp3A_221 : vector<16xf32> to vector<1x16xf32>
          tpu.vector_store %arg17[%swap3A_222, %swap3A_223], %swap3A_226 {strides = array<i32>} : memref<128x16xf32, #tpu.memory_space<vmem>>, vector<1x16xf32>,
          %mul3A_227 = arith.constant 8 : i32
          %mul3A_228 = arith.muli %scan3A_106, %mul3A_227 : i32
          %add3A_229 = arith.constant 4 : i32
          %add3A_230 = arith.addi %mul3A_228, %add3A_229 : i32
          %get3A_231 = arith.index_cast %add3A_230 : i32 to index
          %get3A_232 = arith.constant 0 : index
          %get3A_233 = tpu.vector_load %arg14[%get3A_231, %get3A_232] {strides = array<i32>} : memref<128x16xf32, #tpu.memory_space<vmem>>, vector<1x16xf32>,
          %get3A_234 = vector.shape_cast %get3A_233 : vector<1x16xf32> to vector<16xf32>
          %get3A_235 = arith.index_cast %add3A_230 : i32 to index
          %get3A_236 = arith.constant 0 : index
          %get3A_237 = tpu.vector_load %arg15[%get3A_235, %get3A_236] {strides = array<i32>} : memref<128x16xf32, #tpu.memory_space<vmem>>, vector<1x16xf32>,
          %get3A_238 = vector.shape_cast %get3A_237 : vector<1x16xf32> to vector<16xf32>
          %add3A_239 = arith.addf %get3A_234, %get3A_238 : vector<16xf32>
          %get3A_240 = arith.index_cast %scan3A_106 : i32 to index
          %get3A_241 = arith.constant 64 : index
          %get3A_242 = tpu.vector_load %arg16[%get3A_240, %get3A_241] {strides = array<i32>} : memref<16x128xf32, #tpu.memory_space<vmem>>, vector<1x16xf32>,
          %get3A_243 = vector.shape_cast %get3A_242 : vector<1x16xf32> to vector<16xf32>
          %add3A_244 = arith.addf %add3A_239, %get3A_243 : vector<16xf32>
          %ge3A_245 = arith.constant 0.000000e+00 : f32
          %ge3A_246 = vector.broadcast %ge3A_245 : f32 to vector<16xf32>
          %ge3A_247 = arith.cmpf oge, %add3A_244, %ge3A_246 : vector<16xf32>
          %mul3A_248 = arith.constant 2.000000e-01 : f32
          %mul3A_249 = vector.broadcast %mul3A_248 : f32 to vector<16xf32>
          %mul3A_250 = arith.mulf %mul3A_249, %add3A_244 : vector<16xf32>
          %select_n3A_251 = arith.select %ge3A_247, %add3A_244, %mul3A_250 : vector<16xi1>, vector<16xf32>
          %exp3A_252 = math.exp %select_n3A_251 : vector<16xf32>
          %swap3A_253 = arith.index_cast %add3A_230 : i32 to index
          %swap3A_254 = arith.constant 0 : index
          %swap3A_255 = tpu.vector_load %arg17[%swap3A_253, %swap3A_254] {strides = array<i32>} : memref<128x16xf32, #tpu.memory_space<vmem>>, vector<1x16xf32>,
          %swap3A_256 = vector.shape_cast %swap3A_255 : vector<1x16xf32> to vector<16xf32>
          %swap3A_257 = vector.shape_cast %exp3A_252 : vector<16xf32> to vector<1x16xf32>
          tpu.vector_store %arg17[%swap3A_253, %swap3A_254], %swap3A_257 {strides = array<i32>} : memref<128x16xf32, #tpu.memory_space<vmem>>, vector<1x16xf32>,
          %mul3A_258 = arith.constant 8 : i32
          %mul3A_259 = arith.muli %scan3A_106, %mul3A_258 : i32
          %add3A_260 = arith.constant 5 : i32
          %add3A_261 = arith.addi %mul3A_259, %add3A_260 : i32
          %get3A_262 = arith.index_cast %add3A_261 : i32 to index
          %get3A_263 = arith.constant 0 : index
          %get3A_264 = tpu.vector_load %arg14[%get3A_262, %get3A_263] {strides = array<i32>} : memref<128x16xf32, #tpu.memory_space<vmem>>, vector<1x16xf32>,
          %get3A_265 = vector.shape_cast %get3A_264 : vector<1x16xf32> to vector<16xf32>
          %get3A_266 = arith.index_cast %add3A_261 : i32 to index
          %get3A_267 = arith.constant 0 : index
          %get3A_268 = tpu.vector_load %arg15[%get3A_266, %get3A_267] {strides = array<i32>} : memref<128x16xf32, #tpu.memory_space<vmem>>, vector<1x16xf32>,
          %get3A_269 = vector.shape_cast %get3A_268 : vector<1x16xf32> to vector<16xf32>
          %add3A_270 = arith.addf %get3A_265, %get3A_269 : vector<16xf32>
          %get3A_271 = arith.index_cast %scan3A_106 : i32 to index
          %get3A_272 = arith.constant 80 : index
          %get3A_273 = tpu.vector_load %arg16[%get3A_271, %get3A_272] {strides = array<i32>} : memref<16x128xf32, #tpu.memory_space<vmem>>, vector<1x16xf32>,
          %get3A_274 = vector.shape_cast %get3A_273 : vector<1x16xf32> to vector<16xf32>
          %add3A_275 = arith.addf %add3A_270, %get3A_274 : vector<16xf32>
          %ge3A_276 = arith.constant 0.000000e+00 : f32
          %ge3A_277 = vector.broadcast %ge3A_276 : f32 to vector<16xf32>
          %ge3A_278 = arith.cmpf oge, %add3A_275, %ge3A_277 : vector<16xf32>
          %mul3A_279 = arith.constant 2.000000e-01 : f32
          %mul3A_280 = vector.broadcast %mul3A_279 : f32 to vector<16xf32>
          %mul3A_281 = arith.mulf %mul3A_280, %add3A_275 : vector<16xf32>
          %select_n3A_282 = arith.select %ge3A_278, %add3A_275, %mul3A_281 : vector<16xi1>, vector<16xf32>
          %exp3A_283 = math.exp %select_n3A_282 : vector<16xf32>
          %swap3A_284 = arith.index_cast %add3A_261 : i32 to index
          %swap3A_285 = arith.constant 0 : index
          %swap3A_286 = tpu.vector_load %arg17[%swap3A_284, %swap3A_285] {strides = array<i32>} : memref<128x16xf32, #tpu.memory_space<vmem>>, vector<1x16xf32>,
          %swap3A_287 = vector.shape_cast %swap3A_286 : vector<1x16xf32> to vector<16xf32>
          %swap3A_288 = vector.shape_cast %exp3A_283 : vector<16xf32> to vector<1x16xf32>
          tpu.vector_store %arg17[%swap3A_284, %swap3A_285], %swap3A_288 {strides = array<i32>} : memref<128x16xf32, #tpu.memory_space<vmem>>, vector<1x16xf32>,
          %mul3A_289 = arith.constant 8 : i32
          %mul3A_290 = arith.muli %scan3A_106, %mul3A_289 : i32
          %add3A_291 = arith.constant 6 : i32
          %add3A_292 = arith.addi %mul3A_290, %add3A_291 : i32
          %get3A_293 = arith.index_cast %add3A_292 : i32 to index
          %get3A_294 = arith.constant 0 : index
          %get3A_295 = tpu.vector_load %arg14[%get3A_293, %get3A_294] {strides = array<i32>} : memref<128x16xf32, #tpu.memory_space<vmem>>, vector<1x16xf32>,
          %get3A_296 = vector.shape_cast %get3A_295 : vector<1x16xf32> to vector<16xf32>
          %get3A_297 = arith.index_cast %add3A_292 : i32 to index
          %get3A_298 = arith.constant 0 : index
          %get3A_299 = tpu.vector_load %arg15[%get3A_297, %get3A_298] {strides = array<i32>} : memref<128x16xf32, #tpu.memory_space<vmem>>, vector<1x16xf32>,
          %get3A_300 = vector.shape_cast %get3A_299 : vector<1x16xf32> to vector<16xf32>
          %add3A_301 = arith.addf %get3A_296, %get3A_300 : vector<16xf32>
          %get3A_302 = arith.index_cast %scan3A_106 : i32 to index
          %get3A_303 = arith.constant 96 : index
          %get3A_304 = tpu.vector_load %arg16[%get3A_302, %get3A_303] {strides = array<i32>} : memref<16x128xf32, #tpu.memory_space<vmem>>, vector<1x16xf32>,
          %get3A_305 = vector.shape_cast %get3A_304 : vector<1x16xf32> to vector<16xf32>
          %add3A_306 = arith.addf %add3A_301, %get3A_305 : vector<16xf32>
          %ge3A_307 = arith.constant 0.000000e+00 : f32
          %ge3A_308 = vector.broadcast %ge3A_307 : f32 to vector<16xf32>
          %ge3A_309 = arith.cmpf oge, %add3A_306, %ge3A_308 : vector<16xf32>
          %mul3A_310 = arith.constant 2.000000e-01 : f32
          %mul3A_311 = vector.broadcast %mul3A_310 : f32 to vector<16xf32>
          %mul3A_312 = arith.mulf %mul3A_311, %add3A_306 : vector<16xf32>
          %select_n3A_313 = arith.select %ge3A_309, %add3A_306, %mul3A_312 : vector<16xi1>, vector<16xf32>
          %exp3A_314 = math.exp %select_n3A_313 : vector<16xf32>
          %swap3A_315 = arith.index_cast %add3A_292 : i32 to index
          %swap3A_316 = arith.constant 0 : index
          %swap3A_317 = tpu.vector_load %arg17[%swap3A_315, %swap3A_316] {strides = array<i32>} : memref<128x16xf32, #tpu.memory_space<vmem>>, vector<1x16xf32>,
          %swap3A_318 = vector.shape_cast %swap3A_317 : vector<1x16xf32> to vector<16xf32>
          %swap3A_319 = vector.shape_cast %exp3A_314 : vector<16xf32> to vector<1x16xf32>
          tpu.vector_store %arg17[%swap3A_315, %swap3A_316], %swap3A_319 {strides = array<i32>} : memref<128x16xf32, #tpu.memory_space<vmem>>, vector<1x16xf32>,
          %mul3A_320 = arith.constant 8 : i32
          %mul3A_321 = arith.muli %scan3A_106, %mul3A_320 : i32
          %add3A_322 = arith.constant 7 : i32
          %add3A_323 = arith.addi %mul3A_321, %add3A_322 : i32
          %get3A_324 = arith.index_cast %add3A_323 : i32 to index
          %get3A_325 = arith.constant 0 : index
          %get3A_326 = tpu.vector_load %arg14[%get3A_324, %get3A_325] {strides = array<i32>} : memref<128x16xf32, #tpu.memory_space<vmem>>, vector<1x16xf32>,
          %get3A_327 = vector.shape_cast %get3A_326 : vector<1x16xf32> to vector<16xf32>
          %get3A_328 = arith.index_cast %add3A_323 : i32 to index
          %get3A_329 = arith.constant 0 : index
          %get3A_330 = tpu.vector_load %arg15[%get3A_328, %get3A_329] {strides = array<i32>} : memref<128x16xf32, #tpu.memory_space<vmem>>, vector<1x16xf32>,
          %get3A_331 = vector.shape_cast %get3A_330 : vector<1x16xf32> to vector<16xf32>
          %add3A_332 = arith.addf %get3A_327, %get3A_331 : vector<16xf32>
          %get3A_333 = arith.index_cast %scan3A_106 : i32 to index
          %get3A_334 = arith.constant 112 : index
          %get3A_335 = tpu.vector_load %arg16[%get3A_333, %get3A_334] {strides = array<i32>} : memref<16x128xf32, #tpu.memory_space<vmem>>, vector<1x16xf32>,
          %get3A_336 = vector.shape_cast %get3A_335 : vector<1x16xf32> to vector<16xf32>
          %add3A_337 = arith.addf %add3A_332, %get3A_336 : vector<16xf32>
          %ge3A_338 = arith.constant 0.000000e+00 : f32
          %ge3A_339 = vector.broadcast %ge3A_338 : f32 to vector<16xf32>
          %ge3A_340 = arith.cmpf oge, %add3A_337, %ge3A_339 : vector<16xf32>
          %mul3A_341 = arith.constant 2.000000e-01 : f32
          %mul3A_342 = vector.broadcast %mul3A_341 : f32 to vector<16xf32>
          %mul3A_343 = arith.mulf %mul3A_342, %add3A_337 : vector<16xf32>
          %select_n3A_344 = arith.select %ge3A_340, %add3A_337, %mul3A_343 : vector<16xi1>, vector<16xf32>
          %exp3A_345 = math.exp %select_n3A_344 : vector<16xf32>
          %swap3A_346 = arith.index_cast %add3A_323 : i32 to index
          %swap3A_347 = arith.constant 0 : index
          %swap3A_348 = tpu.vector_load %arg17[%swap3A_346, %swap3A_347] {strides = array<i32>} : memref<128x16xf32, #tpu.memory_space<vmem>>, vector<1x16xf32>,
          %swap3A_349 = vector.shape_cast %swap3A_348 : vector<1x16xf32> to vector<16xf32>
          %swap3A_350 = vector.shape_cast %exp3A_345 : vector<16xf32> to vector<1x16xf32>
          tpu.vector_store %arg17[%swap3A_346, %swap3A_347], %swap3A_350 {strides = array<i32>} : memref<128x16xf32, #tpu.memory_space<vmem>>, vector<1x16xf32>,
          %scan3A_351 = arith.constant 0 : i32
          scf.yield %scan3A_351 : i32
        }
        %scan3A_95 = arith.constant 16 : i32
        "tpu.region"() ({
          %run_scoped3A = tpu.sem_alloc : memref<!tpu.dma_semaphore, #tpu.memory_space<semaphore_mem>>
          %dma_start3A_106 = arith.constant 0 : i32
          %dma_start3A_107 = arith.constant 0 : i32
          %dma_start3A_108 = tpu.memref_slice %arg11[%dma_start3A_106, %dma_start3A_107] : memref<10240x16xf32, #tpu.memory_space<vmem_shared>> -> memref<10240x16xf32, #tpu.memory_space<vmem_shared>>
          tpu.enqueue_indirect_dma source(%arg17 : memref<128x16xf32, #tpu.memory_space<vmem>>) target(%dma_start3A_108 : memref<10240x16xf32, #tpu.memory_space<vmem_shared>>) offsets(%arg13 : memref<128xi32, #tpu.memory_space<vmem>>) semaphore(%run_scoped3A : memref<!tpu.dma_semaphore, #tpu.memory_space<semaphore_mem>>) {add = true}
          %dma_wait3A_109 = arith.constant 0 : i32
          %dma_wait3A_110 = arith.constant 0 : i32
          %dma_wait3A_111 = tpu.memref_slice %arg11[%dma_wait3A_109, %dma_wait3A_110] : memref<10240x16xf32, #tpu.memory_space<vmem_shared>> -> memref<10240x16xf32, #tpu.memory_space<vmem_shared>>
          tpu.wait_indirect_dma semaphore(%run_scoped3A : memref<!tpu.dma_semaphore, #tpu.memory_space<semaphore_mem>>) src(%arg17 : memref<128x16xf32, #tpu.memory_space<vmem>>) dst(%dma_wait3A_111 : memref<10240x16xf32, #tpu.memory_space<vmem_shared>>)
          tpu.yield
        }) : () -> ()
        %dma_wait3A_96 = arith.constant 0 : i32
        %dma_wait3A_97 = arith.constant 0 : i32
        %dma_wait3A_98 = tpu.memref_slice %arg7[%dma_wait3A_96, %dma_wait3A_97] : memref<10000x128xf32, #tpu.memory_space<hbm>> -> memref<10000x128xf32, #tpu.memory_space<hbm>>
        tpu.wait_indirect_dma semaphore(%arg19 : memref<!tpu.dma_semaphore, #tpu.memory_space<semaphore_mem>>) src(%dma_wait3A_98 : memref<10000x128xf32, #tpu.memory_space<hbm>>) dst(%arg18 : memref<128x128xf32, #tpu.memory_space<vmem>>)
        %scan3A_99 = arith.constant 0 : i32
        %scan3A_100 = arith.constant 0 : i32
        %scan3A_101 = arith.constant 128 : i32
        %scan3A_102 = arith.addi %scan3A_100, %scan3A_101 : i32
        %scan3A_103 = arith.constant 1 : i32
        %scan3A_104 = scf.for %scan3A_106 = %scan3A_100 to %scan3A_102 step %scan3A_103 iter_args(%scan3A_107 = %scan3A_99) -> (i32)  : i32 {
          %get3A = arith.index_cast %scan3A_106 : i32 to index
          %get3A_108 = arith.constant 0 : index
          %get3A_109 = tpu.vector_load %arg17[%get3A, %get3A_108] {strides = array<i32>} : memref<128x16xf32, #tpu.memory_space<vmem>>, vector<1x16xf32>,
          %get3A_110 = vector.shape_cast %get3A_109 : vector<1x16xf32> to vector<16xf32>
          %broadcast_in_dim3A_111 = arith.constant 0 : i32
          %broadcast_in_dim3A_112 = vector.broadcast %broadcast_in_dim3A_111 : i32 to vector<16x1xi32>
          %gather3A = vector.shape_cast %broadcast_in_dim3A_112 : vector<16x1xi32> to vector<16xi32>
          %gather3A_113 = tpu.dynamic_gather %get3A_110[%gather3A] in [0] : vector<16xf32>, vector<16xi32> -> vector<16xf32>
          %get3A_114 = arith.index_cast %scan3A_106 : i32 to index
          %get3A_115 = arith.constant 0 : index
          %get3A_116 = tpu.vector_load %arg18[%get3A_114, %get3A_115] {strides = array<i32>} : memref<128x128xf32, #tpu.memory_space<vmem>>, vector<1x16xf32>,
          %get3A_117 = vector.shape_cast %get3A_116 : vector<1x16xf32> to vector<16xf32>
          %mul3A_118 = arith.mulf %get3A_117, %gather3A_113 : vector<16xf32>
          %swap3A = arith.index_cast %scan3A_106 : i32 to index
          %swap3A_119 = arith.constant 0 : index
          %swap3A_120 = tpu.vector_load %arg18[%swap3A, %swap3A_119] {strides = array<i32>} : memref<128x128xf32, #tpu.memory_space<vmem>>, vector<1x16xf32>,
          %swap3A_121 = vector.shape_cast %swap3A_120 : vector<1x16xf32> to vector<16xf32>
          %swap3A_122 = vector.shape_cast %mul3A_118 : vector<16xf32> to vector<1x16xf32>
          tpu.vector_store %arg18[%swap3A, %swap3A_119], %swap3A_122 {strides = array<i32>} : memref<128x128xf32, #tpu.memory_space<vmem>>, vector<1x16xf32>,
          %broadcast_in_dim3A_123 = arith.constant 0 : i32
          %broadcast_in_dim3A_124 = vector.broadcast %broadcast_in_dim3A_123 : i32 to vector<16x1xi32>
          %gather3A_125 = vector.shape_cast %broadcast_in_dim3A_124 : vector<16x1xi32> to vector<16xi32>
          %gather3A_126 = tpu.dynamic_gather %get3A_110[%gather3A_125] in [0] : vector<16xf32>, vector<16xi32> -> vector<16xf32>
          %get3A_127 = arith.index_cast %scan3A_106 : i32 to index
          %get3A_128 = arith.constant 16 : index
          %get3A_129 = tpu.vector_load %arg18[%get3A_127, %get3A_128] {strides = array<i32>} : memref<128x128xf32, #tpu.memory_space<vmem>>, vector<1x16xf32>,
          %get3A_130 = vector.shape_cast %get3A_129 : vector<1x16xf32> to vector<16xf32>
          %mul3A_131 = arith.mulf %get3A_130, %gather3A_126 : vector<16xf32>
          %swap3A_132 = arith.index_cast %scan3A_106 : i32 to index
          %swap3A_133 = arith.constant 16 : index
          %swap3A_134 = tpu.vector_load %arg18[%swap3A_132, %swap3A_133] {strides = array<i32>} : memref<128x128xf32, #tpu.memory_space<vmem>>, vector<1x16xf32>,
          %swap3A_135 = vector.shape_cast %swap3A_134 : vector<1x16xf32> to vector<16xf32>
          %swap3A_136 = vector.shape_cast %mul3A_131 : vector<16xf32> to vector<1x16xf32>
          tpu.vector_store %arg18[%swap3A_132, %swap3A_133], %swap3A_136 {strides = array<i32>} : memref<128x128xf32, #tpu.memory_space<vmem>>, vector<1x16xf32>,
          %broadcast_in_dim3A_137 = arith.constant 1 : i32
          %broadcast_in_dim3A_138 = vector.broadcast %broadcast_in_dim3A_137 : i32 to vector<16x1xi32>
          %gather3A_139 = vector.shape_cast %broadcast_in_dim3A_138 : vector<16x1xi32> to vector<16xi32>
          %gather3A_140 = tpu.dynamic_gather %get3A_110[%gather3A_139] in [0] : vector<16xf32>, vector<16xi32> -> vector<16xf32>
          %get3A_141 = arith.index_cast %scan3A_106 : i32 to index
          %get3A_142 = arith.constant 32 : index
          %get3A_143 = tpu.vector_load %arg18[%get3A_141, %get3A_142] {strides = array<i32>} : memref<128x128xf32, #tpu.memory_space<vmem>>, vector<1x16xf32>,
          %get3A_144 = vector.shape_cast %get3A_143 : vector<1x16xf32> to vector<16xf32>
          %mul3A_145 = arith.mulf %get3A_144, %gather3A_140 : vector<16xf32>
          %swap3A_146 = arith.index_cast %scan3A_106 : i32 to index
          %swap3A_147 = arith.constant 32 : index
          %swap3A_148 = tpu.vector_load %arg18[%swap3A_146, %swap3A_147] {strides = array<i32>} : memref<128x128xf32, #tpu.memory_space<vmem>>, vector<1x16xf32>,
          %swap3A_149 = vector.shape_cast %swap3A_148 : vector<1x16xf32> to vector<16xf32>
          %swap3A_150 = vector.shape_cast %mul3A_145 : vector<16xf32> to vector<1x16xf32>
          tpu.vector_store %arg18[%swap3A_146, %swap3A_147], %swap3A_150 {strides = array<i32>} : memref<128x128xf32, #tpu.memory_space<vmem>>, vector<1x16xf32>,
          %broadcast_in_dim3A_151 = arith.constant 1 : i32
          %broadcast_in_dim3A_152 = vector.broadcast %broadcast_in_dim3A_151 : i32 to vector<16x1xi32>
          %gather3A_153 = vector.shape_cast %broadcast_in_dim3A_152 : vector<16x1xi32> to vector<16xi32>
          %gather3A_154 = tpu.dynamic_gather %get3A_110[%gather3A_153] in [0] : vector<16xf32>, vector<16xi32> -> vector<16xf32>
          %get3A_155 = arith.index_cast %scan3A_106 : i32 to index
          %get3A_156 = arith.constant 48 : index
          %get3A_157 = tpu.vector_load %arg18[%get3A_155, %get3A_156] {strides = array<i32>} : memref<128x128xf32, #tpu.memory_space<vmem>>, vector<1x16xf32>,
          %get3A_158 = vector.shape_cast %get3A_157 : vector<1x16xf32> to vector<16xf32>
          %mul3A_159 = arith.mulf %get3A_158, %gather3A_154 : vector<16xf32>
          %swap3A_160 = arith.index_cast %scan3A_106 : i32 to index
          %swap3A_161 = arith.constant 48 : index
          %swap3A_162 = tpu.vector_load %arg18[%swap3A_160, %swap3A_161] {strides = array<i32>} : memref<128x128xf32, #tpu.memory_space<vmem>>, vector<1x16xf32>,
          %swap3A_163 = vector.shape_cast %swap3A_162 : vector<1x16xf32> to vector<16xf32>
          %swap3A_164 = vector.shape_cast %mul3A_159 : vector<16xf32> to vector<1x16xf32>
          tpu.vector_store %arg18[%swap3A_160, %swap3A_161], %swap3A_164 {strides = array<i32>} : memref<128x128xf32, #tpu.memory_space<vmem>>, vector<1x16xf32>,
          %broadcast_in_dim3A_165 = arith.constant 2 : i32
          %broadcast_in_dim3A_166 = vector.broadcast %broadcast_in_dim3A_165 : i32 to vector<16x1xi32>
          %gather3A_167 = vector.shape_cast %broadcast_in_dim3A_166 : vector<16x1xi32> to vector<16xi32>
          %gather3A_168 = tpu.dynamic_gather %get3A_110[%gather3A_167] in [0] : vector<16xf32>, vector<16xi32> -> vector<16xf32>
          %get3A_169 = arith.index_cast %scan3A_106 : i32 to index
          %get3A_170 = arith.constant 64 : index
          %get3A_171 = tpu.vector_load %arg18[%get3A_169, %get3A_170] {strides = array<i32>} : memref<128x128xf32, #tpu.memory_space<vmem>>, vector<1x16xf32>,
          %get3A_172 = vector.shape_cast %get3A_171 : vector<1x16xf32> to vector<16xf32>
          %mul3A_173 = arith.mulf %get3A_172, %gather3A_168 : vector<16xf32>
          %swap3A_174 = arith.index_cast %scan3A_106 : i32 to index
          %swap3A_175 = arith.constant 64 : index
          %swap3A_176 = tpu.vector_load %arg18[%swap3A_174, %swap3A_175] {strides = array<i32>} : memref<128x128xf32, #tpu.memory_space<vmem>>, vector<1x16xf32>,
          %swap3A_177 = vector.shape_cast %swap3A_176 : vector<1x16xf32> to vector<16xf32>
          %swap3A_178 = vector.shape_cast %mul3A_173 : vector<16xf32> to vector<1x16xf32>
          tpu.vector_store %arg18[%swap3A_174, %swap3A_175], %swap3A_178 {strides = array<i32>} : memref<128x128xf32, #tpu.memory_space<vmem>>, vector<1x16xf32>,
          %broadcast_in_dim3A_179 = arith.constant 2 : i32
          %broadcast_in_dim3A_180 = vector.broadcast %broadcast_in_dim3A_179 : i32 to vector<16x1xi32>
          %gather3A_181 = vector.shape_cast %broadcast_in_dim3A_180 : vector<16x1xi32> to vector<16xi32>
          %gather3A_182 = tpu.dynamic_gather %get3A_110[%gather3A_181] in [0] : vector<16xf32>, vector<16xi32> -> vector<16xf32>
          %get3A_183 = arith.index_cast %scan3A_106 : i32 to index
          %get3A_184 = arith.constant 80 : index
          %get3A_185 = tpu.vector_load %arg18[%get3A_183, %get3A_184] {strides = array<i32>} : memref<128x128xf32, #tpu.memory_space<vmem>>, vector<1x16xf32>,
          %get3A_186 = vector.shape_cast %get3A_185 : vector<1x16xf32> to vector<16xf32>
          %mul3A_187 = arith.mulf %get3A_186, %gather3A_182 : vector<16xf32>
          %swap3A_188 = arith.index_cast %scan3A_106 : i32 to index
          %swap3A_189 = arith.constant 80 : index
          %swap3A_190 = tpu.vector_load %arg18[%swap3A_188, %swap3A_189] {strides = array<i32>} : memref<128x128xf32, #tpu.memory_space<vmem>>, vector<1x16xf32>,
          %swap3A_191 = vector.shape_cast %swap3A_190 : vector<1x16xf32> to vector<16xf32>
          %swap3A_192 = vector.shape_cast %mul3A_187 : vector<16xf32> to vector<1x16xf32>
          tpu.vector_store %arg18[%swap3A_188, %swap3A_189], %swap3A_192 {strides = array<i32>} : memref<128x128xf32, #tpu.memory_space<vmem>>, vector<1x16xf32>,
          %broadcast_in_dim3A_193 = arith.constant 3 : i32
          %broadcast_in_dim3A_194 = vector.broadcast %broadcast_in_dim3A_193 : i32 to vector<16x1xi32>
          %gather3A_195 = vector.shape_cast %broadcast_in_dim3A_194 : vector<16x1xi32> to vector<16xi32>
          %gather3A_196 = tpu.dynamic_gather %get3A_110[%gather3A_195] in [0] : vector<16xf32>, vector<16xi32> -> vector<16xf32>
          %get3A_197 = arith.index_cast %scan3A_106 : i32 to index
          %get3A_198 = arith.constant 96 : index
          %get3A_199 = tpu.vector_load %arg18[%get3A_197, %get3A_198] {strides = array<i32>} : memref<128x128xf32, #tpu.memory_space<vmem>>, vector<1x16xf32>,
          %get3A_200 = vector.shape_cast %get3A_199 : vector<1x16xf32> to vector<16xf32>
          %mul3A_201 = arith.mulf %get3A_200, %gather3A_196 : vector<16xf32>
          %swap3A_202 = arith.index_cast %scan3A_106 : i32 to index
          %swap3A_203 = arith.constant 96 : index
          %swap3A_204 = tpu.vector_load %arg18[%swap3A_202, %swap3A_203] {strides = array<i32>} : memref<128x128xf32, #tpu.memory_space<vmem>>, vector<1x16xf32>,
          %swap3A_205 = vector.shape_cast %swap3A_204 : vector<1x16xf32> to vector<16xf32>
          %swap3A_206 = vector.shape_cast %mul3A_201 : vector<16xf32> to vector<1x16xf32>
          tpu.vector_store %arg18[%swap3A_202, %swap3A_203], %swap3A_206 {strides = array<i32>} : memref<128x128xf32, #tpu.memory_space<vmem>>, vector<1x16xf32>,
          %broadcast_in_dim3A_207 = arith.constant 3 : i32
          %broadcast_in_dim3A_208 = vector.broadcast %broadcast_in_dim3A_207 : i32 to vector<16x1xi32>
          %gather3A_209 = vector.shape_cast %broadcast_in_dim3A_208 : vector<16x1xi32> to vector<16xi32>
          %gather3A_210 = tpu.dynamic_gather %get3A_110[%gather3A_209] in [0] : vector<16xf32>, vector<16xi32> -> vector<16xf32>
          %get3A_211 = arith.index_cast %scan3A_106 : i32 to index
          %get3A_212 = arith.constant 112 : index
          %get3A_213 = tpu.vector_load %arg18[%get3A_211, %get3A_212] {strides = array<i32>} : memref<128x128xf32, #tpu.memory_space<vmem>>, vector<1x16xf32>,
          %get3A_214 = vector.shape_cast %get3A_213 : vector<1x16xf32> to vector<16xf32>
          %mul3A_215 = arith.mulf %get3A_214, %gather3A_210 : vector<16xf32>
          %swap3A_216 = arith.index_cast %scan3A_106 : i32 to index
          %swap3A_217 = arith.constant 112 : index
          %swap3A_218 = tpu.vector_load %arg18[%swap3A_216, %swap3A_217] {strides = array<i32>} : memref<128x128xf32, #tpu.memory_space<vmem>>, vector<1x16xf32>,
          %swap3A_219 = vector.shape_cast %swap3A_218 : vector<1x16xf32> to vector<16xf32>
          %swap3A_220 = vector.shape_cast %mul3A_215 : vector<16xf32> to vector<1x16xf32>
          tpu.vector_store %arg18[%swap3A_216, %swap3A_217], %swap3A_220 {strides = array<i32>} : memref<128x128xf32, #tpu.memory_space<vmem>>, vector<1x16xf32>,
          %scan3A_221 = arith.constant 0 : i32
          scf.yield %scan3A_221 : i32
        }
        %scan3A_105 = arith.constant 128 : i32
        "tpu.region"() ({
          %run_scoped3A = tpu.sem_alloc : memref<!tpu.dma_semaphore, #tpu.memory_space<semaphore_mem>>
          %dma_start3A_106 = arith.constant 0 : i32
          %dma_start3A_107 = arith.constant 0 : i32
          %dma_start3A_108 = tpu.memref_slice %arg10[%dma_start3A_106, %dma_start3A_107] : memref<10240x128xf32, #tpu.memory_space<vmem_shared>> -> memref<10240x128xf32, #tpu.memory_space<vmem_shared>>
          tpu.enqueue_indirect_dma source(%arg18 : memref<128x128xf32, #tpu.memory_space<vmem>>) target(%dma_start3A_108 : memref<10240x128xf32, #tpu.memory_space<vmem_shared>>) offsets(%arg13 : memref<128xi32, #tpu.memory_space<vmem>>) semaphore(%run_scoped3A : memref<!tpu.dma_semaphore, #tpu.memory_space<semaphore_mem>>) {add = true}
          %dma_wait3A_109 = arith.constant 0 : i32
          %dma_wait3A_110 = arith.constant 0 : i32
          %dma_wait3A_111 = tpu.memref_slice %arg10[%dma_wait3A_109, %dma_wait3A_110] : memref<10240x128xf32, #tpu.memory_space<vmem_shared>> -> memref<10240x128xf32, #tpu.memory_space<vmem_shared>>
          tpu.wait_indirect_dma semaphore(%run_scoped3A : memref<!tpu.dma_semaphore, #tpu.memory_space<semaphore_mem>>) src(%arg18 : memref<128x128xf32, #tpu.memory_space<vmem>>) dst(%dma_wait3A_111 : memref<10240x128xf32, #tpu.memory_space<vmem_shared>>)
          tpu.yield
        }) : () -> ()
      } else {
      }
      %scan3A_55 = arith.constant 0 : i32
      scf.yield %scan3A_55 : i32
    }
    %scan3A_36 = arith.constant 79 : i32
    %barrier3A_37 = arith.constant 0 : index
    tpu.barrier barrier_id(%barrier3A_37)
    %add3A_38 = arith.constant 0 : i32
    %add3A_39 = arith.addi %mul3A_9, %add3A_38 : i32
    "tpu.region"() ({
      %run_scoped3A = tpu.sem_alloc : memref<!tpu.dma_semaphore, #tpu.memory_space<semaphore_mem>>
      %dma_start3A = arith.constant 0 : i32
      %dma_start3A_48 = arith.constant 0 : i32
      %dma_start3A_49 = tpu.memref_slice %arg18[%dma_start3A, %dma_start3A_48] : memref<128x128xf32, #tpu.memory_space<vmem>> -> memref<128x128xf32, #tpu.memory_space<vmem>>
      %dma_start3A_50 = arith.constant 0 : i32
      %dma_start3A_51 = tpu.memref_slice %arg10[%add3A_39, %dma_start3A_50] : memref<10240x128xf32, #tpu.memory_space<vmem_shared>> -> memref<128x128xf32, #tpu.memory_space<vmem_shared>>
      %dma_start3A_52 = arith.constant 0 : i32
      %dma_start3A_53 = arith.constant 0 : i32
      %dma_start3A_54 = tpu.memref_slice %arg18[%dma_start3A_52, %dma_start3A_53] : memref<128x128xf32, #tpu.memory_space<vmem>> -> memref<128x128xf32, #tpu.memory_space<vmem>>
      %dma_start3A_55 = arith.constant 0 : i32
      %dma_start3A_56 = tpu.memref_slice %arg10[%add3A_39, %dma_start3A_55] : memref<10240x128xf32, #tpu.memory_space<vmem_shared>> -> memref<128x128xf32, #tpu.memory_space<vmem_shared>>
      tpu.enqueue_dma source(%dma_start3A_56 : memref<128x128xf32, #tpu.memory_space<vmem_shared>>) target(%dma_start3A_54 : memref<128x128xf32, #tpu.memory_space<vmem>>) target_semaphore(%run_scoped3A : memref<!tpu.dma_semaphore, #tpu.memory_space<semaphore_mem>>)
      %dma_wait3A = arith.constant 0 : i32
      %dma_wait3A_57 = arith.constant 0 : i32
      %dma_wait3A_58 = tpu.memref_slice %arg18[%dma_wait3A, %dma_wait3A_57] : memref<128x128xf32, #tpu.memory_space<vmem>> -> memref<128x128xf32, #tpu.memory_space<vmem>>
      %dma_wait3A_59 = arith.constant 0 : i32
      %dma_wait3A_60 = tpu.memref_slice %arg10[%add3A_39, %dma_wait3A_59] : memref<10240x128xf32, #tpu.memory_space<vmem_shared>> -> memref<128x128xf32, #tpu.memory_space<vmem_shared>>
      %dma_wait3A_61 = arith.constant 0 : i32
      %dma_wait3A_62 = arith.constant 0 : i32
      %dma_wait3A_63 = tpu.memref_slice %arg18[%dma_wait3A_61, %dma_wait3A_62] : memref<128x128xf32, #tpu.memory_space<vmem>> -> memref<128x128xf32, #tpu.memory_space<vmem>>
      %dma_wait3A_64 = arith.constant 0 : i32
      %dma_wait3A_65 = tpu.memref_slice %arg10[%add3A_39, %dma_wait3A_64] : memref<10240x128xf32, #tpu.memory_space<vmem_shared>> -> memref<128x128xf32, #tpu.memory_space<vmem_shared>>
      tpu.wait_dma2 semaphore(%run_scoped3A : memref<!tpu.dma_semaphore, #tpu.memory_space<semaphore_mem>>) src(%dma_wait3A_65 : memref<128x128xf32, #tpu.memory_space<vmem_shared>>) dst(%dma_wait3A_63 : memref<128x128xf32, #tpu.memory_space<vmem>>)
      tpu.yield
    }) : () -> ()
    "tpu.region"() ({
      %run_scoped3A = tpu.sem_alloc : memref<!tpu.dma_semaphore, #tpu.memory_space<semaphore_mem>>
      %dma_start3A = arith.constant 0 : i32
      %dma_start3A_48 = arith.constant 0 : i32
      %dma_start3A_49 = tpu.memref_slice %arg18[%dma_start3A, %dma_start3A_48] : memref<128x128xf32, #tpu.memory_space<vmem>> -> memref<128x128xf32, #tpu.memory_space<vmem>>
      %dma_start3A_50 = arith.constant 0 : i32
      %dma_start3A_51 = tpu.memref_slice %arg8[%arg0, %add3A_39, %dma_start3A_50] : memref<2x10240x128xf32, #tpu.memory_space<hbm>> -> memref<1x128x128xf32, #tpu.memory_space<hbm>>
      %dma_start3A_52 = tpu.memref_squeeze %dma_start3A_51 : memref<1x128x128xf32, #tpu.memory_space<hbm>> -> memref<128x128xf32, #tpu.memory_space<hbm>>
      %dma_start3A_53 = arith.constant 0 : i32
      %dma_start3A_54 = tpu.memref_slice %arg8[%arg0, %add3A_39, %dma_start3A_53] : memref<2x10240x128xf32, #tpu.memory_space<hbm>> -> memref<1x128x128xf32, #tpu.memory_space<hbm>>
      %dma_start3A_55 = tpu.memref_squeeze %dma_start3A_54 : memref<1x128x128xf32, #tpu.memory_space<hbm>> -> memref<128x128xf32, #tpu.memory_space<hbm>>
      %dma_start3A_56 = arith.constant 0 : i32
      %dma_start3A_57 = arith.constant 0 : i32
      %dma_start3A_58 = tpu.memref_slice %arg18[%dma_start3A_56, %dma_start3A_57] : memref<128x128xf32, #tpu.memory_space<vmem>> -> memref<128x128xf32, #tpu.memory_space<vmem>>
      tpu.enqueue_dma source(%dma_start3A_58 : memref<128x128xf32, #tpu.memory_space<vmem>>) target(%dma_start3A_55 : memref<128x128xf32, #tpu.memory_space<hbm>>) target_semaphore(%run_scoped3A : memref<!tpu.dma_semaphore, #tpu.memory_space<semaphore_mem>>)
      %dma_wait3A = arith.constant 0 : i32
      %dma_wait3A_59 = arith.constant 0 : i32
      %dma_wait3A_60 = tpu.memref_slice %arg18[%dma_wait3A, %dma_wait3A_59] : memref<128x128xf32, #tpu.memory_space<vmem>> -> memref<128x128xf32, #tpu.memory_space<vmem>>
      %dma_wait3A_61 = arith.constant 0 : i32
      %dma_wait3A_62 = tpu.memref_slice %arg8[%arg0, %add3A_39, %dma_wait3A_61] : memref<2x10240x128xf32, #tpu.memory_space<hbm>> -> memref<1x128x128xf32, #tpu.memory_space<hbm>>
      %dma_wait3A_63 = tpu.memref_squeeze %dma_wait3A_62 : memref<1x128x128xf32, #tpu.memory_space<hbm>> -> memref<128x128xf32, #tpu.memory_space<hbm>>
      %dma_wait3A_64 = arith.constant 0 : i32
      %dma_wait3A_65 = tpu.memref_slice %arg8[%arg0, %add3A_39, %dma_wait3A_64] : memref<2x10240x128xf32, #tpu.memory_space<hbm>> -> memref<1x128x128xf32, #tpu.memory_space<hbm>>
      %dma_wait3A_66 = tpu.memref_squeeze %dma_wait3A_65 : memref<1x128x128xf32, #tpu.memory_space<hbm>> -> memref<128x128xf32, #tpu.memory_space<hbm>>
      %dma_wait3A_67 = arith.constant 0 : i32
      %dma_wait3A_68 = arith.constant 0 : i32
      %dma_wait3A_69 = tpu.memref_slice %arg18[%dma_wait3A_67, %dma_wait3A_68] : memref<128x128xf32, #tpu.memory_space<vmem>> -> memref<128x128xf32, #tpu.memory_space<vmem>>
      tpu.wait_dma2 semaphore(%run_scoped3A : memref<!tpu.dma_semaphore, #tpu.memory_space<semaphore_mem>>) src(%dma_wait3A_69 : memref<128x128xf32, #tpu.memory_space<vmem>>) dst(%dma_wait3A_66 : memref<128x128xf32, #tpu.memory_space<hbm>>)
      tpu.yield
    }) : () -> ()
    "tpu.region"() ({
      %run_scoped3A = tpu.sem_alloc : memref<!tpu.dma_semaphore, #tpu.memory_space<semaphore_mem>>
      %dma_start3A = arith.constant 0 : i32
      %dma_start3A_48 = arith.constant 0 : i32
      %dma_start3A_49 = tpu.memref_slice %arg17[%dma_start3A, %dma_start3A_48] : memref<128x16xf32, #tpu.memory_space<vmem>> -> memref<128x16xf32, #tpu.memory_space<vmem>>
      %dma_start3A_50 = arith.constant 0 : i32
      %dma_start3A_51 = tpu.memref_slice %arg11[%add3A_39, %dma_start3A_50] : memref<10240x16xf32, #tpu.memory_space<vmem_shared>> -> memref<128x16xf32, #tpu.memory_space<vmem_shared>>
      %dma_start3A_52 = arith.constant 0 : i32
      %dma_start3A_53 = arith.constant 0 : i32
      %dma_start3A_54 = tpu.memref_slice %arg17[%dma_start3A_52, %dma_start3A_53] : memref<128x16xf32, #tpu.memory_space<vmem>> -> memref<128x16xf32, #tpu.memory_space<vmem>>
      %dma_start3A_55 = arith.constant 0 : i32
      %dma_start3A_56 = tpu.memref_slice %arg11[%add3A_39, %dma_start3A_55] : memref<10240x16xf32, #tpu.memory_space<vmem_shared>> -> memref<128x16xf32, #tpu.memory_space<vmem_shared>>
      tpu.enqueue_dma source(%dma_start3A_56 : memref<128x16xf32, #tpu.memory_space<vmem_shared>>) target(%dma_start3A_54 : memref<128x16xf32, #tpu.memory_space<vmem>>) target_semaphore(%run_scoped3A : memref<!tpu.dma_semaphore, #tpu.memory_space<semaphore_mem>>)
      %dma_wait3A = arith.constant 0 : i32
      %dma_wait3A_57 = arith.constant 0 : i32
      %dma_wait3A_58 = tpu.memref_slice %arg17[%dma_wait3A, %dma_wait3A_57] : memref<128x16xf32, #tpu.memory_space<vmem>> -> memref<128x16xf32, #tpu.memory_space<vmem>>
      %dma_wait3A_59 = arith.constant 0 : i32
      %dma_wait3A_60 = tpu.memref_slice %arg11[%add3A_39, %dma_wait3A_59] : memref<10240x16xf32, #tpu.memory_space<vmem_shared>> -> memref<128x16xf32, #tpu.memory_space<vmem_shared>>
      %dma_wait3A_61 = arith.constant 0 : i32
      %dma_wait3A_62 = arith.constant 0 : i32
      %dma_wait3A_63 = tpu.memref_slice %arg17[%dma_wait3A_61, %dma_wait3A_62] : memref<128x16xf32, #tpu.memory_space<vmem>> -> memref<128x16xf32, #tpu.memory_space<vmem>>
      %dma_wait3A_64 = arith.constant 0 : i32
      %dma_wait3A_65 = tpu.memref_slice %arg11[%add3A_39, %dma_wait3A_64] : memref<10240x16xf32, #tpu.memory_space<vmem_shared>> -> memref<128x16xf32, #tpu.memory_space<vmem_shared>>
      tpu.wait_dma2 semaphore(%run_scoped3A : memref<!tpu.dma_semaphore, #tpu.memory_space<semaphore_mem>>) src(%dma_wait3A_65 : memref<128x16xf32, #tpu.memory_space<vmem_shared>>) dst(%dma_wait3A_63 : memref<128x16xf32, #tpu.memory_space<vmem>>)
      tpu.yield
    }) : () -> ()
    "tpu.region"() ({
      %run_scoped3A = tpu.sem_alloc : memref<!tpu.dma_semaphore, #tpu.memory_space<semaphore_mem>>
      %dma_start3A = arith.constant 0 : i32
      %dma_start3A_48 = arith.constant 0 : i32
      %dma_start3A_49 = tpu.memref_slice %arg17[%dma_start3A, %dma_start3A_48] : memref<128x16xf32, #tpu.memory_space<vmem>> -> memref<128x16xf32, #tpu.memory_space<vmem>>
      %dma_start3A_50 = arith.constant 0 : i32
      %dma_start3A_51 = tpu.memref_slice %arg9[%arg0, %add3A_39, %dma_start3A_50] : memref<2x10240x16xf32, #tpu.memory_space<hbm>> -> memref<1x128x16xf32, #tpu.memory_space<hbm>>
      %dma_start3A_52 = tpu.memref_squeeze %dma_start3A_51 : memref<1x128x16xf32, #tpu.memory_space<hbm>> -> memref<128x16xf32, #tpu.memory_space<hbm>>
      %dma_start3A_53 = arith.constant 0 : i32
      %dma_start3A_54 = tpu.memref_slice %arg9[%arg0, %add3A_39, %dma_start3A_53] : memref<2x10240x16xf32, #tpu.memory_space<hbm>> -> memref<1x128x16xf32, #tpu.memory_space<hbm>>
      %dma_start3A_55 = tpu.memref_squeeze %dma_start3A_54 : memref<1x128x16xf32, #tpu.memory_space<hbm>> -> memref<128x16xf32, #tpu.memory_space<hbm>>
      %dma_start3A_56 = arith.constant 0 : i32
      %dma_start3A_57 = arith.constant 0 : i32
      %dma_start3A_58 = tpu.memref_slice %arg17[%dma_start3A_56, %dma_start3A_57] : memref<128x16xf32, #tpu.memory_space<vmem>> -> memref<128x16xf32, #tpu.memory_space<vmem>>
      tpu.enqueue_dma source(%dma_start3A_58 : memref<128x16xf32, #tpu.memory_space<vmem>>) target(%dma_start3A_55 : memref<128x16xf32, #tpu.memory_space<hbm>>) target_semaphore(%run_scoped3A : memref<!tpu.dma_semaphore, #tpu.memory_space<semaphore_mem>>)
      %dma_wait3A = arith.constant 0 : i32
      %dma_wait3A_59 = arith.constant 0 : i32
      %dma_wait3A_60 = tpu.memref_slice %arg17[%dma_wait3A, %dma_wait3A_59] : memref<128x16xf32, #tpu.memory_space<vmem>> -> memref<128x16xf32, #tpu.memory_space<vmem>>
      %dma_wait3A_61 = arith.constant 0 : i32
      %dma_wait3A_62 = tpu.memref_slice %arg9[%arg0, %add3A_39, %dma_wait3A_61] : memref<2x10240x16xf32, #tpu.memory_space<hbm>> -> memref<1x128x16xf32, #tpu.memory_space<hbm>>
      %dma_wait3A_63 = tpu.memref_squeeze %dma_wait3A_62 : memref<1x128x16xf32, #tpu.memory_space<hbm>> -> memref<128x16xf32, #tpu.memory_space<hbm>>
      %dma_wait3A_64 = arith.constant 0 : i32
      %dma_wait3A_65 = tpu.memref_slice %arg9[%arg0, %add3A_39, %dma_wait3A_64] : memref<2x10240x16xf32, #tpu.memory_space<hbm>> -> memref<1x128x16xf32, #tpu.memory_space<hbm>>
      %dma_wait3A_66 = tpu.memref_squeeze %dma_wait3A_65 : memref<1x128x16xf32, #tpu.memory_space<hbm>> -> memref<128x16xf32, #tpu.memory_space<hbm>>
      %dma_wait3A_67 = arith.constant 0 : i32
      %dma_wait3A_68 = arith.constant 0 : i32
      %dma_wait3A_69 = tpu.memref_slice %arg17[%dma_wait3A_67, %dma_wait3A_68] : memref<128x16xf32, #tpu.memory_space<vmem>> -> memref<128x16xf32, #tpu.memory_space<vmem>>
      tpu.wait_dma2 semaphore(%run_scoped3A : memref<!tpu.dma_semaphore, #tpu.memory_space<semaphore_mem>>) src(%dma_wait3A_69 : memref<128x16xf32, #tpu.memory_space<vmem>>) dst(%dma_wait3A_66 : memref<128x16xf32, #tpu.memory_space<hbm>>)
      tpu.yield
    }) : () -> ()
    %add3A_40 = arith.constant 128 : i32
    %add3A_41 = arith.addi %mul3A_9, %add3A_40 : i32
    "tpu.region"() ({
      %run_scoped3A = tpu.sem_alloc : memref<!tpu.dma_semaphore, #tpu.memory_space<semaphore_mem>>
      %dma_start3A = arith.constant 0 : i32
      %dma_start3A_48 = arith.constant 0 : i32
      %dma_start3A_49 = tpu.memref_slice %arg18[%dma_start3A, %dma_start3A_48] : memref<128x128xf32, #tpu.memory_space<vmem>> -> memref<128x128xf32, #tpu.memory_space<vmem>>
      %dma_start3A_50 = arith.constant 0 : i32
      %dma_start3A_51 = tpu.memref_slice %arg10[%add3A_41, %dma_start3A_50] : memref<10240x128xf32, #tpu.memory_space<vmem_shared>> -> memref<128x128xf32, #tpu.memory_space<vmem_shared>>
      %dma_start3A_52 = arith.constant 0 : i32
      %dma_start3A_53 = arith.constant 0 : i32
      %dma_start3A_54 = tpu.memref_slice %arg18[%dma_start3A_52, %dma_start3A_53] : memref<128x128xf32, #tpu.memory_space<vmem>> -> memref<128x128xf32, #tpu.memory_space<vmem>>
      %dma_start3A_55 = arith.constant 0 : i32
      %dma_start3A_56 = tpu.memref_slice %arg10[%add3A_41, %dma_start3A_55] : memref<10240x128xf32, #tpu.memory_space<vmem_shared>> -> memref<128x128xf32, #tpu.memory_space<vmem_shared>>
      tpu.enqueue_dma source(%dma_start3A_56 : memref<128x128xf32, #tpu.memory_space<vmem_shared>>) target(%dma_start3A_54 : memref<128x128xf32, #tpu.memory_space<vmem>>) target_semaphore(%run_scoped3A : memref<!tpu.dma_semaphore, #tpu.memory_space<semaphore_mem>>)
      %dma_wait3A = arith.constant 0 : i32
      %dma_wait3A_57 = arith.constant 0 : i32
      %dma_wait3A_58 = tpu.memref_slice %arg18[%dma_wait3A, %dma_wait3A_57] : memref<128x128xf32, #tpu.memory_space<vmem>> -> memref<128x128xf32, #tpu.memory_space<vmem>>
      %dma_wait3A_59 = arith.constant 0 : i32
      %dma_wait3A_60 = tpu.memref_slice %arg10[%add3A_41, %dma_wait3A_59] : memref<10240x128xf32, #tpu.memory_space<vmem_shared>> -> memref<128x128xf32, #tpu.memory_space<vmem_shared>>
      %dma_wait3A_61 = arith.constant 0 : i32
      %dma_wait3A_62 = arith.constant 0 : i32
      %dma_wait3A_63 = tpu.memref_slice %arg18[%dma_wait3A_61, %dma_wait3A_62] : memref<128x128xf32, #tpu.memory_space<vmem>> -> memref<128x128xf32, #tpu.memory_space<vmem>>
      %dma_wait3A_64 = arith.constant 0 : i32
      %dma_wait3A_65 = tpu.memref_slice %arg10[%add3A_41, %dma_wait3A_64] : memref<10240x128xf32, #tpu.memory_space<vmem_shared>> -> memref<128x128xf32, #tpu.memory_space<vmem_shared>>
      tpu.wait_dma2 semaphore(%run_scoped3A : memref<!tpu.dma_semaphore, #tpu.memory_space<semaphore_mem>>) src(%dma_wait3A_65 : memref<128x128xf32, #tpu.memory_space<vmem_shared>>) dst(%dma_wait3A_63 : memref<128x128xf32, #tpu.memory_space<vmem>>)
      tpu.yield
    }) : () -> ()
    "tpu.region"() ({
      %run_scoped3A = tpu.sem_alloc : memref<!tpu.dma_semaphore, #tpu.memory_space<semaphore_mem>>
      %dma_start3A = arith.constant 0 : i32
      %dma_start3A_48 = arith.constant 0 : i32
      %dma_start3A_49 = tpu.memref_slice %arg18[%dma_start3A, %dma_start3A_48] : memref<128x128xf32, #tpu.memory_space<vmem>> -> memref<128x128xf32, #tpu.memory_space<vmem>>
      %dma_start3A_50 = arith.constant 0 : i32
      %dma_start3A_51 = tpu.memref_slice %arg8[%arg0, %add3A_41, %dma_start3A_50] : memref<2x10240x128xf32, #tpu.memory_space<hbm>> -> memref<1x128x128xf32, #tpu.memory_space<hbm>>
      %dma_start3A_52 = tpu.memref_squeeze %dma_start3A_51 : memref<1x128x128xf32, #tpu.memory_space<hbm>> -> memref<128x128xf32, #tpu.memory_space<hbm>>
      %dma_start3A_53 = arith.constant 0 : i32
      %dma_start3A_54 = tpu.memref_slice %arg8[%arg0, %add3A_41, %dma_start3A_53] : memref<2x10240x128xf32, #tpu.memory_space<hbm>> -> memref<1x128x128xf32, #tpu.memory_space<hbm>>
      %dma_start3A_55 = tpu.memref_squeeze %dma_start3A_54 : memref<1x128x128xf32, #tpu.memory_space<hbm>> -> memref<128x128xf32, #tpu.memory_space<hbm>>
      %dma_start3A_56 = arith.constant 0 : i32
      %dma_start3A_57 = arith.constant 0 : i32
      %dma_start3A_58 = tpu.memref_slice %arg18[%dma_start3A_56, %dma_start3A_57] : memref<128x128xf32, #tpu.memory_space<vmem>> -> memref<128x128xf32, #tpu.memory_space<vmem>>
      tpu.enqueue_dma source(%dma_start3A_58 : memref<128x128xf32, #tpu.memory_space<vmem>>) target(%dma_start3A_55 : memref<128x128xf32, #tpu.memory_space<hbm>>) target_semaphore(%run_scoped3A : memref<!tpu.dma_semaphore, #tpu.memory_space<semaphore_mem>>)
      %dma_wait3A = arith.constant 0 : i32
      %dma_wait3A_59 = arith.constant 0 : i32
      %dma_wait3A_60 = tpu.memref_slice %arg18[%dma_wait3A, %dma_wait3A_59] : memref<128x128xf32, #tpu.memory_space<vmem>> -> memref<128x128xf32, #tpu.memory_space<vmem>>
      %dma_wait3A_61 = arith.constant 0 : i32
      %dma_wait3A_62 = tpu.memref_slice %arg8[%arg0, %add3A_41, %dma_wait3A_61] : memref<2x10240x128xf32, #tpu.memory_space<hbm>> -> memref<1x128x128xf32, #tpu.memory_space<hbm>>
      %dma_wait3A_63 = tpu.memref_squeeze %dma_wait3A_62 : memref<1x128x128xf32, #tpu.memory_space<hbm>> -> memref<128x128xf32, #tpu.memory_space<hbm>>
      %dma_wait3A_64 = arith.constant 0 : i32
      %dma_wait3A_65 = tpu.memref_slice %arg8[%arg0, %add3A_41, %dma_wait3A_64] : memref<2x10240x128xf32, #tpu.memory_space<hbm>> -> memref<1x128x128xf32, #tpu.memory_space<hbm>>
      %dma_wait3A_66 = tpu.memref_squeeze %dma_wait3A_65 : memref<1x128x128xf32, #tpu.memory_space<hbm>> -> memref<128x128xf32, #tpu.memory_space<hbm>>
      %dma_wait3A_67 = arith.constant 0 : i32
      %dma_wait3A_68 = arith.constant 0 : i32
      %dma_wait3A_69 = tpu.memref_slice %arg18[%dma_wait3A_67, %dma_wait3A_68] : memref<128x128xf32, #tpu.memory_space<vmem>> -> memref<128x128xf32, #tpu.memory_space<vmem>>
      tpu.wait_dma2 semaphore(%run_scoped3A : memref<!tpu.dma_semaphore, #tpu.memory_space<semaphore_mem>>) src(%dma_wait3A_69 : memref<128x128xf32, #tpu.memory_space<vmem>>) dst(%dma_wait3A_66 : memref<128x128xf32, #tpu.memory_space<hbm>>)
      tpu.yield
    }) : () -> ()
    "tpu.region"() ({
      %run_scoped3A = tpu.sem_alloc : memref<!tpu.dma_semaphore, #tpu.memory_space<semaphore_mem>>
      %dma_start3A = arith.constant 0 : i32
      %dma_start3A_48 = arith.constant 0 : i32
      %dma_start3A_49 = tpu.memref_slice %arg17[%dma_start3A, %dma_start3A_48] : memref<128x16xf32, #tpu.memory_space<vmem>> -> memref<128x16xf32, #tpu.memory_space<vmem>>
      %dma_start3A_50 = arith.constant 0 : i32
      %dma_start3A_51 = tpu.memref_slice %arg11[%add3A_41, %dma_start3A_50] : memref<10240x16xf32, #tpu.memory_space<vmem_shared>> -> memref<128x16xf32, #tpu.memory_space<vmem_shared>>
      %dma_start3A_52 = arith.constant 0 : i32
      %dma_start3A_53 = arith.constant 0 : i32
      %dma_start3A_54 = tpu.memref_slice %arg17[%dma_start3A_52, %dma_start3A_53] : memref<128x16xf32, #tpu.memory_space<vmem>> -> memref<128x16xf32, #tpu.memory_space<vmem>>
      %dma_start3A_55 = arith.constant 0 : i32
      %dma_start3A_56 = tpu.memref_slice %arg11[%add3A_41, %dma_start3A_55] : memref<10240x16xf32, #tpu.memory_space<vmem_shared>> -> memref<128x16xf32, #tpu.memory_space<vmem_shared>>
      tpu.enqueue_dma source(%dma_start3A_56 : memref<128x16xf32, #tpu.memory_space<vmem_shared>>) target(%dma_start3A_54 : memref<128x16xf32, #tpu.memory_space<vmem>>) target_semaphore(%run_scoped3A : memref<!tpu.dma_semaphore, #tpu.memory_space<semaphore_mem>>)
      %dma_wait3A = arith.constant 0 : i32
      %dma_wait3A_57 = arith.constant 0 : i32
      %dma_wait3A_58 = tpu.memref_slice %arg17[%dma_wait3A, %dma_wait3A_57] : memref<128x16xf32, #tpu.memory_space<vmem>> -> memref<128x16xf32, #tpu.memory_space<vmem>>
      %dma_wait3A_59 = arith.constant 0 : i32
      %dma_wait3A_60 = tpu.memref_slice %arg11[%add3A_41, %dma_wait3A_59] : memref<10240x16xf32, #tpu.memory_space<vmem_shared>> -> memref<128x16xf32, #tpu.memory_space<vmem_shared>>
      %dma_wait3A_61 = arith.constant 0 : i32
      %dma_wait3A_62 = arith.constant 0 : i32
      %dma_wait3A_63 = tpu.memref_slice %arg17[%dma_wait3A_61, %dma_wait3A_62] : memref<128x16xf32, #tpu.memory_space<vmem>> -> memref<128x16xf32, #tpu.memory_space<vmem>>
      %dma_wait3A_64 = arith.constant 0 : i32
      %dma_wait3A_65 = tpu.memref_slice %arg11[%add3A_41, %dma_wait3A_64] : memref<10240x16xf32, #tpu.memory_space<vmem_shared>> -> memref<128x16xf32, #tpu.memory_space<vmem_shared>>
      tpu.wait_dma2 semaphore(%run_scoped3A : memref<!tpu.dma_semaphore, #tpu.memory_space<semaphore_mem>>) src(%dma_wait3A_65 : memref<128x16xf32, #tpu.memory_space<vmem_shared>>) dst(%dma_wait3A_63 : memref<128x16xf32, #tpu.memory_space<vmem>>)
      tpu.yield
    }) : () -> ()
    "tpu.region"() ({
      %run_scoped3A = tpu.sem_alloc : memref<!tpu.dma_semaphore, #tpu.memory_space<semaphore_mem>>
      %dma_start3A = arith.constant 0 : i32
      %dma_start3A_48 = arith.constant 0 : i32
      %dma_start3A_49 = tpu.memref_slice %arg17[%dma_start3A, %dma_start3A_48] : memref<128x16xf32, #tpu.memory_space<vmem>> -> memref<128x16xf32, #tpu.memory_space<vmem>>
      %dma_start3A_50 = arith.constant 0 : i32
      %dma_start3A_51 = tpu.memref_slice %arg9[%arg0, %add3A_41, %dma_start3A_50] : memref<2x10240x16xf32, #tpu.memory_space<hbm>> -> memref<1x128x16xf32, #tpu.memory_space<hbm>>
      %dma_start3A_52 = tpu.memref_squeeze %dma_start3A_51 : memref<1x128x16xf32, #tpu.memory_space<hbm>> -> memref<128x16xf32, #tpu.memory_space<hbm>>
      %dma_start3A_53 = arith.constant 0 : i32
      %dma_start3A_54 = tpu.memref_slice %arg9[%arg0, %add3A_41, %dma_start3A_53] : memref<2x10240x16xf32, #tpu.memory_space<hbm>> -> memref<1x128x16xf32, #tpu.memory_space<hbm>>
      %dma_start3A_55 = tpu.memref_squeeze %dma_start3A_54 : memref<1x128x16xf32, #tpu.memory_space<hbm>> -> memref<128x16xf32, #tpu.memory_space<hbm>>
      %dma_start3A_56 = arith.constant 0 : i32
      %dma_start3A_57 = arith.constant 0 : i32
      %dma_start3A_58 = tpu.memref_slice %arg17[%dma_start3A_56, %dma_start3A_57] : memref<128x16xf32, #tpu.memory_space<vmem>> -> memref<128x16xf32, #tpu.memory_space<vmem>>
      tpu.enqueue_dma source(%dma_start3A_58 : memref<128x16xf32, #tpu.memory_space<vmem>>) target(%dma_start3A_55 : memref<128x16xf32, #tpu.memory_space<hbm>>) target_semaphore(%run_scoped3A : memref<!tpu.dma_semaphore, #tpu.memory_space<semaphore_mem>>)
      %dma_wait3A = arith.constant 0 : i32
      %dma_wait3A_59 = arith.constant 0 : i32
      %dma_wait3A_60 = tpu.memref_slice %arg17[%dma_wait3A, %dma_wait3A_59] : memref<128x16xf32, #tpu.memory_space<vmem>> -> memref<128x16xf32, #tpu.memory_space<vmem>>
      %dma_wait3A_61 = arith.constant 0 : i32
      %dma_wait3A_62 = tpu.memref_slice %arg9[%arg0, %add3A_41, %dma_wait3A_61] : memref<2x10240x16xf32, #tpu.memory_space<hbm>> -> memref<1x128x16xf32, #tpu.memory_space<hbm>>
      %dma_wait3A_63 = tpu.memref_squeeze %dma_wait3A_62 : memref<1x128x16xf32, #tpu.memory_space<hbm>> -> memref<128x16xf32, #tpu.memory_space<hbm>>
      %dma_wait3A_64 = arith.constant 0 : i32
      %dma_wait3A_65 = tpu.memref_slice %arg9[%arg0, %add3A_41, %dma_wait3A_64] : memref<2x10240x16xf32, #tpu.memory_space<hbm>> -> memref<1x128x16xf32, #tpu.memory_space<hbm>>
      %dma_wait3A_66 = tpu.memref_squeeze %dma_wait3A_65 : memref<1x128x16xf32, #tpu.memory_space<hbm>> -> memref<128x16xf32, #tpu.memory_space<hbm>>
      %dma_wait3A_67 = arith.constant 0 : i32
      %dma_wait3A_68 = arith.constant 0 : i32
      %dma_wait3A_69 = tpu.memref_slice %arg17[%dma_wait3A_67, %dma_wait3A_68] : memref<128x16xf32, #tpu.memory_space<vmem>> -> memref<128x16xf32, #tpu.memory_space<vmem>>
      tpu.wait_dma2 semaphore(%run_scoped3A : memref<!tpu.dma_semaphore, #tpu.memory_space<semaphore_mem>>) src(%dma_wait3A_69 : memref<128x16xf32, #tpu.memory_space<vmem>>) dst(%dma_wait3A_66 : memref<128x16xf32, #tpu.memory_space<hbm>>)
      tpu.yield
    }) : () -> ()
    %add3A_42 = arith.constant 256 : i32
    %add3A_43 = arith.addi %mul3A_9, %add3A_42 : i32
    "tpu.region"() ({
      %run_scoped3A = tpu.sem_alloc : memref<!tpu.dma_semaphore, #tpu.memory_space<semaphore_mem>>
      %dma_start3A = arith.constant 0 : i32
      %dma_start3A_48 = arith.constant 0 : i32
      %dma_start3A_49 = tpu.memref_slice %arg18[%dma_start3A, %dma_start3A_48] : memref<128x128xf32, #tpu.memory_space<vmem>> -> memref<128x128xf32, #tpu.memory_space<vmem>>
      %dma_start3A_50 = arith.constant 0 : i32
      %dma_start3A_51 = tpu.memref_slice %arg10[%add3A_43, %dma_start3A_50] : memref<10240x128xf32, #tpu.memory_space<vmem_shared>> -> memref<128x128xf32, #tpu.memory_space<vmem_shared>>
      %dma_start3A_52 = arith.constant 0 : i32
      %dma_start3A_53 = arith.constant 0 : i32
      %dma_start3A_54 = tpu.memref_slice %arg18[%dma_start3A_52, %dma_start3A_53] : memref<128x128xf32, #tpu.memory_space<vmem>> -> memref<128x128xf32, #tpu.memory_space<vmem>>
      %dma_start3A_55 = arith.constant 0 : i32
      %dma_start3A_56 = tpu.memref_slice %arg10[%add3A_43, %dma_start3A_55] : memref<10240x128xf32, #tpu.memory_space<vmem_shared>> -> memref<128x128xf32, #tpu.memory_space<vmem_shared>>
      tpu.enqueue_dma source(%dma_start3A_56 : memref<128x128xf32, #tpu.memory_space<vmem_shared>>) target(%dma_start3A_54 : memref<128x128xf32, #tpu.memory_space<vmem>>) target_semaphore(%run_scoped3A : memref<!tpu.dma_semaphore, #tpu.memory_space<semaphore_mem>>)
      %dma_wait3A = arith.constant 0 : i32
      %dma_wait3A_57 = arith.constant 0 : i32
      %dma_wait3A_58 = tpu.memref_slice %arg18[%dma_wait3A, %dma_wait3A_57] : memref<128x128xf32, #tpu.memory_space<vmem>> -> memref<128x128xf32, #tpu.memory_space<vmem>>
      %dma_wait3A_59 = arith.constant 0 : i32
      %dma_wait3A_60 = tpu.memref_slice %arg10[%add3A_43, %dma_wait3A_59] : memref<10240x128xf32, #tpu.memory_space<vmem_shared>> -> memref<128x128xf32, #tpu.memory_space<vmem_shared>>
      %dma_wait3A_61 = arith.constant 0 : i32
      %dma_wait3A_62 = arith.constant 0 : i32
      %dma_wait3A_63 = tpu.memref_slice %arg18[%dma_wait3A_61, %dma_wait3A_62] : memref<128x128xf32, #tpu.memory_space<vmem>> -> memref<128x128xf32, #tpu.memory_space<vmem>>
      %dma_wait3A_64 = arith.constant 0 : i32
      %dma_wait3A_65 = tpu.memref_slice %arg10[%add3A_43, %dma_wait3A_64] : memref<10240x128xf32, #tpu.memory_space<vmem_shared>> -> memref<128x128xf32, #tpu.memory_space<vmem_shared>>
      tpu.wait_dma2 semaphore(%run_scoped3A : memref<!tpu.dma_semaphore, #tpu.memory_space<semaphore_mem>>) src(%dma_wait3A_65 : memref<128x128xf32, #tpu.memory_space<vmem_shared>>) dst(%dma_wait3A_63 : memref<128x128xf32, #tpu.memory_space<vmem>>)
      tpu.yield
    }) : () -> ()
    "tpu.region"() ({
      %run_scoped3A = tpu.sem_alloc : memref<!tpu.dma_semaphore, #tpu.memory_space<semaphore_mem>>
      %dma_start3A = arith.constant 0 : i32
      %dma_start3A_48 = arith.constant 0 : i32
      %dma_start3A_49 = tpu.memref_slice %arg18[%dma_start3A, %dma_start3A_48] : memref<128x128xf32, #tpu.memory_space<vmem>> -> memref<128x128xf32, #tpu.memory_space<vmem>>
      %dma_start3A_50 = arith.constant 0 : i32
      %dma_start3A_51 = tpu.memref_slice %arg8[%arg0, %add3A_43, %dma_start3A_50] : memref<2x10240x128xf32, #tpu.memory_space<hbm>> -> memref<1x128x128xf32, #tpu.memory_space<hbm>>
      %dma_start3A_52 = tpu.memref_squeeze %dma_start3A_51 : memref<1x128x128xf32, #tpu.memory_space<hbm>> -> memref<128x128xf32, #tpu.memory_space<hbm>>
      %dma_start3A_53 = arith.constant 0 : i32
      %dma_start3A_54 = tpu.memref_slice %arg8[%arg0, %add3A_43, %dma_start3A_53] : memref<2x10240x128xf32, #tpu.memory_space<hbm>> -> memref<1x128x128xf32, #tpu.memory_space<hbm>>
      %dma_start3A_55 = tpu.memref_squeeze %dma_start3A_54 : memref<1x128x128xf32, #tpu.memory_space<hbm>> -> memref<128x128xf32, #tpu.memory_space<hbm>>
      %dma_start3A_56 = arith.constant 0 : i32
      %dma_start3A_57 = arith.constant 0 : i32
      %dma_start3A_58 = tpu.memref_slice %arg18[%dma_start3A_56, %dma_start3A_57] : memref<128x128xf32, #tpu.memory_space<vmem>> -> memref<128x128xf32, #tpu.memory_space<vmem>>
      tpu.enqueue_dma source(%dma_start3A_58 : memref<128x128xf32, #tpu.memory_space<vmem>>) target(%dma_start3A_55 : memref<128x128xf32, #tpu.memory_space<hbm>>) target_semaphore(%run_scoped3A : memref<!tpu.dma_semaphore, #tpu.memory_space<semaphore_mem>>)
      %dma_wait3A = arith.constant 0 : i32
      %dma_wait3A_59 = arith.constant 0 : i32
      %dma_wait3A_60 = tpu.memref_slice %arg18[%dma_wait3A, %dma_wait3A_59] : memref<128x128xf32, #tpu.memory_space<vmem>> -> memref<128x128xf32, #tpu.memory_space<vmem>>
      %dma_wait3A_61 = arith.constant 0 : i32
      %dma_wait3A_62 = tpu.memref_slice %arg8[%arg0, %add3A_43, %dma_wait3A_61] : memref<2x10240x128xf32, #tpu.memory_space<hbm>> -> memref<1x128x128xf32, #tpu.memory_space<hbm>>
      %dma_wait3A_63 = tpu.memref_squeeze %dma_wait3A_62 : memref<1x128x128xf32, #tpu.memory_space<hbm>> -> memref<128x128xf32, #tpu.memory_space<hbm>>
      %dma_wait3A_64 = arith.constant 0 : i32
      %dma_wait3A_65 = tpu.memref_slice %arg8[%arg0, %add3A_43, %dma_wait3A_64] : memref<2x10240x128xf32, #tpu.memory_space<hbm>> -> memref<1x128x128xf32, #tpu.memory_space<hbm>>
      %dma_wait3A_66 = tpu.memref_squeeze %dma_wait3A_65 : memref<1x128x128xf32, #tpu.memory_space<hbm>> -> memref<128x128xf32, #tpu.memory_space<hbm>>
      %dma_wait3A_67 = arith.constant 0 : i32
      %dma_wait3A_68 = arith.constant 0 : i32
      %dma_wait3A_69 = tpu.memref_slice %arg18[%dma_wait3A_67, %dma_wait3A_68] : memref<128x128xf32, #tpu.memory_space<vmem>> -> memref<128x128xf32, #tpu.memory_space<vmem>>
      tpu.wait_dma2 semaphore(%run_scoped3A : memref<!tpu.dma_semaphore, #tpu.memory_space<semaphore_mem>>) src(%dma_wait3A_69 : memref<128x128xf32, #tpu.memory_space<vmem>>) dst(%dma_wait3A_66 : memref<128x128xf32, #tpu.memory_space<hbm>>)
      tpu.yield
    }) : () -> ()
    "tpu.region"() ({
      %run_scoped3A = tpu.sem_alloc : memref<!tpu.dma_semaphore, #tpu.memory_space<semaphore_mem>>
      %dma_start3A = arith.constant 0 : i32
      %dma_start3A_48 = arith.constant 0 : i32
      %dma_start3A_49 = tpu.memref_slice %arg17[%dma_start3A, %dma_start3A_48] : memref<128x16xf32, #tpu.memory_space<vmem>> -> memref<128x16xf32, #tpu.memory_space<vmem>>
      %dma_start3A_50 = arith.constant 0 : i32
      %dma_start3A_51 = tpu.memref_slice %arg11[%add3A_43, %dma_start3A_50] : memref<10240x16xf32, #tpu.memory_space<vmem_shared>> -> memref<128x16xf32, #tpu.memory_space<vmem_shared>>
      %dma_start3A_52 = arith.constant 0 : i32
      %dma_start3A_53 = arith.constant 0 : i32
      %dma_start3A_54 = tpu.memref_slice %arg17[%dma_start3A_52, %dma_start3A_53] : memref<128x16xf32, #tpu.memory_space<vmem>> -> memref<128x16xf32, #tpu.memory_space<vmem>>
      %dma_start3A_55 = arith.constant 0 : i32
      %dma_start3A_56 = tpu.memref_slice %arg11[%add3A_43, %dma_start3A_55] : memref<10240x16xf32, #tpu.memory_space<vmem_shared>> -> memref<128x16xf32, #tpu.memory_space<vmem_shared>>
      tpu.enqueue_dma source(%dma_start3A_56 : memref<128x16xf32, #tpu.memory_space<vmem_shared>>) target(%dma_start3A_54 : memref<128x16xf32, #tpu.memory_space<vmem>>) target_semaphore(%run_scoped3A : memref<!tpu.dma_semaphore, #tpu.memory_space<semaphore_mem>>)
      %dma_wait3A = arith.constant 0 : i32
      %dma_wait3A_57 = arith.constant 0 : i32
      %dma_wait3A_58 = tpu.memref_slice %arg17[%dma_wait3A, %dma_wait3A_57] : memref<128x16xf32, #tpu.memory_space<vmem>> -> memref<128x16xf32, #tpu.memory_space<vmem>>
      %dma_wait3A_59 = arith.constant 0 : i32
      %dma_wait3A_60 = tpu.memref_slice %arg11[%add3A_43, %dma_wait3A_59] : memref<10240x16xf32, #tpu.memory_space<vmem_shared>> -> memref<128x16xf32, #tpu.memory_space<vmem_shared>>
      %dma_wait3A_61 = arith.constant 0 : i32
      %dma_wait3A_62 = arith.constant 0 : i32
      %dma_wait3A_63 = tpu.memref_slice %arg17[%dma_wait3A_61, %dma_wait3A_62] : memref<128x16xf32, #tpu.memory_space<vmem>> -> memref<128x16xf32, #tpu.memory_space<vmem>>
      %dma_wait3A_64 = arith.constant 0 : i32
      %dma_wait3A_65 = tpu.memref_slice %arg11[%add3A_43, %dma_wait3A_64] : memref<10240x16xf32, #tpu.memory_space<vmem_shared>> -> memref<128x16xf32, #tpu.memory_space<vmem_shared>>
      tpu.wait_dma2 semaphore(%run_scoped3A : memref<!tpu.dma_semaphore, #tpu.memory_space<semaphore_mem>>) src(%dma_wait3A_65 : memref<128x16xf32, #tpu.memory_space<vmem_shared>>) dst(%dma_wait3A_63 : memref<128x16xf32, #tpu.memory_space<vmem>>)
      tpu.yield
    }) : () -> ()
    "tpu.region"() ({
      %run_scoped3A = tpu.sem_alloc : memref<!tpu.dma_semaphore, #tpu.memory_space<semaphore_mem>>
      %dma_start3A = arith.constant 0 : i32
      %dma_start3A_48 = arith.constant 0 : i32
      %dma_start3A_49 = tpu.memref_slice %arg17[%dma_start3A, %dma_start3A_48] : memref<128x16xf32, #tpu.memory_space<vmem>> -> memref<128x16xf32, #tpu.memory_space<vmem>>
      %dma_start3A_50 = arith.constant 0 : i32
      %dma_start3A_51 = tpu.memref_slice %arg9[%arg0, %add3A_43, %dma_start3A_50] : memref<2x10240x16xf32, #tpu.memory_space<hbm>> -> memref<1x128x16xf32, #tpu.memory_space<hbm>>
      %dma_start3A_52 = tpu.memref_squeeze %dma_start3A_51 : memref<1x128x16xf32, #tpu.memory_space<hbm>> -> memref<128x16xf32, #tpu.memory_space<hbm>>
      %dma_start3A_53 = arith.constant 0 : i32
      %dma_start3A_54 = tpu.memref_slice %arg9[%arg0, %add3A_43, %dma_start3A_53] : memref<2x10240x16xf32, #tpu.memory_space<hbm>> -> memref<1x128x16xf32, #tpu.memory_space<hbm>>
      %dma_start3A_55 = tpu.memref_squeeze %dma_start3A_54 : memref<1x128x16xf32, #tpu.memory_space<hbm>> -> memref<128x16xf32, #tpu.memory_space<hbm>>
      %dma_start3A_56 = arith.constant 0 : i32
      %dma_start3A_57 = arith.constant 0 : i32
      %dma_start3A_58 = tpu.memref_slice %arg17[%dma_start3A_56, %dma_start3A_57] : memref<128x16xf32, #tpu.memory_space<vmem>> -> memref<128x16xf32, #tpu.memory_space<vmem>>
      tpu.enqueue_dma source(%dma_start3A_58 : memref<128x16xf32, #tpu.memory_space<vmem>>) target(%dma_start3A_55 : memref<128x16xf32, #tpu.memory_space<hbm>>) target_semaphore(%run_scoped3A : memref<!tpu.dma_semaphore, #tpu.memory_space<semaphore_mem>>)
      %dma_wait3A = arith.constant 0 : i32
      %dma_wait3A_59 = arith.constant 0 : i32
      %dma_wait3A_60 = tpu.memref_slice %arg17[%dma_wait3A, %dma_wait3A_59] : memref<128x16xf32, #tpu.memory_space<vmem>> -> memref<128x16xf32, #tpu.memory_space<vmem>>
      %dma_wait3A_61 = arith.constant 0 : i32
      %dma_wait3A_62 = tpu.memref_slice %arg9[%arg0, %add3A_43, %dma_wait3A_61] : memref<2x10240x16xf32, #tpu.memory_space<hbm>> -> memref<1x128x16xf32, #tpu.memory_space<hbm>>
      %dma_wait3A_63 = tpu.memref_squeeze %dma_wait3A_62 : memref<1x128x16xf32, #tpu.memory_space<hbm>> -> memref<128x16xf32, #tpu.memory_space<hbm>>
      %dma_wait3A_64 = arith.constant 0 : i32
      %dma_wait3A_65 = tpu.memref_slice %arg9[%arg0, %add3A_43, %dma_wait3A_64] : memref<2x10240x16xf32, #tpu.memory_space<hbm>> -> memref<1x128x16xf32, #tpu.memory_space<hbm>>
      %dma_wait3A_66 = tpu.memref_squeeze %dma_wait3A_65 : memref<1x128x16xf32, #tpu.memory_space<hbm>> -> memref<128x16xf32, #tpu.memory_space<hbm>>
      %dma_wait3A_67 = arith.constant 0 : i32
      %dma_wait3A_68 = arith.constant 0 : i32
      %dma_wait3A_69 = tpu.memref_slice %arg17[%dma_wait3A_67, %dma_wait3A_68] : memref<128x16xf32, #tpu.memory_space<vmem>> -> memref<128x16xf32, #tpu.memory_space<vmem>>
      tpu.wait_dma2 semaphore(%run_scoped3A : memref<!tpu.dma_semaphore, #tpu.memory_space<semaphore_mem>>) src(%dma_wait3A_69 : memref<128x16xf32, #tpu.memory_space<vmem>>) dst(%dma_wait3A_66 : memref<128x16xf32, #tpu.memory_space<hbm>>)
      tpu.yield
    }) : () -> ()
    %add3A_44 = arith.constant 384 : i32
    %add3A_45 = arith.addi %mul3A_9, %add3A_44 : i32
    "tpu.region"() ({
      %run_scoped3A = tpu.sem_alloc : memref<!tpu.dma_semaphore, #tpu.memory_space<semaphore_mem>>
      %dma_start3A = arith.constant 0 : i32
      %dma_start3A_48 = arith.constant 0 : i32
      %dma_start3A_49 = tpu.memref_slice %arg18[%dma_start3A, %dma_start3A_48] : memref<128x128xf32, #tpu.memory_space<vmem>> -> memref<128x128xf32, #tpu.memory_space<vmem>>
      %dma_start3A_50 = arith.constant 0 : i32
      %dma_start3A_51 = tpu.memref_slice %arg10[%add3A_45, %dma_start3A_50] : memref<10240x128xf32, #tpu.memory_space<vmem_shared>> -> memref<128x128xf32, #tpu.memory_space<vmem_shared>>
      %dma_start3A_52 = arith.constant 0 : i32
      %dma_start3A_53 = arith.constant 0 : i32
      %dma_start3A_54 = tpu.memref_slice %arg18[%dma_start3A_52, %dma_start3A_53] : memref<128x128xf32, #tpu.memory_space<vmem>> -> memref<128x128xf32, #tpu.memory_space<vmem>>
      %dma_start3A_55 = arith.constant 0 : i32
      %dma_start3A_56 = tpu.memref_slice %arg10[%add3A_45, %dma_start3A_55] : memref<10240x128xf32, #tpu.memory_space<vmem_shared>> -> memref<128x128xf32, #tpu.memory_space<vmem_shared>>
      tpu.enqueue_dma source(%dma_start3A_56 : memref<128x128xf32, #tpu.memory_space<vmem_shared>>) target(%dma_start3A_54 : memref<128x128xf32, #tpu.memory_space<vmem>>) target_semaphore(%run_scoped3A : memref<!tpu.dma_semaphore, #tpu.memory_space<semaphore_mem>>)
      %dma_wait3A = arith.constant 0 : i32
      %dma_wait3A_57 = arith.constant 0 : i32
      %dma_wait3A_58 = tpu.memref_slice %arg18[%dma_wait3A, %dma_wait3A_57] : memref<128x128xf32, #tpu.memory_space<vmem>> -> memref<128x128xf32, #tpu.memory_space<vmem>>
      %dma_wait3A_59 = arith.constant 0 : i32
      %dma_wait3A_60 = tpu.memref_slice %arg10[%add3A_45, %dma_wait3A_59] : memref<10240x128xf32, #tpu.memory_space<vmem_shared>> -> memref<128x128xf32, #tpu.memory_space<vmem_shared>>
      %dma_wait3A_61 = arith.constant 0 : i32
      %dma_wait3A_62 = arith.constant 0 : i32
      %dma_wait3A_63 = tpu.memref_slice %arg18[%dma_wait3A_61, %dma_wait3A_62] : memref<128x128xf32, #tpu.memory_space<vmem>> -> memref<128x128xf32, #tpu.memory_space<vmem>>
      %dma_wait3A_64 = arith.constant 0 : i32
      %dma_wait3A_65 = tpu.memref_slice %arg10[%add3A_45, %dma_wait3A_64] : memref<10240x128xf32, #tpu.memory_space<vmem_shared>> -> memref<128x128xf32, #tpu.memory_space<vmem_shared>>
      tpu.wait_dma2 semaphore(%run_scoped3A : memref<!tpu.dma_semaphore, #tpu.memory_space<semaphore_mem>>) src(%dma_wait3A_65 : memref<128x128xf32, #tpu.memory_space<vmem_shared>>) dst(%dma_wait3A_63 : memref<128x128xf32, #tpu.memory_space<vmem>>)
      tpu.yield
    }) : () -> ()
    "tpu.region"() ({
      %run_scoped3A = tpu.sem_alloc : memref<!tpu.dma_semaphore, #tpu.memory_space<semaphore_mem>>
      %dma_start3A = arith.constant 0 : i32
      %dma_start3A_48 = arith.constant 0 : i32
      %dma_start3A_49 = tpu.memref_slice %arg18[%dma_start3A, %dma_start3A_48] : memref<128x128xf32, #tpu.memory_space<vmem>> -> memref<128x128xf32, #tpu.memory_space<vmem>>
      %dma_start3A_50 = arith.constant 0 : i32
      %dma_start3A_51 = tpu.memref_slice %arg8[%arg0, %add3A_45, %dma_start3A_50] : memref<2x10240x128xf32, #tpu.memory_space<hbm>> -> memref<1x128x128xf32, #tpu.memory_space<hbm>>
      %dma_start3A_52 = tpu.memref_squeeze %dma_start3A_51 : memref<1x128x128xf32, #tpu.memory_space<hbm>> -> memref<128x128xf32, #tpu.memory_space<hbm>>
      %dma_start3A_53 = arith.constant 0 : i32
      %dma_start3A_54 = tpu.memref_slice %arg8[%arg0, %add3A_45, %dma_start3A_53] : memref<2x10240x128xf32, #tpu.memory_space<hbm>> -> memref<1x128x128xf32, #tpu.memory_space<hbm>>
      %dma_start3A_55 = tpu.memref_squeeze %dma_start3A_54 : memref<1x128x128xf32, #tpu.memory_space<hbm>> -> memref<128x128xf32, #tpu.memory_space<hbm>>
      %dma_start3A_56 = arith.constant 0 : i32
      %dma_start3A_57 = arith.constant 0 : i32
      %dma_start3A_58 = tpu.memref_slice %arg18[%dma_start3A_56, %dma_start3A_57] : memref<128x128xf32, #tpu.memory_space<vmem>> -> memref<128x128xf32, #tpu.memory_space<vmem>>
      tpu.enqueue_dma source(%dma_start3A_58 : memref<128x128xf32, #tpu.memory_space<vmem>>) target(%dma_start3A_55 : memref<128x128xf32, #tpu.memory_space<hbm>>) target_semaphore(%run_scoped3A : memref<!tpu.dma_semaphore, #tpu.memory_space<semaphore_mem>>)
      %dma_wait3A = arith.constant 0 : i32
      %dma_wait3A_59 = arith.constant 0 : i32
      %dma_wait3A_60 = tpu.memref_slice %arg18[%dma_wait3A, %dma_wait3A_59] : memref<128x128xf32, #tpu.memory_space<vmem>> -> memref<128x128xf32, #tpu.memory_space<vmem>>
      %dma_wait3A_61 = arith.constant 0 : i32
      %dma_wait3A_62 = tpu.memref_slice %arg8[%arg0, %add3A_45, %dma_wait3A_61] : memref<2x10240x128xf32, #tpu.memory_space<hbm>> -> memref<1x128x128xf32, #tpu.memory_space<hbm>>
      %dma_wait3A_63 = tpu.memref_squeeze %dma_wait3A_62 : memref<1x128x128xf32, #tpu.memory_space<hbm>> -> memref<128x128xf32, #tpu.memory_space<hbm>>
      %dma_wait3A_64 = arith.constant 0 : i32
      %dma_wait3A_65 = tpu.memref_slice %arg8[%arg0, %add3A_45, %dma_wait3A_64] : memref<2x10240x128xf32, #tpu.memory_space<hbm>> -> memref<1x128x128xf32, #tpu.memory_space<hbm>>
      %dma_wait3A_66 = tpu.memref_squeeze %dma_wait3A_65 : memref<1x128x128xf32, #tpu.memory_space<hbm>> -> memref<128x128xf32, #tpu.memory_space<hbm>>
      %dma_wait3A_67 = arith.constant 0 : i32
      %dma_wait3A_68 = arith.constant 0 : i32
      %dma_wait3A_69 = tpu.memref_slice %arg18[%dma_wait3A_67, %dma_wait3A_68] : memref<128x128xf32, #tpu.memory_space<vmem>> -> memref<128x128xf32, #tpu.memory_space<vmem>>
      tpu.wait_dma2 semaphore(%run_scoped3A : memref<!tpu.dma_semaphore, #tpu.memory_space<semaphore_mem>>) src(%dma_wait3A_69 : memref<128x128xf32, #tpu.memory_space<vmem>>) dst(%dma_wait3A_66 : memref<128x128xf32, #tpu.memory_space<hbm>>)
      tpu.yield
    }) : () -> ()
    "tpu.region"() ({
      %run_scoped3A = tpu.sem_alloc : memref<!tpu.dma_semaphore, #tpu.memory_space<semaphore_mem>>
      %dma_start3A = arith.constant 0 : i32
      %dma_start3A_48 = arith.constant 0 : i32
      %dma_start3A_49 = tpu.memref_slice %arg17[%dma_start3A, %dma_start3A_48] : memref<128x16xf32, #tpu.memory_space<vmem>> -> memref<128x16xf32, #tpu.memory_space<vmem>>
      %dma_start3A_50 = arith.constant 0 : i32
      %dma_start3A_51 = tpu.memref_slice %arg11[%add3A_45, %dma_start3A_50] : memref<10240x16xf32, #tpu.memory_space<vmem_shared>> -> memref<128x16xf32, #tpu.memory_space<vmem_shared>>
      %dma_start3A_52 = arith.constant 0 : i32
      %dma_start3A_53 = arith.constant 0 : i32
      %dma_start3A_54 = tpu.memref_slice %arg17[%dma_start3A_52, %dma_start3A_53] : memref<128x16xf32, #tpu.memory_space<vmem>> -> memref<128x16xf32, #tpu.memory_space<vmem>>
      %dma_start3A_55 = arith.constant 0 : i32
      %dma_start3A_56 = tpu.memref_slice %arg11[%add3A_45, %dma_start3A_55] : memref<10240x16xf32, #tpu.memory_space<vmem_shared>> -> memref<128x16xf32, #tpu.memory_space<vmem_shared>>
      tpu.enqueue_dma source(%dma_start3A_56 : memref<128x16xf32, #tpu.memory_space<vmem_shared>>) target(%dma_start3A_54 : memref<128x16xf32, #tpu.memory_space<vmem>>) target_semaphore(%run_scoped3A : memref<!tpu.dma_semaphore, #tpu.memory_space<semaphore_mem>>)
      %dma_wait3A = arith.constant 0 : i32
      %dma_wait3A_57 = arith.constant 0 : i32
      %dma_wait3A_58 = tpu.memref_slice %arg17[%dma_wait3A, %dma_wait3A_57] : memref<128x16xf32, #tpu.memory_space<vmem>> -> memref<128x16xf32, #tpu.memory_space<vmem>>
      %dma_wait3A_59 = arith.constant 0 : i32
      %dma_wait3A_60 = tpu.memref_slice %arg11[%add3A_45, %dma_wait3A_59] : memref<10240x16xf32, #tpu.memory_space<vmem_shared>> -> memref<128x16xf32, #tpu.memory_space<vmem_shared>>
      %dma_wait3A_61 = arith.constant 0 : i32
      %dma_wait3A_62 = arith.constant 0 : i32
      %dma_wait3A_63 = tpu.memref_slice %arg17[%dma_wait3A_61, %dma_wait3A_62] : memref<128x16xf32, #tpu.memory_space<vmem>> -> memref<128x16xf32, #tpu.memory_space<vmem>>
      %dma_wait3A_64 = arith.constant 0 : i32
      %dma_wait3A_65 = tpu.memref_slice %arg11[%add3A_45, %dma_wait3A_64] : memref<10240x16xf32, #tpu.memory_space<vmem_shared>> -> memref<128x16xf32, #tpu.memory_space<vmem_shared>>
      tpu.wait_dma2 semaphore(%run_scoped3A : memref<!tpu.dma_semaphore, #tpu.memory_space<semaphore_mem>>) src(%dma_wait3A_65 : memref<128x16xf32, #tpu.memory_space<vmem_shared>>) dst(%dma_wait3A_63 : memref<128x16xf32, #tpu.memory_space<vmem>>)
      tpu.yield
    }) : () -> ()
    "tpu.region"() ({
      %run_scoped3A = tpu.sem_alloc : memref<!tpu.dma_semaphore, #tpu.memory_space<semaphore_mem>>
      %dma_start3A = arith.constant 0 : i32
      %dma_start3A_48 = arith.constant 0 : i32
      %dma_start3A_49 = tpu.memref_slice %arg17[%dma_start3A, %dma_start3A_48] : memref<128x16xf32, #tpu.memory_space<vmem>> -> memref<128x16xf32, #tpu.memory_space<vmem>>
      %dma_start3A_50 = arith.constant 0 : i32
      %dma_start3A_51 = tpu.memref_slice %arg9[%arg0, %add3A_45, %dma_start3A_50] : memref<2x10240x16xf32, #tpu.memory_space<hbm>> -> memref<1x128x16xf32, #tpu.memory_space<hbm>>
      %dma_start3A_52 = tpu.memref_squeeze %dma_start3A_51 : memref<1x128x16xf32, #tpu.memory_space<hbm>> -> memref<128x16xf32, #tpu.memory_space<hbm>>
      %dma_start3A_53 = arith.constant 0 : i32
      %dma_start3A_54 = tpu.memref_slice %arg9[%arg0, %add3A_45, %dma_start3A_53] : memref<2x10240x16xf32, #tpu.memory_space<hbm>> -> memref<1x128x16xf32, #tpu.memory_space<hbm>>
      %dma_start3A_55 = tpu.memref_squeeze %dma_start3A_54 : memref<1x128x16xf32, #tpu.memory_space<hbm>> -> memref<128x16xf32, #tpu.memory_space<hbm>>
      %dma_start3A_56 = arith.constant 0 : i32
      %dma_start3A_57 = arith.constant 0 : i32
      %dma_start3A_58 = tpu.memref_slice %arg17[%dma_start3A_56, %dma_start3A_57] : memref<128x16xf32, #tpu.memory_space<vmem>> -> memref<128x16xf32, #tpu.memory_space<vmem>>
      tpu.enqueue_dma source(%dma_start3A_58 : memref<128x16xf32, #tpu.memory_space<vmem>>) target(%dma_start3A_55 : memref<128x16xf32, #tpu.memory_space<hbm>>) target_semaphore(%run_scoped3A : memref<!tpu.dma_semaphore, #tpu.memory_space<semaphore_mem>>)
      %dma_wait3A = arith.constant 0 : i32
      %dma_wait3A_59 = arith.constant 0 : i32
      %dma_wait3A_60 = tpu.memref_slice %arg17[%dma_wait3A, %dma_wait3A_59] : memref<128x16xf32, #tpu.memory_space<vmem>> -> memref<128x16xf32, #tpu.memory_space<vmem>>
      %dma_wait3A_61 = arith.constant 0 : i32
      %dma_wait3A_62 = tpu.memref_slice %arg9[%arg0, %add3A_45, %dma_wait3A_61] : memref<2x10240x16xf32, #tpu.memory_space<hbm>> -> memref<1x128x16xf32, #tpu.memory_space<hbm>>
      %dma_wait3A_63 = tpu.memref_squeeze %dma_wait3A_62 : memref<1x128x16xf32, #tpu.memory_space<hbm>> -> memref<128x16xf32, #tpu.memory_space<hbm>>
      %dma_wait3A_64 = arith.constant 0 : i32
      %dma_wait3A_65 = tpu.memref_slice %arg9[%arg0, %add3A_45, %dma_wait3A_64] : memref<2x10240x16xf32, #tpu.memory_space<hbm>> -> memref<1x128x16xf32, #tpu.memory_space<hbm>>
      %dma_wait3A_66 = tpu.memref_squeeze %dma_wait3A_65 : memref<1x128x16xf32, #tpu.memory_space<hbm>> -> memref<128x16xf32, #tpu.memory_space<hbm>>
      %dma_wait3A_67 = arith.constant 0 : i32
      %dma_wait3A_68 = arith.constant 0 : i32
      %dma_wait3A_69 = tpu.memref_slice %arg17[%dma_wait3A_67, %dma_wait3A_68] : memref<128x16xf32, #tpu.memory_space<vmem>> -> memref<128x16xf32, #tpu.memory_space<vmem>>
      tpu.wait_dma2 semaphore(%run_scoped3A : memref<!tpu.dma_semaphore, #tpu.memory_space<semaphore_mem>>) src(%dma_wait3A_69 : memref<128x16xf32, #tpu.memory_space<vmem>>) dst(%dma_wait3A_66 : memref<128x16xf32, #tpu.memory_space<hbm>>)
      tpu.yield
    }) : () -> ()
    %add3A_46 = arith.constant 512 : i32
    %add3A_47 = arith.addi %mul3A_9, %add3A_46 : i32
    "tpu.region"() ({
      %run_scoped3A = tpu.sem_alloc : memref<!tpu.dma_semaphore, #tpu.memory_space<semaphore_mem>>
      %dma_start3A = arith.constant 0 : i32
      %dma_start3A_48 = arith.constant 0 : i32
      %dma_start3A_49 = tpu.memref_slice %arg18[%dma_start3A, %dma_start3A_48] : memref<128x128xf32, #tpu.memory_space<vmem>> -> memref<128x128xf32, #tpu.memory_space<vmem>>
      %dma_start3A_50 = arith.constant 0 : i32
      %dma_start3A_51 = tpu.memref_slice %arg10[%add3A_47, %dma_start3A_50] : memref<10240x128xf32, #tpu.memory_space<vmem_shared>> -> memref<128x128xf32, #tpu.memory_space<vmem_shared>>
      %dma_start3A_52 = arith.constant 0 : i32
      %dma_start3A_53 = arith.constant 0 : i32
      %dma_start3A_54 = tpu.memref_slice %arg18[%dma_start3A_52, %dma_start3A_53] : memref<128x128xf32, #tpu.memory_space<vmem>> -> memref<128x128xf32, #tpu.memory_space<vmem>>
      %dma_start3A_55 = arith.constant 0 : i32
      %dma_start3A_56 = tpu.memref_slice %arg10[%add3A_47, %dma_start3A_55] : memref<10240x128xf32, #tpu.memory_space<vmem_shared>> -> memref<128x128xf32, #tpu.memory_space<vmem_shared>>
      tpu.enqueue_dma source(%dma_start3A_56 : memref<128x128xf32, #tpu.memory_space<vmem_shared>>) target(%dma_start3A_54 : memref<128x128xf32, #tpu.memory_space<vmem>>) target_semaphore(%run_scoped3A : memref<!tpu.dma_semaphore, #tpu.memory_space<semaphore_mem>>)
      %dma_wait3A = arith.constant 0 : i32
      %dma_wait3A_57 = arith.constant 0 : i32
      %dma_wait3A_58 = tpu.memref_slice %arg18[%dma_wait3A, %dma_wait3A_57] : memref<128x128xf32, #tpu.memory_space<vmem>> -> memref<128x128xf32, #tpu.memory_space<vmem>>
      %dma_wait3A_59 = arith.constant 0 : i32
      %dma_wait3A_60 = tpu.memref_slice %arg10[%add3A_47, %dma_wait3A_59] : memref<10240x128xf32, #tpu.memory_space<vmem_shared>> -> memref<128x128xf32, #tpu.memory_space<vmem_shared>>
      %dma_wait3A_61 = arith.constant 0 : i32
      %dma_wait3A_62 = arith.constant 0 : i32
      %dma_wait3A_63 = tpu.memref_slice %arg18[%dma_wait3A_61, %dma_wait3A_62] : memref<128x128xf32, #tpu.memory_space<vmem>> -> memref<128x128xf32, #tpu.memory_space<vmem>>
      %dma_wait3A_64 = arith.constant 0 : i32
      %dma_wait3A_65 = tpu.memref_slice %arg10[%add3A_47, %dma_wait3A_64] : memref<10240x128xf32, #tpu.memory_space<vmem_shared>> -> memref<128x128xf32, #tpu.memory_space<vmem_shared>>
      tpu.wait_dma2 semaphore(%run_scoped3A : memref<!tpu.dma_semaphore, #tpu.memory_space<semaphore_mem>>) src(%dma_wait3A_65 : memref<128x128xf32, #tpu.memory_space<vmem_shared>>) dst(%dma_wait3A_63 : memref<128x128xf32, #tpu.memory_space<vmem>>)
      tpu.yield
    }) : () -> ()
    "tpu.region"() ({
      %run_scoped3A = tpu.sem_alloc : memref<!tpu.dma_semaphore, #tpu.memory_space<semaphore_mem>>
      %dma_start3A = arith.constant 0 : i32
      %dma_start3A_48 = arith.constant 0 : i32
      %dma_start3A_49 = tpu.memref_slice %arg18[%dma_start3A, %dma_start3A_48] : memref<128x128xf32, #tpu.memory_space<vmem>> -> memref<128x128xf32, #tpu.memory_space<vmem>>
      %dma_start3A_50 = arith.constant 0 : i32
      %dma_start3A_51 = tpu.memref_slice %arg8[%arg0, %add3A_47, %dma_start3A_50] : memref<2x10240x128xf32, #tpu.memory_space<hbm>> -> memref<1x128x128xf32, #tpu.memory_space<hbm>>
      %dma_start3A_52 = tpu.memref_squeeze %dma_start3A_51 : memref<1x128x128xf32, #tpu.memory_space<hbm>> -> memref<128x128xf32, #tpu.memory_space<hbm>>
      %dma_start3A_53 = arith.constant 0 : i32
      %dma_start3A_54 = tpu.memref_slice %arg8[%arg0, %add3A_47, %dma_start3A_53] : memref<2x10240x128xf32, #tpu.memory_space<hbm>> -> memref<1x128x128xf32, #tpu.memory_space<hbm>>
      %dma_start3A_55 = tpu.memref_squeeze %dma_start3A_54 : memref<1x128x128xf32, #tpu.memory_space<hbm>> -> memref<128x128xf32, #tpu.memory_space<hbm>>
      %dma_start3A_56 = arith.constant 0 : i32
      %dma_start3A_57 = arith.constant 0 : i32
      %dma_start3A_58 = tpu.memref_slice %arg18[%dma_start3A_56, %dma_start3A_57] : memref<128x128xf32, #tpu.memory_space<vmem>> -> memref<128x128xf32, #tpu.memory_space<vmem>>
      tpu.enqueue_dma source(%dma_start3A_58 : memref<128x128xf32, #tpu.memory_space<vmem>>) target(%dma_start3A_55 : memref<128x128xf32, #tpu.memory_space<hbm>>) target_semaphore(%run_scoped3A : memref<!tpu.dma_semaphore, #tpu.memory_space<semaphore_mem>>)
      %dma_wait3A = arith.constant 0 : i32
      %dma_wait3A_59 = arith.constant 0 : i32
      %dma_wait3A_60 = tpu.memref_slice %arg18[%dma_wait3A, %dma_wait3A_59] : memref<128x128xf32, #tpu.memory_space<vmem>> -> memref<128x128xf32, #tpu.memory_space<vmem>>
      %dma_wait3A_61 = arith.constant 0 : i32
      %dma_wait3A_62 = tpu.memref_slice %arg8[%arg0, %add3A_47, %dma_wait3A_61] : memref<2x10240x128xf32, #tpu.memory_space<hbm>> -> memref<1x128x128xf32, #tpu.memory_space<hbm>>
      %dma_wait3A_63 = tpu.memref_squeeze %dma_wait3A_62 : memref<1x128x128xf32, #tpu.memory_space<hbm>> -> memref<128x128xf32, #tpu.memory_space<hbm>>
      %dma_wait3A_64 = arith.constant 0 : i32
      %dma_wait3A_65 = tpu.memref_slice %arg8[%arg0, %add3A_47, %dma_wait3A_64] : memref<2x10240x128xf32, #tpu.memory_space<hbm>> -> memref<1x128x128xf32, #tpu.memory_space<hbm>>
      %dma_wait3A_66 = tpu.memref_squeeze %dma_wait3A_65 : memref<1x128x128xf32, #tpu.memory_space<hbm>> -> memref<128x128xf32, #tpu.memory_space<hbm>>
      %dma_wait3A_67 = arith.constant 0 : i32
      %dma_wait3A_68 = arith.constant 0 : i32
      %dma_wait3A_69 = tpu.memref_slice %arg18[%dma_wait3A_67, %dma_wait3A_68] : memref<128x128xf32, #tpu.memory_space<vmem>> -> memref<128x128xf32, #tpu.memory_space<vmem>>
      tpu.wait_dma2 semaphore(%run_scoped3A : memref<!tpu.dma_semaphore, #tpu.memory_space<semaphore_mem>>) src(%dma_wait3A_69 : memref<128x128xf32, #tpu.memory_space<vmem>>) dst(%dma_wait3A_66 : memref<128x128xf32, #tpu.memory_space<hbm>>)
      tpu.yield
    }) : () -> ()
    "tpu.region"() ({
      %run_scoped3A = tpu.sem_alloc : memref<!tpu.dma_semaphore, #tpu.memory_space<semaphore_mem>>
      %dma_start3A = arith.constant 0 : i32
      %dma_start3A_48 = arith.constant 0 : i32
      %dma_start3A_49 = tpu.memref_slice %arg17[%dma_start3A, %dma_start3A_48] : memref<128x16xf32, #tpu.memory_space<vmem>> -> memref<128x16xf32, #tpu.memory_space<vmem>>
      %dma_start3A_50 = arith.constant 0 : i32
      %dma_start3A_51 = tpu.memref_slice %arg11[%add3A_47, %dma_start3A_50] : memref<10240x16xf32, #tpu.memory_space<vmem_shared>> -> memref<128x16xf32, #tpu.memory_space<vmem_shared>>
      %dma_start3A_52 = arith.constant 0 : i32
      %dma_start3A_53 = arith.constant 0 : i32
      %dma_start3A_54 = tpu.memref_slice %arg17[%dma_start3A_52, %dma_start3A_53] : memref<128x16xf32, #tpu.memory_space<vmem>> -> memref<128x16xf32, #tpu.memory_space<vmem>>
      %dma_start3A_55 = arith.constant 0 : i32
      %dma_start3A_56 = tpu.memref_slice %arg11[%add3A_47, %dma_start3A_55] : memref<10240x16xf32, #tpu.memory_space<vmem_shared>> -> memref<128x16xf32, #tpu.memory_space<vmem_shared>>
      tpu.enqueue_dma source(%dma_start3A_56 : memref<128x16xf32, #tpu.memory_space<vmem_shared>>) target(%dma_start3A_54 : memref<128x16xf32, #tpu.memory_space<vmem>>) target_semaphore(%run_scoped3A : memref<!tpu.dma_semaphore, #tpu.memory_space<semaphore_mem>>)
      %dma_wait3A = arith.constant 0 : i32
      %dma_wait3A_57 = arith.constant 0 : i32
      %dma_wait3A_58 = tpu.memref_slice %arg17[%dma_wait3A, %dma_wait3A_57] : memref<128x16xf32, #tpu.memory_space<vmem>> -> memref<128x16xf32, #tpu.memory_space<vmem>>
      %dma_wait3A_59 = arith.constant 0 : i32
      %dma_wait3A_60 = tpu.memref_slice %arg11[%add3A_47, %dma_wait3A_59] : memref<10240x16xf32, #tpu.memory_space<vmem_shared>> -> memref<128x16xf32, #tpu.memory_space<vmem_shared>>
      %dma_wait3A_61 = arith.constant 0 : i32
      %dma_wait3A_62 = arith.constant 0 : i32
      %dma_wait3A_63 = tpu.memref_slice %arg17[%dma_wait3A_61, %dma_wait3A_62] : memref<128x16xf32, #tpu.memory_space<vmem>> -> memref<128x16xf32, #tpu.memory_space<vmem>>
      %dma_wait3A_64 = arith.constant 0 : i32
      %dma_wait3A_65 = tpu.memref_slice %arg11[%add3A_47, %dma_wait3A_64] : memref<10240x16xf32, #tpu.memory_space<vmem_shared>> -> memref<128x16xf32, #tpu.memory_space<vmem_shared>>
      tpu.wait_dma2 semaphore(%run_scoped3A : memref<!tpu.dma_semaphore, #tpu.memory_space<semaphore_mem>>) src(%dma_wait3A_65 : memref<128x16xf32, #tpu.memory_space<vmem_shared>>) dst(%dma_wait3A_63 : memref<128x16xf32, #tpu.memory_space<vmem>>)
      tpu.yield
    }) : () -> ()
    "tpu.region"() ({
      %run_scoped3A = tpu.sem_alloc : memref<!tpu.dma_semaphore, #tpu.memory_space<semaphore_mem>>
      %dma_start3A = arith.constant 0 : i32
      %dma_start3A_48 = arith.constant 0 : i32
      %dma_start3A_49 = tpu.memref_slice %arg17[%dma_start3A, %dma_start3A_48] : memref<128x16xf32, #tpu.memory_space<vmem>> -> memref<128x16xf32, #tpu.memory_space<vmem>>
      %dma_start3A_50 = arith.constant 0 : i32
      %dma_start3A_51 = tpu.memref_slice %arg9[%arg0, %add3A_47, %dma_start3A_50] : memref<2x10240x16xf32, #tpu.memory_space<hbm>> -> memref<1x128x16xf32, #tpu.memory_space<hbm>>
      %dma_start3A_52 = tpu.memref_squeeze %dma_start3A_51 : memref<1x128x16xf32, #tpu.memory_space<hbm>> -> memref<128x16xf32, #tpu.memory_space<hbm>>
      %dma_start3A_53 = arith.constant 0 : i32
      %dma_start3A_54 = tpu.memref_slice %arg9[%arg0, %add3A_47, %dma_start3A_53] : memref<2x10240x16xf32, #tpu.memory_space<hbm>> -> memref<1x128x16xf32, #tpu.memory_space<hbm>>
      %dma_start3A_55 = tpu.memref_squeeze %dma_start3A_54 : memref<1x128x16xf32, #tpu.memory_space<hbm>> -> memref<128x16xf32, #tpu.memory_space<hbm>>
      %dma_start3A_56 = arith.constant 0 : i32
      %dma_start3A_57 = arith.constant 0 : i32
      %dma_start3A_58 = tpu.memref_slice %arg17[%dma_start3A_56, %dma_start3A_57] : memref<128x16xf32, #tpu.memory_space<vmem>> -> memref<128x16xf32, #tpu.memory_space<vmem>>
      tpu.enqueue_dma source(%dma_start3A_58 : memref<128x16xf32, #tpu.memory_space<vmem>>) target(%dma_start3A_55 : memref<128x16xf32, #tpu.memory_space<hbm>>) target_semaphore(%run_scoped3A : memref<!tpu.dma_semaphore, #tpu.memory_space<semaphore_mem>>)
      %dma_wait3A = arith.constant 0 : i32
      %dma_wait3A_59 = arith.constant 0 : i32
      %dma_wait3A_60 = tpu.memref_slice %arg17[%dma_wait3A, %dma_wait3A_59] : memref<128x16xf32, #tpu.memory_space<vmem>> -> memref<128x16xf32, #tpu.memory_space<vmem>>
      %dma_wait3A_61 = arith.constant 0 : i32
      %dma_wait3A_62 = tpu.memref_slice %arg9[%arg0, %add3A_47, %dma_wait3A_61] : memref<2x10240x16xf32, #tpu.memory_space<hbm>> -> memref<1x128x16xf32, #tpu.memory_space<hbm>>
      %dma_wait3A_63 = tpu.memref_squeeze %dma_wait3A_62 : memref<1x128x16xf32, #tpu.memory_space<hbm>> -> memref<128x16xf32, #tpu.memory_space<hbm>>
      %dma_wait3A_64 = arith.constant 0 : i32
      %dma_wait3A_65 = tpu.memref_slice %arg9[%arg0, %add3A_47, %dma_wait3A_64] : memref<2x10240x16xf32, #tpu.memory_space<hbm>> -> memref<1x128x16xf32, #tpu.memory_space<hbm>>
      %dma_wait3A_66 = tpu.memref_squeeze %dma_wait3A_65 : memref<1x128x16xf32, #tpu.memory_space<hbm>> -> memref<128x16xf32, #tpu.memory_space<hbm>>
      %dma_wait3A_67 = arith.constant 0 : i32
      %dma_wait3A_68 = arith.constant 0 : i32
      %dma_wait3A_69 = tpu.memref_slice %arg17[%dma_wait3A_67, %dma_wait3A_68] : memref<128x16xf32, #tpu.memory_space<vmem>> -> memref<128x16xf32, #tpu.memory_space<vmem>>
      tpu.wait_dma2 semaphore(%run_scoped3A : memref<!tpu.dma_semaphore, #tpu.memory_space<semaphore_mem>>) src(%dma_wait3A_69 : memref<128x16xf32, #tpu.memory_space<vmem>>) dst(%dma_wait3A_66 : memref<128x16xf32, #tpu.memory_space<hbm>>)
      tpu.yield
    }) : () -> ()
    return
  }
}

module attributes {stable_mosaic.version = 14 : i64} {
  func.func @body(%arg0: i32, %arg1: memref<1000x128xf32, #tpu.memory_space<vmem>>, %arg2: memref<128x128xf32, #tpu.memory_space<vmem>>, %arg3: memref<128x16xf32, #tpu.memory_space<vmem>>, %arg4: memref<128x16xf32, #tpu.memory_space<vmem>>, %arg5: memref<1000x128xf32, #tpu.memory_space<vmem>>, %arg6: memref<1000x16xf32, #tpu.memory_space<vmem>>, %arg7: memref<1000x16xf32, #tpu.memory_space<vmem>>) attributes {dimension_semantics = [#tpu.dimension_semantics<arbitrary>], iteration_bounds = array<i64: 10>, scalar_prefetch = 0 : i64, scratch_operands = 0 : i64, tpu.core_type = #tpu.core_type<tc>, window_params = [{transform_indices = @transform_0, window_bounds = array<i64: 1000, 128>}, {pipeline_mode = #tpu.pipeline_mode<synchronous>, transform_indices = @transform_1, window_bounds = array<i64: 128, 128>}, {pipeline_mode = #tpu.pipeline_mode<synchronous>, transform_indices = @transform_2, window_bounds = array<i64: 128, 16>}, {pipeline_mode = #tpu.pipeline_mode<synchronous>, transform_indices = @transform_3, window_bounds = array<i64: 128, 16>}, {transform_indices = @transform_4, window_bounds = array<i64: 1000, 128>}, {transform_indices = @transform_5, window_bounds = array<i64: 1000, 16>}, {transform_indices = @transform_6, window_bounds = array<i64: 1000, 16>}]} {
    %get3A = arith.constant 0 : index
    %get3A_0 = arith.constant 0 : index
    %get3A_1 = vector.load %arg1[%get3A, %get3A_0] : memref<1000x128xf32, #tpu.memory_space<vmem>>, vector<1000x128xf32>
    %get3A_2 = arith.constant 0 : index
    %get3A_3 = arith.constant 0 : index
    %get3A_4 = vector.load %arg2[%get3A_2, %get3A_3] : memref<128x128xf32, #tpu.memory_space<vmem>>, vector<128x128xf32>
    %dot_general3A = arith.constant dense<0.000000e+00> : vector<1000x128xf32>
    %dot_general3A_5 = tpu.matmul %get3A_1, %get3A_4, %dot_general3A {dimension_numbers = #tpu.dot_dimension_numbers<[1], [0], [0], [1], [0, 0, 1, 1], [], []>, transpose_lhs_hint = false} : vector<1000x128xf32>, vector<128x128xf32>, vector<1000x128xf32> -> vector<1000x128xf32>
    %swap3A = arith.constant 0 : index
    %swap3A_6 = arith.constant 0 : index
    %swap3A_7 = vector.load %arg5[%swap3A, %swap3A_6] : memref<1000x128xf32, #tpu.memory_space<vmem>>, vector<1000x128xf32>
    tpu.vector_store %arg5[%swap3A, %swap3A_6], %dot_general3A_5 {strides = array<i32>} : memref<1000x128xf32, #tpu.memory_space<vmem>>, vector<1000x128xf32>,
    %get3A_8 = arith.constant 0 : index
    %get3A_9 = arith.constant 0 : index
    %get3A_10 = vector.load %arg3[%get3A_8, %get3A_9] : memref<128x16xf32, #tpu.memory_space<vmem>>, vector<128x16xf32>
    %dot_general3A_11 = arith.constant dense<0.000000e+00> : vector<1000x16xf32>
    %dot_general3A_12 = tpu.matmul %dot_general3A_5, %get3A_10, %dot_general3A_11 {dimension_numbers = #tpu.dot_dimension_numbers<[1], [0], [0], [1], [0, 0, 1, 1], [], []>, transpose_lhs_hint = false} : vector<1000x128xf32>, vector<128x16xf32>, vector<1000x16xf32> -> vector<1000x16xf32>
    %swap3A_13 = arith.constant 0 : index
    %swap3A_14 = arith.constant 0 : index
    %swap3A_15 = vector.load %arg6[%swap3A_13, %swap3A_14] : memref<1000x16xf32, #tpu.memory_space<vmem>>, vector<1000x16xf32>
    tpu.vector_store %arg6[%swap3A_13, %swap3A_14], %dot_general3A_12 {strides = array<i32>} : memref<1000x16xf32, #tpu.memory_space<vmem>>, vector<1000x16xf32>,
    %get3A_16 = arith.constant 0 : index
    %get3A_17 = arith.constant 0 : index
    %get3A_18 = vector.load %arg4[%get3A_16, %get3A_17] : memref<128x16xf32, #tpu.memory_space<vmem>>, vector<128x16xf32>
    %dot_general3A_19 = arith.constant dense<0.000000e+00> : vector<1000x16xf32>
    %dot_general3A_20 = tpu.matmul %dot_general3A_5, %get3A_18, %dot_general3A_19 {dimension_numbers = #tpu.dot_dimension_numbers<[1], [0], [0], [1], [0, 0, 1, 1], [], []>, transpose_lhs_hint = false} : vector<1000x128xf32>, vector<128x16xf32>, vector<1000x16xf32> -> vector<1000x16xf32>
    %swap3A_21 = arith.constant 0 : index
    %swap3A_22 = arith.constant 0 : index
    %swap3A_23 = vector.load %arg7[%swap3A_21, %swap3A_22] : memref<1000x16xf32, #tpu.memory_space<vmem>>, vector<1000x16xf32>
    tpu.vector_store %arg7[%swap3A_21, %swap3A_22], %dot_general3A_20 {strides = array<i32>} : memref<1000x16xf32, #tpu.memory_space<vmem>>, vector<1000x16xf32>,
    return
  }
  func.func @transform_0(%arg0: i32) -> (i32, i32) {
    %c0_i32 = arith.constant 0 : i32
    %c0_i32_0 = arith.constant 0 : i32
    return %arg0, %c0_i32 : i32, i32
  }
  func.func @transform_1(%arg0: i32) -> (i32, i32) {
    %c0_i32 = arith.constant 0 : i32
    %c0_i32_0 = arith.constant 0 : i32
    %c0_i32_1 = arith.constant 0 : i32
    return %c0_i32, %c0_i32_0 : i32, i32
  }
  func.func @transform_2(%arg0: i32) -> (i32, i32) {
    %c0_i32 = arith.constant 0 : i32
    %c0_i32_0 = arith.constant 0 : i32
    %c0_i32_1 = arith.constant 0 : i32
    return %c0_i32, %c0_i32_0 : i32, i32
  }
  func.func @transform_3(%arg0: i32) -> (i32, i32) {
    %c0_i32 = arith.constant 0 : i32
    %c0_i32_0 = arith.constant 0 : i32
    %c0_i32_1 = arith.constant 0 : i32
    return %c0_i32, %c0_i32_0 : i32, i32
  }
  func.func @transform_4(%arg0: i32) -> (i32, i32) {
    %c0_i32 = arith.constant 0 : i32
    %c0_i32_0 = arith.constant 0 : i32
    return %arg0, %c0_i32 : i32, i32
  }
  func.func @transform_5(%arg0: i32) -> (i32, i32) {
    %c0_i32 = arith.constant 0 : i32
    %c0_i32_0 = arith.constant 0 : i32
    return %arg0, %c0_i32 : i32, i32
  }
  func.func @transform_6(%arg0: i32) -> (i32, i32) {
    %c0_i32 = arith.constant 0 : i32
    %c0_i32_0 = arith.constant 0 : i32
    return %arg0, %c0_i32 : i32, i32
  }
}

module attributes {stable_mosaic.version = 14 : i64} {
  func.func @body(%arg0: i32, %arg1: memref<4000x128xf32, #tpu.memory_space<vmem>>, %arg2: memref<128x128xf32, #tpu.memory_space<vmem>>, %arg3: memref<4000x128xf32, #tpu.memory_space<vmem>>) attributes {dimension_semantics = [#tpu.dimension_semantics<arbitrary>], iteration_bounds = array<i64: 10>, scalar_prefetch = 0 : i64, scratch_operands = 0 : i64, tpu.core_type = #tpu.core_type<tc>, window_params = [{transform_indices = @transform_0, window_bounds = array<i64: 4000, 128>}, {pipeline_mode = #tpu.pipeline_mode<synchronous>, transform_indices = @transform_1, window_bounds = array<i64: 128, 128>}, {transform_indices = @transform_2, window_bounds = array<i64: 4000, 128>}]} {
    %get3A = arith.constant 0 : index
    %get3A_0 = arith.constant 0 : index
    %get3A_1 = vector.load %arg1[%get3A, %get3A_0] : memref<4000x128xf32, #tpu.memory_space<vmem>>, vector<4000x128xf32>
    %get3A_2 = arith.constant 0 : index
    %get3A_3 = arith.constant 0 : index
    %get3A_4 = vector.load %arg2[%get3A_2, %get3A_3] : memref<128x128xf32, #tpu.memory_space<vmem>>, vector<128x128xf32>
    %dot_general3A = arith.constant dense<0.000000e+00> : vector<4000x128xf32>
    %dot_general3A_5 = tpu.matmul %get3A_1, %get3A_4, %dot_general3A {dimension_numbers = #tpu.dot_dimension_numbers<[1], [0], [0], [1], [0, 0, 1, 1], [], []>, transpose_lhs_hint = false} : vector<4000x128xf32>, vector<128x128xf32>, vector<4000x128xf32> -> vector<4000x128xf32>
    %swap3A = arith.constant 0 : index
    %swap3A_6 = arith.constant 0 : index
    %swap3A_7 = vector.load %arg3[%swap3A, %swap3A_6] : memref<4000x128xf32, #tpu.memory_space<vmem>>, vector<4000x128xf32>
    tpu.vector_store %arg3[%swap3A, %swap3A_6], %dot_general3A_5 {strides = array<i32>} : memref<4000x128xf32, #tpu.memory_space<vmem>>, vector<4000x128xf32>,
    return
  }
  func.func @transform_0(%arg0: i32) -> (i32, i32) {
    %c0_i32 = arith.constant 0 : i32
    %c0_i32_0 = arith.constant 0 : i32
    return %arg0, %c0_i32 : i32, i32
  }
  func.func @transform_1(%arg0: i32) -> (i32, i32) {
    %c0_i32 = arith.constant 0 : i32
    %c0_i32_0 = arith.constant 0 : i32
    %c0_i32_1 = arith.constant 0 : i32
    return %c0_i32, %c0_i32_0 : i32, i32
  }
  func.func @transform_2(%arg0: i32) -> (i32, i32) {
    %c0_i32 = arith.constant 0 : i32
    %c0_i32_0 = arith.constant 0 : i32
    return %arg0, %c0_i32 : i32, i32
  }
}

module attributes {stable_mosaic.version = 14 : i64} {
  func.func @body(%arg0: i32, %arg1: memref<2x1000x128xf32, #tpu.memory_space<vmem>>, %arg2: memref<2x1000x16xf32, #tpu.memory_space<vmem>>, %arg3: memref<1x128xf32, #tpu.memory_space<vmem>>, %arg4: memref<512x128xf32, #tpu.memory_space<vmem>>, %arg5: memref<1x512xf32, #tpu.memory_space<vmem>>, %arg6: memref<16x128xf32, #tpu.memory_space<vmem>>, %arg7: memref<1x128xf32, #tpu.memory_space<vmem>>, %arg8: memref<1x128xf32, #tpu.memory_space<vmem>>, %arg9: memref<1000x128xf32, #tpu.memory_space<vmem>>, %arg10: memref<1000x128xf32, #tpu.memory_space<vmem>>, %arg11: memref<1000x128xf32, #tpu.memory_space<vmem>>) attributes {dimension_semantics = [#tpu.dimension_semantics<arbitrary>], iteration_bounds = array<i64: 10>, scalar_prefetch = 0 : i64, scratch_operands = 0 : i64, tpu.core_type = #tpu.core_type<tc>, window_params = [{transform_indices = @transform_0, window_bounds = array<i64: 2, 1000, 128>}, {transform_indices = @transform_1, window_bounds = array<i64: 2, 1000, 16>}, {pipeline_mode = #tpu.pipeline_mode<synchronous>, transform_indices = @transform_2, window_bounds = array<i64: 1, 128>}, {pipeline_mode = #tpu.pipeline_mode<synchronous>, transform_indices = @transform_3, window_bounds = array<i64: 512, 128>}, {pipeline_mode = #tpu.pipeline_mode<synchronous>, transform_indices = @transform_4, window_bounds = array<i64: 1, 512>}, {pipeline_mode = #tpu.pipeline_mode<synchronous>, transform_indices = @transform_5, window_bounds = array<i64: 16, 128>}, {pipeline_mode = #tpu.pipeline_mode<synchronous>, transform_indices = @transform_6, window_bounds = array<i64: 1, 128>}, {pipeline_mode = #tpu.pipeline_mode<synchronous>, transform_indices = @transform_7, window_bounds = array<i64: 1, 128>}, {transform_indices = @transform_8, window_bounds = array<i64: 1000, 128>}, {transform_indices = @transform_9, window_bounds = array<i64: 1000, 128>}, {transform_indices = @transform_10, window_bounds = array<i64: 1000, 128>}]} {
    %get3A = arith.constant 0 : index
    %get3A_0 = arith.constant 0 : index
    %get3A_1 = arith.constant 0 : index
    %get3A_2 = vector.load %arg1[%get3A, %get3A_0, %get3A_1] : memref<2x1000x128xf32, #tpu.memory_space<vmem>>, vector<1x1000x128xf32>
    %get3A_3 = vector.shape_cast %get3A_2 : vector<1x1000x128xf32> to vector<1000x128xf32>
    %get3A_4 = arith.constant 1 : index
    %get3A_5 = arith.constant 0 : index
    %get3A_6 = arith.constant 0 : index
    %get3A_7 = vector.load %arg1[%get3A_4, %get3A_5, %get3A_6] : memref<2x1000x128xf32, #tpu.memory_space<vmem>>, vector<1x1000x128xf32>
    %get3A_8 = vector.shape_cast %get3A_7 : vector<1x1000x128xf32> to vector<1000x128xf32>
    %add3A = arith.addf %get3A_3, %get3A_8 : vector<1000x128xf32>
    %get3A_9 = arith.constant 0 : index
    %get3A_10 = arith.constant 0 : index
    %get3A_11 = arith.constant 0 : index
    %get3A_12 = vector.load %arg2[%get3A_9, %get3A_10, %get3A_11] : memref<2x1000x16xf32, #tpu.memory_space<vmem>>, vector<1x1000x16xf32>
    %get3A_13 = vector.shape_cast %get3A_12 : vector<1x1000x16xf32> to vector<1000x16xf32>
    %get3A_14 = arith.constant 1 : index
    %get3A_15 = arith.constant 0 : index
    %get3A_16 = arith.constant 0 : index
    %get3A_17 = vector.load %arg2[%get3A_14, %get3A_15, %get3A_16] : memref<2x1000x16xf32, #tpu.memory_space<vmem>>, vector<1x1000x16xf32>
    %get3A_18 = vector.shape_cast %get3A_17 : vector<1x1000x16xf32> to vector<1000x16xf32>
    %add3A_19 = arith.addf %get3A_13, %get3A_18 : vector<1000x16xf32>
    %get3A_20 = arith.constant 0 : index
    %get3A_21 = arith.constant 0 : index
    %get3A_22 = vector.load %arg6[%get3A_20, %get3A_21] : memref<16x128xf32, #tpu.memory_space<vmem>>, vector<16x128xf32>
    %dot_general3A = arith.constant dense<0.000000e+00> : vector<1000x128xf32>
    %dot_general3A_23 = tpu.matmul %add3A_19, %get3A_22, %dot_general3A {dimension_numbers = #tpu.dot_dimension_numbers<[1], [0], [0], [1], [0, 0, 1, 1], [], []>, transpose_lhs_hint = false} : vector<1000x16xf32>, vector<16x128xf32>, vector<1000x128xf32> -> vector<1000x128xf32>
    %add3A_24 = arith.constant 1.000000e-16 : f32
    %add3A_25 = vector.broadcast %add3A_24 : f32 to vector<1000x128xf32>
    %add3A_26 = arith.addf %dot_general3A_23, %add3A_25 : vector<1000x128xf32>
    %div3A = arith.divf %add3A, %add3A_26 : vector<1000x128xf32>
    %get3A_27 = arith.constant 0 : index
    %get3A_28 = arith.constant 0 : index
    %get3A_29 = vector.load %arg3[%get3A_27, %get3A_28] : memref<1x128xf32, #tpu.memory_space<vmem>>, vector<1x128xf32>
    %add3A_30 = vector.broadcast %get3A_29 : vector<1x128xf32> to vector<1000x128xf32>
    %add3A_31 = arith.addf %div3A, %add3A_30 : vector<1000x128xf32>
    %get3A_32 = arith.constant 0 : index
    %get3A_33 = arith.constant 0 : index
    %get3A_34 = vector.load %arg4[%get3A_32, %get3A_33] : memref<512x128xf32, #tpu.memory_space<vmem>>, vector<512x128xf32>
    %dot_general3A_35 = arith.constant dense<0.000000e+00> : vector<1000x512xf32>
    %dot_general3A_36 = tpu.matmul %add3A_31, %get3A_34, %dot_general3A_35 {dimension_numbers = #tpu.dot_dimension_numbers<[1], [1], [0], [0], [0, 0, 1, 0], [], []>, transpose_lhs_hint = false} : vector<1000x128xf32>, vector<512x128xf32>, vector<1000x512xf32> -> vector<1000x512xf32>
    %get3A_37 = arith.constant 0 : index
    %get3A_38 = arith.constant 0 : index
    %get3A_39 = vector.load %arg5[%get3A_37, %get3A_38] : memref<1x512xf32, #tpu.memory_space<vmem>>, vector<1x512xf32>
    %add3A_40 = vector.broadcast %get3A_39 : vector<1x512xf32> to vector<1000x512xf32>
    %add3A_41 = arith.addf %dot_general3A_36, %add3A_40 : vector<1000x512xf32>
    %slice3A = vector.extract_strided_slice %add3A_41 {offsets = [0, 0], sizes = [1000, 128], strides = [1, 1]} : vector<1000x512xf32> to vector<1000x128xf32>
    %logistic3A = arith.negf %slice3A : vector<1000x128xf32>
    %logistic3A_42 = math.exp %logistic3A : vector<1000x128xf32>
    %logistic3A_43 = arith.constant 1.000000e+00 : f32
    %logistic3A_44 = vector.broadcast %logistic3A_43 : f32 to vector<1000x128xf32>
    %logistic3A_45 = arith.addf %logistic3A_44, %logistic3A_42 : vector<1000x128xf32>
    %logistic3A_46 = arith.divf %logistic3A_44, %logistic3A_45 : vector<1000x128xf32>
    %slice3A_47 = vector.extract_strided_slice %add3A_41 {offsets = [0, 256], sizes = [1000, 128], strides = [1, 1]} : vector<1000x512xf32> to vector<1000x128xf32>
    %tanh3A = math.tanh %slice3A_47 : vector<1000x128xf32>
    %slice3A_48 = vector.extract_strided_slice %add3A_41 {offsets = [0, 384], sizes = [1000, 128], strides = [1, 1]} : vector<1000x512xf32> to vector<1000x128xf32>
    %logistic3A_49 = arith.negf %slice3A_48 : vector<1000x128xf32>
    %logistic3A_50 = math.exp %logistic3A_49 : vector<1000x128xf32>
    %logistic3A_51 = arith.constant 1.000000e+00 : f32
    %logistic3A_52 = vector.broadcast %logistic3A_51 : f32 to vector<1000x128xf32>
    %logistic3A_53 = arith.addf %logistic3A_52, %logistic3A_50 : vector<1000x128xf32>
    %logistic3A_54 = arith.divf %logistic3A_52, %logistic3A_53 : vector<1000x128xf32>
    %mul3A = arith.mulf %logistic3A_46, %tanh3A : vector<1000x128xf32>
    %tanh3A_55 = math.tanh %mul3A : vector<1000x128xf32>
    %mul3A_56 = arith.mulf %logistic3A_54, %tanh3A_55 : vector<1000x128xf32>
    %reduce_sum3A = arith.constant dense<0.000000e+00> : vector<1000xf32>
    %reduce_sum3A_57 = vector.multi_reduction <add>, %mul3A_56, %reduce_sum3A [1] : vector<1000x128xf32> to vector<1000xf32>
    %broadcast_in_dim3A = vector.shape_cast %reduce_sum3A_57 : vector<1000xf32> to vector<1000x1xf32>
    %div3A_58 = arith.constant 1.280000e+02 : f32
    %div3A_59 = vector.broadcast %div3A_58 : f32 to vector<1000x1xf32>
    %div3A_60 = arith.divf %broadcast_in_dim3A, %div3A_59 : vector<1000x1xf32>
    %sub3A = vector.broadcast %div3A_60 : vector<1000x1xf32> to vector<1000x128xf32>
    %sub3A_61 = arith.subf %mul3A_56, %sub3A : vector<1000x128xf32>
    %sub3A_62 = vector.broadcast %div3A_60 : vector<1000x1xf32> to vector<1000x128xf32>
    %sub3A_63 = arith.subf %mul3A_56, %sub3A_62 : vector<1000x128xf32>
    %mul3A_64 = arith.mulf %sub3A_61, %sub3A_63 : vector<1000x128xf32>
    %reduce_sum3A_65 = arith.constant dense<0.000000e+00> : vector<1000xf32>
    %reduce_sum3A_66 = vector.multi_reduction <add>, %mul3A_64, %reduce_sum3A_65 [1] : vector<1000x128xf32> to vector<1000xf32>
    %broadcast_in_dim3A_67 = vector.shape_cast %reduce_sum3A_66 : vector<1000xf32> to vector<1000x1xf32>
    %div3A_68 = arith.constant 1.280000e+02 : f32
    %div3A_69 = vector.broadcast %div3A_68 : f32 to vector<1000x1xf32>
    %div3A_70 = arith.divf %broadcast_in_dim3A_67, %div3A_69 : vector<1000x1xf32>
    %sub3A_71 = vector.broadcast %div3A_60 : vector<1000x1xf32> to vector<1000x128xf32>
    %sub3A_72 = arith.subf %mul3A_56, %sub3A_71 : vector<1000x128xf32>
    %add3A_73 = arith.constant 9.99999974E-6 : f32
    %add3A_74 = vector.broadcast %add3A_73 : f32 to vector<1000x1xf32>
    %add3A_75 = arith.addf %div3A_70, %add3A_74 : vector<1000x1xf32>
    %sqrt3A = math.sqrt %add3A_75 : vector<1000x1xf32>
    %div3A_76 = vector.broadcast %sqrt3A : vector<1000x1xf32> to vector<1000x128xf32>
    %div3A_77 = arith.divf %sub3A_72, %div3A_76 : vector<1000x128xf32>
    %get3A_78 = arith.constant 0 : index
    %get3A_79 = arith.constant 0 : index
    %get3A_80 = vector.load %arg7[%get3A_78, %get3A_79] : memref<1x128xf32, #tpu.memory_space<vmem>>, vector<1x128xf32>
    %mul3A_81 = vector.broadcast %get3A_80 : vector<1x128xf32> to vector<1000x128xf32>
    %mul3A_82 = arith.mulf %div3A_77, %mul3A_81 : vector<1000x128xf32>
    %get3A_83 = arith.constant 0 : index
    %get3A_84 = arith.constant 0 : index
    %get3A_85 = vector.load %arg8[%get3A_83, %get3A_84] : memref<1x128xf32, #tpu.memory_space<vmem>>, vector<1x128xf32>
    %add3A_86 = vector.broadcast %get3A_85 : vector<1x128xf32> to vector<1000x128xf32>
    %add3A_87 = arith.addf %mul3A_82, %add3A_86 : vector<1000x128xf32>
    %swap3A = arith.constant 0 : index
    %swap3A_88 = arith.constant 0 : index
    %swap3A_89 = vector.load %arg9[%swap3A, %swap3A_88] : memref<1000x128xf32, #tpu.memory_space<vmem>>, vector<1000x128xf32>
    tpu.vector_store %arg9[%swap3A, %swap3A_88], %add3A_87 {strides = array<i32>} : memref<1000x128xf32, #tpu.memory_space<vmem>>, vector<1000x128xf32>,
    %swap3A_90 = arith.constant 0 : index
    %swap3A_91 = arith.constant 0 : index
    %swap3A_92 = vector.load %arg10[%swap3A_90, %swap3A_91] : memref<1000x128xf32, #tpu.memory_space<vmem>>, vector<1000x128xf32>
    tpu.vector_store %arg10[%swap3A_90, %swap3A_91], %mul3A_56 {strides = array<i32>} : memref<1000x128xf32, #tpu.memory_space<vmem>>, vector<1000x128xf32>,
    %swap3A_93 = arith.constant 0 : index
    %swap3A_94 = arith.constant 0 : index
    %swap3A_95 = vector.load %arg11[%swap3A_93, %swap3A_94] : memref<1000x128xf32, #tpu.memory_space<vmem>>, vector<1000x128xf32>
    tpu.vector_store %arg11[%swap3A_93, %swap3A_94], %mul3A {strides = array<i32>} : memref<1000x128xf32, #tpu.memory_space<vmem>>, vector<1000x128xf32>,
    return
  }
  func.func @transform_0(%arg0: i32) -> (i32, i32, i32) {
    %c0_i32 = arith.constant 0 : i32
    %c0_i32_0 = arith.constant 0 : i32
    %c0_i32_1 = arith.constant 0 : i32
    return %c0_i32, %arg0, %c0_i32_0 : i32, i32, i32
  }
  func.func @transform_1(%arg0: i32) -> (i32, i32, i32) {
    %c0_i32 = arith.constant 0 : i32
    %c0_i32_0 = arith.constant 0 : i32
    %c0_i32_1 = arith.constant 0 : i32
    return %c0_i32, %arg0, %c0_i32_0 : i32, i32, i32
  }
  func.func @transform_2(%arg0: i32) -> (i32, i32) {
    %c0_i32 = arith.constant 0 : i32
    %c0_i32_0 = arith.constant 0 : i32
    %c0_i32_1 = arith.constant 0 : i32
    return %c0_i32, %c0_i32_0 : i32, i32
  }
  func.func @transform_3(%arg0: i32) -> (i32, i32) {
    %c0_i32 = arith.constant 0 : i32
    %c0_i32_0 = arith.constant 0 : i32
    %c0_i32_1 = arith.constant 0 : i32
    return %c0_i32, %c0_i32_0 : i32, i32
  }
  func.func @transform_4(%arg0: i32) -> (i32, i32) {
    %c0_i32 = arith.constant 0 : i32
    %c0_i32_0 = arith.constant 0 : i32
    %c0_i32_1 = arith.constant 0 : i32
    return %c0_i32, %c0_i32_0 : i32, i32
  }
  func.func @transform_5(%arg0: i32) -> (i32, i32) {
    %c0_i32 = arith.constant 0 : i32
    %c0_i32_0 = arith.constant 0 : i32
    %c0_i32_1 = arith.constant 0 : i32
    return %c0_i32, %c0_i32_0 : i32, i32
  }
  func.func @transform_6(%arg0: i32) -> (i32, i32) {
    %c0_i32 = arith.constant 0 : i32
    %c0_i32_0 = arith.constant 0 : i32
    %c0_i32_1 = arith.constant 0 : i32
    return %c0_i32, %c0_i32_0 : i32, i32
  }
  func.func @transform_7(%arg0: i32) -> (i32, i32) {
    %c0_i32 = arith.constant 0 : i32
    %c0_i32_0 = arith.constant 0 : i32
    %c0_i32_1 = arith.constant 0 : i32
    return %c0_i32, %c0_i32_0 : i32, i32
  }
  func.func @transform_8(%arg0: i32) -> (i32, i32) {
    %c0_i32 = arith.constant 0 : i32
    %c0_i32_0 = arith.constant 0 : i32
    return %arg0, %c0_i32 : i32, i32
  }
  func.func @transform_9(%arg0: i32) -> (i32, i32) {
    %c0_i32 = arith.constant 0 : i32
    %c0_i32_0 = arith.constant 0 : i32
    return %arg0, %c0_i32 : i32, i32
  }
  func.func @transform_10(%arg0: i32) -> (i32, i32) {
    %c0_i32 = arith.constant 0 : i32
    %c0_i32_0 = arith.constant 0 : i32
    return %arg0, %c0_i32 : i32, i32
  }
}

</mosaic_0001>

<sc_bundles>
// kernel: kernel.6.cloned.1.call-start
scs
__scs_entry_jumppad:
0x0: {  	(pc) =	sbr.rel $0x88, $3  }
0x1: {  	(tag) =	ssettag $0x0;
	lr =	simm.s32 $0x1  }
0x2: {  	[smem:$0x3F93] =	sst lr;
	_ =	strace $0xD0000000  }
0x3: {  	_ = 	snop  }
0x4: {  	_ = 	snop  }
0x5: {  	_ = 	snop  }
0x6: {  	_ = 	snop  }
0x7: {  	_ = 	snop  }
__scs_overlays_trampoline_lowered:
0x8: {  	[smem:$0x3FA2] =	sst s0  }
0x9: {  	[smem:$0x3FA3] =	sst s1  }
0xa: {  	[smem:$0x3FA4] =	sst s2  }
0xb: {  	[smem:$0x3FA5] =	sst s3  }
0xc: {  	[smem:$0x3FA6] =	sst s4  }
0xd: {  	[smem:$0x3FA7] =	sst s5  }
0xe: {  	[smem:$0x3FA8] =	sst s6  }
0xf: {  	[smem:$0x3FA9] =	sst s7  }
0x10: {  	[smem:$0x3FAA] =	sst s8  }
0x11: {  	[smem:$0x3FAB] =	sst s9;
	s0 =	simm.s32 @!p0 $0x0  }
0x12: {  	s1 =	sld [smem:$0x3F91];
	s0 =	simm.s32 @p0 $0x1  }
0x13: {  	[smem:$0x3FAC] =	sst s0;
	s0 =	simm.s32 @!p1 $0x0  }
0x14: {  	s2 =	sld [smem:$0x3F90];
	s0 =	simm.s32 @p1 $0x1  }
0x15: {  	[smem:$0x3FAD] =	sst s0;
	s0 =	simm.s32 @!p2 $0x0  }
0x16: {  	s3 =	sld [smem:$0x3FDB];
	s0 =	simm.s32 @p2 $0x1  }
0x17: {  	s4 =	simm.s32 $0x1BF5;
	[smem:$0x3FAF] =	sst s0  }
0x18: {  	s0 =	sld [smem:$0x3F92];
	_ =	swait.ge [sflag:s4], $0x0  }
0x19: {  	s7 =	sld [smem:$0x3F93]  }
0x1a: {  	s8 =	sadd.s32 $0xFFFFE003, lr  }
0x1b: {  	s9 =	sadd.s32 $0xFFFFFEF7, lr;
	s5 =	simm.s32 $0xFFFFFFFF;
	p2 =	slt.u32 s8, $0xFFFFF086  }
0x1c: {  	p1 =	slt.u32 s9, $0xF7A;
	s5 =	simm.s32 @!p2 $0x0  }
0x1d: {  	s5 =	simm.s32 @p1 $0x1;
	p0 =	seq.s32 s7, s2  }
0x1e: {  	s7 =	smul.u32 @!p0 $0xF7A, s2;
	p2 =	seq.s32 @!p0 s5, $0x0  }
0x1f: {  	s9 =	smul.u32 $0xF7A, s1;
	s8 =	simm.s32 @!p0 $0x1BF5;
	p2 =	por !p2, p0  }
0x20: {  	[sflag:s8] =	ssyncset.s32 @!p0 $0xFFFFF086;
	s6 =	sadd.s32 @!p0 s3, s7;
	s7 =	simm.s32 @!p0 $0x108  }
0x21: {  	s3 =	sadd.s32 s3, s9;
	s6 =	sadd.s32 @!p0 $0x88, s6;
	s7 =	simm.s32 @p2 $0x1082  }
0x22: {  	[simem:s7], [sflag:s8] =	dma.local @!p0 [hbm:s6], $0xF7A  }
0x23: {  	s9 =	sor.u32 $0xD0000000, s2;
	s6 =	simm.s32 $0x108;
	_ =	swait.ge @!p0 [sflag:s8], $0x0  }
0x24: {  	s3 =	sadd.s32 $0x88, s3;
	s6 =	simm.s32 @!p1 $0x1082;
	[sflag:s4] =	ssyncset.s32 $0xFFFFF086  }
0x25: {  	[simem:s6], [sflag:s4] =	dma.local [hbm:s3], $0xF7A  }
0x26: {  	[smem:$0x3F93] =	sst s1;
	(tag) =	ssettag s2;
	_ =	strace s9  }
0x27: {  	s1 =	sld [smem:$0x3FA3]  }
0x28: {  	s2 =	sld [smem:$0x3FA4]  }
0x29: {  	s4 =	sld [smem:$0x3FA6]  }
0x2a: {  	p0 =	seq.s32 s5, $0x0;
	s5 =	sld [smem:$0x3FA7]  }
0x2b: {  	s6 =	sld [smem:$0x3FA8]  }
0x2c: {  	s7 =	sld [smem:$0x3FA9]  }
0x2d: {  	s3 =	simm.s32 $0x108;
	s8 =	sld [smem:$0x3FAA]  }
0x2e: {  	s3 =	simm.s32 @!p0 $0x1082;
	s9 =	sld [smem:$0x3FAB]  }
0x2f: {  	lr =	sadd.s32 s0, s3;
	s0 =	sld [smem:$0x3FA2]  }
0x30: {  	s3 =	sld [smem:$0x3FA5]  }
0x31: {  	[smem:$0x3FAE] =	sst s10  }
0x32: {  	s10 =	sld [smem:$0x3FAC];
	_ =	sdelay $0x3  }
0x33: {  	p0 =	seq.s32 s10, $0x1;
	s10 =	sld [smem:$0x3FAE];
	_ =	sdelay $0x3  }
0x34: {  	[smem:$0x3FAE] =	sst s10  }
0x35: {  	s10 =	sld [smem:$0x3FAD];
	_ =	sdelay $0x3  }
0x36: {  	p1 =	seq.s32 s10, $0x1;
	s10 =	sld [smem:$0x3FAE];
	_ =	sdelay $0x3  }
0x37: {  	[smem:$0x3FAE] =	sst s10  }
0x38: {  	s10 =	sld [smem:$0x3FAF]  }
0x39: {  	_ = 	snop;
	(pc) =	sbr.ind lr, $3  }
0x3a: {  	_ = 	snop  }
0x3b: {  	_ = 	snop  }
0x3c: {  	p2 =	seq.s32 s10, $0x1;
	s10 =	sld [smem:$0x3FAE]  }
0x3d: {  	_ =	shalt  }
0x3e: {  	_ =	shalt  }
0x3f: {  	_ =	shalt  }
0x40: {  	_ =	shalt  }
0x41: {  	_ =	shalt  }
0x42: {  	_ =	shalt  }
0x43: {  	_ =	shalt  }
0x44: {  	_ =	shalt  }
0x45: {  	_ =	shalt  }
0x46: {  	_ =	shalt  }
0x47: {  	_ =	shalt  }
0x48: {  	_ =	shalt  }
0x49: {  	_ =	shalt  }
0x4a: {  	_ =	shalt  }
0x4b: {  	_ =	shalt  }
0x4c: {  	_ =	shalt  }
0x4d: {  	_ =	shalt  }
0x4e: {  	_ =	shalt  }
0x4f: {  	_ =	shalt  }
0x50: {  	_ =	shalt  }
0x51: {  	_ =	shalt  }
0x52: {  	_ =	shalt  }
0x53: {  	_ =	shalt  }
0x54: {  	_ =	shalt  }
0x55: {  	_ =	shalt  }
0x56: {  	_ =	shalt  }
0x57: {  	_ =	shalt  }
0x58: {  	_ =	shalt  }
0x59: {  	_ =	shalt  }
0x5a: {  	_ =	shalt  }
0x5b: {  	_ =	shalt  }
0x5c: {  	_ =	shalt  }
0x5d: {  	_ =	shalt  }
0x5e: {  	_ =	shalt  }
0x5f: {  	_ =	shalt  }
0x60: {  	_ =	shalt  }
0x61: {  	_ =	shalt  }
0x62: {  	_ =	shalt  }
0x63: {  	_ =	shalt  }
0x64: {  	_ =	shalt  }
0x65: {  	_ =	shalt  }
0x66: {  	_ =	shalt  }
0x67: {  	_ =	shalt  }
0x68: {  	_ =	shalt  }
0x69: {  	_ =	shalt  }
0x6a: {  	_ =	shalt  }
0x6b: {  	_ =	shalt  }
0x6c: {  	_ =	shalt  }
0x6d: {  	_ =	shalt  }
0x6e: {  	_ =	shalt  }
0x6f: {  	_ =	shalt  }
0x70: {  	_ =	shalt  }
0x71: {  	_ =	shalt  }
0x72: {  	_ =	shalt  }
0x73: {  	_ =	shalt  }
0x74: {  	_ =	shalt  }
0x75: {  	_ =	shalt  }
0x76: {  	_ =	shalt  }
0x77: {  	_ =	shalt  }
0x78: {  	_ =	shalt  }
0x79: {  	_ =	shalt  }
0x7a: {  	_ =	shalt  }
0x7b: {  	_ =	shalt  }
0x7c: {  	_ =	shalt  }
0x7d: {  	_ =	shalt  }
0x7e: {  	_ =	shalt  }
0x7f: {  	_ =	shalt  }
0x80: {  	_ =	shalt  }
0x81: {  	_ =	shalt  }
0x82: {  	_ =	shalt  }
0x83: {  	_ =	shalt  }
0x84: {  	_ =	shalt  }
0x85: {  	_ =	shalt  }
0x86: {  	_ =	shalt  }
0x87: {  	_ =	shalt  }
.Lfunc_end0:
.L_simem_size_0:
called_computation_lowered:
.L_overlay_start_0:
0x88: {  	s2 =	sld [smem:$0x3FD9]  }
0x89: {  	s3 =	sld [smem:$0x3FFE];
	_ =	sdelay $0x1  }
0x8a: {  	s1 =	srdreg.scid  }
0x8b: {  	s0 =	sand.u32 $0x1, s1  }
0x8c: {  	s14 =	sshll.u32 s0, $0xA;
	s2 =	sadd.s32 s3, s2  }
0x8d: {  	s2 =	sadd.s32 s2, s14  }
0x8e: {  	[smem:$0x3FBA] =	sst s2  }
0x8f: {  	_ = 	snop  }
0x90: {  	s2 =	sld [smem:$0x3FD0];
	_ =	sdelay $0x2  }
0x91: {  	s15 =	simm.s32 $0xA;
	s4 =	simm.s32 $0x10  }
0x92: {  	[smem:s4], [sflag:s15] =	dma.local [hbm:s2], $0x1  }
0x93: {  	_ =	swait.eq [sflag:s15], $0x1  }
0x94: {  	s16 =	sld [smem:$0x10];
	[sflag:s15] =	ssyncset.done $0x0  }
0x95: {  	s17 =	sld [smem:$0x11];
	[sflag:s15] =	ssyncadd.s32 $0xFFFFFFFF  }
0x96: {  	s18 =	sld [smem:$0x12];
	(tm) =	ssettm $0x1  }
0x97: {  	s5 =	sld [smem:$0x3FFB];
	_ =	sdelay $0x3  }
0x98: {  	_ =	strace s5  }
0x99: {  	s5 =	sld [smem:$0x3FFC];
	_ =	sdelay $0x3  }
0x9a: {  	_ =	strace s5  }
0x9b: {  	s5 =	sld [smem:$0x3FFD];
	_ =	sdelay $0x3  }
0x9c: {  	_ =	strace s5  }
0x9d: {  	_ =	strace $0x8FFFFFFF  }
0x9e: {  	s19 =	sld [smem:$0x3FDB];
	_ =	sdelay $0x1  }
0x9f: {  	s6 =	simm.s32 $_scs_section_size  }
0xa0: {  	s7 =	simm.s32 $_size__tile_overlayer_lowered;
	s8 =	simm.s32 $_tile_overlayer_lowered  }
0xa1: {  	s22 =	simm.s32 $0x1BFF;
	s21 =	sshll.u32 s8, $0x1;
	s5 =	sadd.s32 s6, s19  }
0xa2: {  	s9 =	simm.s32 $0x0;
	s20 =	sshll.u32 s7, $0x1;
	s7 =	sadd.s32 s21, s5  }
0xa3: {  	[timem:s9], [sflag:s22] =	dma.local [hbm:s7], s20  }
0xa4: {  	_ =	swait.ge [sflag:s22], s20  }
0xa5: {  	s6 =	ssub.s32 $0x0, s20;
	[sflag:s22] =	ssyncset.done $0x0  }
0xa6: {  	[sflag:s22] =	ssyncadd.s32 s6;
	_ =	sdelay $0x1  }
0xa7: {  	s23 =	simm.s32 $0x1B8B  }
0xa8: {  	_ =	swait.ge [sflag:s23], $0x1  }
0xa9: {  	[sflag:s23] =	ssyncset.done $0x0  }
0xaa: {  	s25 =	simm.s32 $0x1B8E;
	s24 =	sld [smem:$0x3FFE];
	[sflag:s23] =	ssyncadd.s32 $0xFFFFFFFF  }
0xab: {  	s26 =	simm.s32 $execute0_lowered;
	[smem:$0x3FD2] =	sst s25  }
0xac: {  	s7 =	sshll.u32 s26, $0x1;
	_ =	strace $0x80000046;
	[dreg:$0x1] =	wrdreg $0xFFFFFFFF  }
0xad: {  	s28 =	simm.s32 $_size_execute0_lowered;
	s5 =	sadd.s32 s5, s7;
	[dreg:$0x0] =	wrdreg $0x0  }
0xae: {  	s7 =	sshll.u32 s28, $0x1;
	[dreg:$0x2] =	wrdreg s5  }
0xaf: {  	[dreg:$0x3] =	wrdreg s7  }
0xb0: {  	[dreg:$0x4] =	wrdreg $0xC0  }
0xb1: {  	_ =	task [dreg:s9], $0x5FFFF  }
0xb2: {  	[dreg:$0x1] =	wrdreg $0xFFFFFFFF  }
0xb3: {  	[dreg:$0x0] =	wrdreg $0x60  }
0xb4: {  	[dreg:$0x2] =	wrdreg s24  }
0xb5: {  	[dreg:$0x3] =	wrdreg s16  }
0xb6: {  	[dreg:$0x4] =	wrdreg s18  }
0xb7: {  	[dreg:$0x5] =	wrdreg s17  }
0xb8: {  	[dreg:$0x6] =	wrdreg $0x0  }
0xb9: {  	[dreg:$0x7] =	wrdreg $0x140000  }
0xba: {  	[dreg:$0x8] =	wrdreg $0x9  }
0xbb: {  	_ =	task.clear_ibuf [dreg:s9], $0x9FFFF;
	_ =	strace $0x90000046  }
0xbc: {  	s29 =	simm.s32 $0x9;
	_ =	strace $0x80000048  }
0xbd: {  	_ =	swait.ge [sflag:s29], $0x1  }
0xbe: {  	[sflag:s29] =	ssyncadd.s32 $0xFFFFFFFF  }
0xbf: {  	_ =	strace $0x90000048  }
0xc0: {  	_ =	sfence  }
0xc1: {  	s30 =	sld [smem:$0x0];
	_ =	sdelay $0x2  }
0xc2: {  	s31 =	sshll.u32 s1, $0xD;
	s1 =	sshrl.u32 s1, $0x2  }
0xc3: {  	s3 =	sand.u32 $0x4000, s31;
	s1 =	sadd.s32 s1, s30  }
0xc4: {  	s0 =	sor.u32 s3, s0;
	s1 =	sshll.u32 s1, $0x11  }
0xc5: {  	s0 =	sor.u32 s1, s0  }
0xc6: {  	s0 =	sadd.s32 $0x8F2B, s0  }
0xc7: {  	[sflag:s0] =	ssyncadd.remote.s32 $0x1  }
0xc8: {  	_ =	sfence.sel $0xFFFF  }
0xc9: {  	[dreg:$0x0] =	wrdreg $0xFFFFFFFF;
	(pc) =	sbr.abs _section_cstart, $3  }
0xca: {  	[dreg:$0x1] =	wrdreg $0xFFFFFFFF  }
0xcb: {  	_ =	task.clear_ibuf [dreg:s9], $0x2FFFF;
	_ =	strace $0x9FFFFFFF  }
0xcc: {  	(tm) =	ssettm $0x7FFFFFFF  }
0xcd: {  	_ =	shalt  }
tec
execute0_lowered:
.L_overlay_start_1:
0x0: {  	(tag) =	ssettag $0x1  }
0x1: {  	s1 =	rddreg [dreg:$0x0]  }
0x2: {  	s0 =	rddreg [dreg:$0x1]  }
0x3: {  	s5 =	rddreg [dreg:$0x3];
	s24 =	stileid.u32  }
0x4: {  	s3 =	srdreg.scid;
	s6 =	smul.u32 $0x280, s24  }
0x5: {  	s2 =	simm.s32 $0x0;
	s3 =	sand.u32 $0x1, s3;
	s9 =	smul.u32 $0x14000, s24  }
0x6: {  	[smem:$0x7FF] =	sst s2;
	s4 =	ssub.s32 $0x2, s3;
	s30 =	smul.u32 $0x140000, s3  }
0x7: {  	s7 =	sadd.s32 $0xB2600, s1;
	s15 =	smul.u32 $0x28000, s3;
	s8 =	sshrl.u32 s4, $0x1  }
0x8: {  	s10 =	sadd.s32 $0x80, s6;
	s29 =	sadd.s32 $0x100, s6;
	s14 =	sadd.s32 $0x180, s6  }
0x9: {  	s6 =	sadd.s32 $0x200, s6;
	s4 =	ssub.s32 s4, s8;
	s8 =	smul.u32 $0x2800, s24  }
0xa: {  	s11 =	sshll.u32 s10, $0x7;
	s12 =	sshll.u32 s10, $0x4;
	s13 =	sshll.u32 s29, $0x7  }
0xb: {  	s16 =	sshll.u32 s29, $0x4;
	s17 =	sshll.u32 s14, $0x7;
	s22 =	sshll.u32 s14, $0x4  }
0xc: {  	s23 =	sshll.u32 s6, $0x7;
	s6 =	sshll.u32 s6, $0x4;
	s31 =	sadd.s32 s9, s30  }
0xd: {  	s14 =	sshrl.u32 s31, $0x3;
	s19 =	sadd.s32 s30, s11;
	s21 =	sadd.s32 s15, s12  }
0xe: {  	s25 =	sadd.s32 s30, s13;
	s26 =	sadd.s32 s30, s17;
	s10 =	sadd.s32 s30, s23  }
0xf: {  	s29 =	sadd.s32 s15, s16;
	s30 =	sadd.s32 s15, s22;
	s31 =	sadd.s32 s15, s6  }
0x10: {  	s18 =	sadd.s32 s8, s15;
	s14 =	sadd.s32 s7, s14;
	s20 =	sshrl.u32 s19, $0x3  }
0x11: {  	s28 =	sshrl.u32 s26, $0x3;
	s10 =	sshrl.u32 s10, $0x3;
	s15 =	rddreg [dreg:$0x5]  }
0x12: {  	s18 =	sshrl.u32 s18, $0x3;
	[dreg:$0x7] =	wrdreg s14;
	s14 =	sadd.s32 s7, s20  }
0x13: {  	s18 =	sadd.s32 s5, s18;
	[dreg:$0x9] =	wrdreg s14;
	s14 =	sshrl.u32 s21, $0x3  }
0x14: {  	s19 =	sadd.s32 $0x16200, s1;
	[dreg:$0x8] =	wrdreg s18;
	s14 =	sadd.s32 s5, s14  }
0x15: {  	s20 =	sadd.s32 $0xC200, s1;
	s18 =	sshrl.u32 s25, $0x3;
	[dreg:$0xd] =	wrdreg s14  }
0x16: {  	s12 =	sadd.s32 s12, s15;
	s18 =	sadd.s32 s7, s18;
	s14 =	rddreg [dreg:$0x4]  }
0x17: {  	[dreg:$0xa] =	wrdreg s18;
	s18 =	sadd.s32 s7, s28;
	s7 =	sadd.s32 s7, s10  }
0x18: {  	s26 =	sadd.s32 s16, s15;
	[dreg:$0xc] =	wrdreg s7;
	s7 =	sshrl.u32 s29, $0x3  }
0x19: {  	s16 =	simm.s32 $0x2;
	s10 =	rddreg [dreg:$0x2];
	s7 =	sadd.s32 s5, s7  }
0x1a: {  	s21 =	sadd.s32 $0x11200, s1;
	[dreg:$0xe] =	wrdreg s7;
	s7 =	sshrl.u32 s30, $0x3  }
0x1b: {  	[dreg:$0xb] =	wrdreg s18;
	s18 =	sshrl.u32 s31, $0x3;
	s7 =	sadd.s32 s5, s7  }
0x1c: {  	s11 =	sadd.s32 s11, s14;
	s5 =	sadd.s32 s5, s18;
	[dreg:$0xf] =	wrdreg s7  }
0x1d: {  	s25 =	sadd.s32 s13, s14;
	[dreg:$0x10] =	wrdreg s5;
	s7 =	sadd.s32 s9, s14  }
0x1e: {  	s9 =	sadd.s32 s8, s15;
	_ =	strace $0x80000047;
	[dreg:$0x11] =	wrdreg s7  }
0x1f: {  	s28 =	sadd.s32 s17, s14;
	s13 =	sadd.s32 s6, s15;
	[dreg:$0x12] =	wrdreg s9  }
0x20: {  	s6 =	simm.s32 $0x4;
	s17 =	simm.s32 $0x80;
	[dreg:$0x13] =	wrdreg s11  }
0x21: {  	s29 =	sadd.s32 s22, s15;
	s31 =	smax.u32 s4, $0x1;
	[dreg:$0x14] =	wrdreg s12  }
0x22: {  	s4 =	sshll.u32 s24, $0x1;
	s22 =	simm.s32 $0x17100;
	[dreg:$0x15] =	wrdreg s25  }
0x23: {  	s24 =	simm.s32 $0x5;
	s30 =	sadd.s32 s23, s14;
	[dreg:$0x16] =	wrdreg s26  }
.Ltmp0:
0x24: {  	s23 =	simm.s32 $0x3;
	[dreg:$0x17] =	wrdreg s28;
	(pc) =	sbr.rel .LBB2_1-.Ltmp0, $4  }
0x25: {  	s18 =	sadd.s32 $0x2400, s1;
	s1 =	simm.s32 $0x16900;
	[dreg:$0x18] =	wrdreg s29  }
0x26: {  	s5 =	simm.s32 $0x18900;
	s8 =	simm.s32 $0x16800;
	[dreg:$0x19] =	wrdreg s30  }
0x27: {  	v0 =	vimm.f32 $0.0e+00;
	v1 =	vimm.s32 $0x0;
	[dreg:$0x1a] =	wrdreg s31;
	s7 =	simm.s32 $0x18100;
	s9 =	simm.s32 $0x16880  }
0x28: {  	v2 =	vimm.s32 $0x1;
	v3 =	vimm.s32 $0x2;
	v4 =	vimm.s32 $0x3;
	s11 =	simm.s32 $0x17900;
	s12 =	simm.s32 $0x1;
	s25 =	simm.s32 $0x0  }
.LBB2_11:
0x29: {  	[bflag:$0x0] =	sbarrier.arrive $0xFFFF  }
0x2a: {  	s26 =	rddreg [dreg:$0x11]  }
0x2b: {  	[tilespmem:s5], [sflag:$0x4] =	stream.linear.gather [spmem:s26], $0x4000, $0x38;
	[tilespmem:$0x1C900] =	vst v63  }
0x2c: {  	_ =	swait.ge [sflag:s6], $0x4000  }
0x2d: {  	[sflag:s6] =	ssyncset.done $0x0  }
0x2e: {  	s29 =	rddreg [dreg:$0x7];
	[sflag:s6] =	ssyncadd.s32 $0xFFFFC000  }
0x2f: {  	[hbm4b:s29+s2] =	stream.linear.scatter [tilespmem:s5], [sflag:$0x4], $0x4000, $0x38;
	[tilespmem:$0x1C900] =	vst v63  }
0x30: {  	_ =	swait.ge [sflag:s6], $0x4000  }
0x31: {  	[sflag:s6] =	ssyncset.done $0x0  }
0x32: {  	s30 =	rddreg [dreg:$0x12];
	[sflag:s6] =	ssyncadd.s32 $0xFFFFC000  }
0x33: {  	[tilespmem:s7], [sflag:$0x4] =	stream.linear.gather [spmem:s30], $0x800, $0x38;
	[tilespmem:$0x1C900] =	vst v63  }
0x34: {  	_ =	swait.ge [sflag:s6], $0x800  }
0x35: {  	[sflag:s6] =	ssyncset.done $0x0  }
0x36: {  	s31 =	rddreg [dreg:$0x8];
	[sflag:s6] =	ssyncadd.s32 $0xFFFFF800  }
0x37: {  	[hbm4b:s31+s2] =	stream.linear.scatter [tilespmem:s7], [sflag:$0x4], $0x800, $0x38;
	[tilespmem:$0x1C900] =	vst v63  }
0x38: {  	_ =	swait.ge [sflag:s6], $0x800  }
0x39: {  	[sflag:s6] =	ssyncset.done $0x0  }
0x3a: {  	s28 =	rddreg [dreg:$0x13];
	[sflag:s6] =	ssyncadd.s32 $0xFFFFF800  }
0x3b: {  	[tilespmem:s5], [sflag:$0x4] =	stream.linear.gather [spmem:s28], $0x4000, $0x38;
	[tilespmem:$0x1C900] =	vst v63  }
0x3c: {  	_ =	swait.ge [sflag:s6], $0x4000  }
0x3d: {  	[sflag:s6] =	ssyncset.done $0x0  }
0x3e: {  	s29 =	rddreg [dreg:$0x9];
	[sflag:s6] =	ssyncadd.s32 $0xFFFFC000  }
0x3f: {  	[hbm4b:s29+s2] =	stream.linear.scatter [tilespmem:s5], [sflag:$0x4], $0x4000, $0x38;
	[tilespmem:$0x1C900] =	vst v63  }
0x40: {  	_ =	swait.ge [sflag:s6], $0x4000  }
0x41: {  	[sflag:s6] =	ssyncset.done $0x0  }
0x42: {  	s30 =	rddreg [dreg:$0x14];
	[sflag:s6] =	ssyncadd.s32 $0xFFFFC000  }
0x43: {  	[tilespmem:s7], [sflag:$0x4] =	stream.linear.gather [spmem:s30], $0x800, $0x38;
	[tilespmem:$0x1C900] =	vst v63  }
0x44: {  	_ =	swait.ge [sflag:s6], $0x800  }
0x45: {  	[sflag:s6] =	ssyncset.done $0x0  }
0x46: {  	s31 =	rddreg [dreg:$0xd];
	[sflag:s6] =	ssyncadd.s32 $0xFFFFF800  }
0x47: {  	[hbm4b:s31+s2] =	stream.linear.scatter [tilespmem:s7], [sflag:$0x4], $0x800, $0x38;
	[tilespmem:$0x1C900] =	vst v63  }
0x48: {  	_ =	swait.ge [sflag:s6], $0x800  }
0x49: {  	[sflag:s6] =	ssyncset.done $0x0  }
0x4a: {  	s28 =	rddreg [dreg:$0x15];
	[sflag:s6] =	ssyncadd.s32 $0xFFFFF800  }
0x4b: {  	[tilespmem:s5], [sflag:$0x4] =	stream.linear.gather [spmem:s28], $0x4000, $0x38;
	[tilespmem:$0x1C900] =	vst v63  }
0x4c: {  	_ =	swait.ge [sflag:s6], $0x4000  }
0x4d: {  	[sflag:s6] =	ssyncset.done $0x0  }
0x4e: {  	s29 =	rddreg [dreg:$0xa];
	[sflag:s6] =	ssyncadd.s32 $0xFFFFC000  }
0x4f: {  	[hbm4b:s29+s2] =	stream.linear.scatter [tilespmem:s5], [sflag:$0x4], $0x4000, $0x38;
	[tilespmem:$0x1C900] =	vst v63  }
0x50: {  	_ =	swait.ge [sflag:s6], $0x4000  }
0x51: {  	[sflag:s6] =	ssyncset.done $0x0  }
0x52: {  	s30 =	rddreg [dreg:$0x16];
	[sflag:s6] =	ssyncadd.s32 $0xFFFFC000  }
0x53: {  	[tilespmem:s7], [sflag:$0x4] =	stream.linear.gather [spmem:s30], $0x800, $0x38;
	[tilespmem:$0x1C900] =	vst v63  }
0x54: {  	_ =	swait.ge [sflag:s6], $0x800  }
0x55: {  	[sflag:s6] =	ssyncset.done $0x0  }
0x56: {  	s31 =	rddreg [dreg:$0xe];
	[sflag:s6] =	ssyncadd.s32 $0xFFFFF800  }
0x57: {  	[hbm4b:s31+s2] =	stream.linear.scatter [tilespmem:s7], [sflag:$0x4], $0x800, $0x38;
	[tilespmem:$0x1C900] =	vst v63  }
0x58: {  	_ =	swait.ge [sflag:s6], $0x800  }
0x59: {  	[sflag:s6] =	ssyncset.done $0x0  }
0x5a: {  	s28 =	rddreg [dreg:$0x17];
	[sflag:s6] =	ssyncadd.s32 $0xFFFFF800  }
0x5b: {  	[tilespmem:s5], [sflag:$0x4] =	stream.linear.gather [spmem:s28], $0x4000, $0x38;
	[tilespmem:$0x1C900] =	vst v63  }
0x5c: {  	_ =	swait.ge [sflag:s6], $0x4000  }
0x5d: {  	[sflag:s6] =	ssyncset.done $0x0  }
0x5e: {  	s29 =	rddreg [dreg:$0xb];
	[sflag:s6] =	ssyncadd.s32 $0xFFFFC000  }
0x5f: {  	[hbm4b:s29+s2] =	stream.linear.scatter [tilespmem:s5], [sflag:$0x4], $0x4000, $0x38;
	[tilespmem:$0x1C900] =	vst v63  }
0x60: {  	_ =	swait.ge [sflag:s6], $0x4000  }
0x61: {  	[sflag:s6] =	ssyncset.done $0x0  }
0x62: {  	s30 =	rddreg [dreg:$0x18];
	[sflag:s6] =	ssyncadd.s32 $0xFFFFC000  }
0x63: {  	[tilespmem:s7], [sflag:$0x4] =	stream.linear.gather [spmem:s30], $0x800, $0x38;
	[tilespmem:$0x1C900] =	vst v63  }
0x64: {  	_ =	swait.ge [sflag:s6], $0x800  }
0x65: {  	[sflag:s6] =	ssyncset.done $0x0  }
0x66: {  	s31 =	rddreg [dreg:$0xf];
	[sflag:s6] =	ssyncadd.s32 $0xFFFFF800  }
0x67: {  	[hbm4b:s31+s2] =	stream.linear.scatter [tilespmem:s7], [sflag:$0x4], $0x800, $0x38;
	[tilespmem:$0x1C900] =	vst v63  }
0x68: {  	_ =	swait.ge [sflag:s6], $0x800  }
0x69: {  	[sflag:s6] =	ssyncset.done $0x0  }
0x6a: {  	s28 =	rddreg [dreg:$0x19];
	[sflag:s6] =	ssyncadd.s32 $0xFFFFF800  }
0x6b: {  	[tilespmem:s5], [sflag:$0x4] =	stream.linear.gather [spmem:s28], $0x4000, $0x38;
	[tilespmem:$0x1C900] =	vst v63  }
0x6c: {  	_ =	swait.ge [sflag:s6], $0x4000  }
0x6d: {  	[sflag:s6] =	ssyncset.done $0x0  }
0x6e: {  	s29 =	rddreg [dreg:$0xc];
	[sflag:s6] =	ssyncadd.s32 $0xFFFFC000  }
0x6f: {  	[hbm4b:s29+s2] =	stream.linear.scatter [tilespmem:s5], [sflag:$0x4], $0x4000, $0x38;
	[tilespmem:$0x1C900] =	vst v63  }
0x70: {  	_ =	swait.ge [sflag:s6], $0x4000  }
0x71: {  	[sflag:s6] =	ssyncset.done $0x0  }
0x72: {  	[sflag:s6] =	ssyncadd.s32 $0xFFFFC000  }
0x73: {  	[tilespmem:s7], [sflag:$0x4] =	stream.linear.gather [spmem:s13], $0x800, $0x38;
	[tilespmem:$0x1C900] =	vst v63  }
0x74: {  	_ =	swait.ge [sflag:s6], $0x800  }
0x75: {  	[sflag:s6] =	ssyncset.done $0x0  }
0x76: {  	s30 =	rddreg [dreg:$0x10];
	[sflag:s6] =	ssyncadd.s32 $0xFFFFF800  }
0x77: {  	[hbm4b:s30+s2] =	stream.linear.scatter [tilespmem:s7], [sflag:$0x4], $0x800, $0x38;
	[tilespmem:$0x1C900] =	vst v63  }
0x78: {  	_ =	swait.ge [sflag:s6], $0x800  }
0x79: {  	s25 =	sadd.s32 $0x1, s25;
	s31 =	rddreg [dreg:$0x1a]  }
0x7a: {  	p0 =	sne.s32 s25, s31  }
.Ltmp1:
0x7b: {  	_ = 	snop;
	(pc) =	sbr.rel @!p0 .LBB2_12-.Ltmp1, $3  }
0x7c: {  	_ =	sdelay $0x1  }
0x7d: {  	[sflag:s6] =	ssyncset.done $0x0  }
0x7e: {  	[sflag:s6] =	ssyncadd.s32 $0xFFFFF800  }
.LBB2_1:
0x7f: {  	s26 =	simm.s32 $0x18940  }
0x80: {  	[tilespmem:s26+$0xFFFFFFD0] =	vst v0  }
0x81: {  	[tilespmem:s26+$0xFFFFFFE0] =	vst v0  }
0x82: {  	[tilespmem:s26+$0xFFFFFFF0] =	vst v0  }
0x83: {  	[tilespmem:s26+$0x0] =	vst v0  }
0x84: {  	[tilespmem:s26+$0x10] =	vst v0  }
0x85: {  	[tilespmem:s26+$0x20] =	vst v0  }
0x86: {  	[tilespmem:s26+$0x30] =	vst v0  }
0x87: {  	s29 =	simm.s32 $0x0;
	s28 =	simm.s32 $0x40;
	[tilespmem:s26+$0xFFFFFFC0] =	vst v0  }
.LBB2_2:
0x88: {  	p0 =	sne.s32 s28, $0x1FC0;
	[tilespmem:s29+$0x18100] =	vst v0;
	s26 =	sadd.s32 $0x80, s26  }
0x89: {  	[tilespmem:s26+$0xFFFFFFD0] =	vst v0  }
0x8a: {  	[tilespmem:s26+$0xFFFFFFE0] =	vst v0  }
0x8b: {  	[tilespmem:s26+$0xFFFFFFF0] =	vst v0  }
.Ltmp2:
0x8c: {  	[tilespmem:s26+$0x0] =	vst v0;
	(pc) =	sbr.rel @p0 .LBB2_2-.Ltmp2, $4  }
0x8d: {  	[tilespmem:s26+$0x10] =	vst v0  }
0x8e: {  	[tilespmem:s26+$0x20] =	vst v0  }
0x8f: {  	[tilespmem:s26+$0x30] =	vst v0  }
0x90: {  	s29 =	sshra.s32 s28, $0x2;
	s28 =	sadd.s32 $0x40, s28;
	[tilespmem:s26+$0xFFFFFFC0] =	vst v0  }
0x91: {  	[tilespmem:s29+$0x18100] =	vst v0;
	s26 =	rddreg [dreg:$0x11]  }
0x92: {  	[spmem:s26] =	stream.linear.scatter [tilespmem:s5], [sflag:$0x4], $0x4000, $0x38;
	[tilespmem:$0x1C900] =	vst v63  }
0x93: {  	_ =	swait.ge [sflag:s6], $0x4000  }
0x94: {  	[sflag:s6] =	ssyncset.done $0x0  }
0x95: {  	s28 =	rddreg [dreg:$0x12];
	[sflag:s6] =	ssyncadd.s32 $0xFFFFC000  }
0x96: {  	[spmem:s28] =	stream.linear.scatter [tilespmem:s7], [sflag:$0x4], $0x800, $0x38;
	[tilespmem:$0x1C900] =	vst v63  }
0x97: {  	_ =	swait.ge [sflag:s6], $0x800  }
0x98: {  	[sflag:s6] =	ssyncset.done $0x0  }
0x99: {  	s29 =	rddreg [dreg:$0x13];
	[sflag:s6] =	ssyncadd.s32 $0xFFFFF800  }
0x9a: {  	[spmem:s29] =	stream.linear.scatter [tilespmem:s5], [sflag:$0x4], $0x4000, $0x38;
	[tilespmem:$0x1C900] =	vst v63  }
0x9b: {  	_ =	swait.ge [sflag:s6], $0x4000  }
0x9c: {  	[sflag:s6] =	ssyncset.done $0x0  }
0x9d: {  	s30 =	rddreg [dreg:$0x14];
	[sflag:s6] =	ssyncadd.s32 $0xFFFFC000  }
0x9e: {  	[spmem:s30] =	stream.linear.scatter [tilespmem:s7], [sflag:$0x4], $0x800, $0x38;
	[tilespmem:$0x1C900] =	vst v63  }
0x9f: {  	_ =	swait.ge [sflag:s6], $0x800  }
0xa0: {  	[sflag:s6] =	ssyncset.done $0x0  }
0xa1: {  	s31 =	rddreg [dreg:$0x15];
	[sflag:s6] =	ssyncadd.s32 $0xFFFFF800  }
0xa2: {  	[spmem:s31] =	stream.linear.scatter [tilespmem:s5], [sflag:$0x4], $0x4000, $0x38;
	[tilespmem:$0x1C900] =	vst v63  }
0xa3: {  	_ =	swait.ge [sflag:s6], $0x4000  }
0xa4: {  	[sflag:s6] =	ssyncset.done $0x0  }
0xa5: {  	s28 =	rddreg [dreg:$0x16];
	[sflag:s6] =	ssyncadd.s32 $0xFFFFC000  }
0xa6: {  	[spmem:s28] =	stream.linear.scatter [tilespmem:s7], [sflag:$0x4], $0x800, $0x38;
	[tilespmem:$0x1C900] =	vst v63  }
0xa7: {  	_ =	swait.ge [sflag:s6], $0x800  }
0xa8: {  	[sflag:s6] =	ssyncset.done $0x0  }
0xa9: {  	s29 =	rddreg [dreg:$0x17];
	[sflag:s6] =	ssyncadd.s32 $0xFFFFF800  }
0xaa: {  	[spmem:s29] =	stream.linear.scatter [tilespmem:s5], [sflag:$0x4], $0x4000, $0x38;
	[tilespmem:$0x1C900] =	vst v63  }
0xab: {  	_ =	swait.ge [sflag:s6], $0x4000  }
0xac: {  	[sflag:s6] =	ssyncset.done $0x0  }
0xad: {  	s30 =	rddreg [dreg:$0x18];
	[sflag:s6] =	ssyncadd.s32 $0xFFFFC000  }
0xae: {  	[spmem:s30] =	stream.linear.scatter [tilespmem:s7], [sflag:$0x4], $0x800, $0x38;
	[tilespmem:$0x1C900] =	vst v63  }
0xaf: {  	_ =	swait.ge [sflag:s6], $0x800  }
0xb0: {  	[sflag:s6] =	ssyncset.done $0x0  }
0xb1: {  	s31 =	rddreg [dreg:$0x19];
	[sflag:s6] =	ssyncadd.s32 $0xFFFFF800  }
0xb2: {  	[spmem:s31] =	stream.linear.scatter [tilespmem:s5], [sflag:$0x4], $0x4000, $0x38;
	[tilespmem:$0x1C900] =	vst v63  }
0xb3: {  	_ =	swait.ge [sflag:s6], $0x4000  }
0xb4: {  	[sflag:s6] =	ssyncset.done $0x0  }
0xb5: {  	[sflag:s6] =	ssyncadd.s32 $0xFFFFC000  }
0xb6: {  	[spmem:s13] =	stream.linear.scatter [tilespmem:s7], [sflag:$0x4], $0x800, $0x38;
	[tilespmem:$0x1C900] =	vst v63  }
.Ltmp3:
0xb7: {  	_ =	swait.ge [sflag:s6], $0x800;
	(pc) =	sbr.rel .LBB2_4-.Ltmp3, $4  }
0xb8: {  	[sflag:s6] =	ssyncset.done $0x0  }
0xb9: {  	[sflag:s6] =	ssyncadd.s32 $0xFFFFF800  }
0xba: {  	[bflag:$0x0] =	sbarrier.arrive $0xFFFF  }
0xbb: {  	s26 =	simm.s32 $0x0  }
.LBB2_10:
0xbc: {  	s26 =	sadd.s32 $0x1, s26  }
0xbd: {  	p0 =	sne.s32 s26, $0x4F  }
.Ltmp4:
0xbe: {  	_ = 	snop;
	(pc) =	sbr.rel @!p0 .LBB2_11-.Ltmp4, $1  }
0xbf: {  	_ =	sdelay $0x3  }
.LBB2_4:
0xc0: {  	s28 =	sshll.u32 s26, $0x5  }
0xc1: {  	s28 =	sor.u32 s4, s28  }
0xc2: {  	p0 =	sgt.u32 s28, $0x9C3  }
.Ltmp5:
0xc3: {  	_ = 	snop;
	(pc) =	sbr.rel @p0 .LBB2_10-.Ltmp5, $1  }
0xc4: {  	_ =	sdelay $0x3  }
0xc5: {  	s28 =	sor.u32 s3, s28  }
0xc6: {  	s29 =	sshll.u32 s28, $0x4  }
0xc7: {  	s31 =	simm.s32 $0x0;
	s30 =	sadd.s32 s18, s29  }
0xc8: {  	[tilespmem:s8], [sflag:$0x1] =	stream.linear.gather [hbm4b:s30+s31], $0x80, $0x38;
	[tilespmem:$0x1C900] =	vst v63  }
0xc9: {  	s28 =	sshll.u32 s28, $0x8;
	s29 =	sadd.s32 s0, s29  }
0xca: {  	[tilespmem:s9], [sflag:$0x2] =	stream.linear.gather [hbm4b:s29+s31], $0x80, $0x38;
	[tilespmem:$0x1C900] =	vst v63  }
0xcb: {  	s28 =	sadd.s32 s19, s28  }
0xcc: {  	[tilespmem:s11], [sflag:$0x3] =	stream.linear.gather [hbm4b:s28+s31], $0x800, $0x38;
	[tilespmem:$0x1C900] =	vst v63  }
0xcd: {  	_ =	swait.ge [sflag:s12], $0x80  }
0xce: {  	[sflag:s12] =	ssyncset.done $0x0  }
0xcf: {  	[sflag:s12] =	ssyncadd.s32 $0xFFFFFF80  }
0xd0: {  	_ =	swait.ge [sflag:s16], $0x80  }
0xd1: {  	[sflag:s16] =	ssyncset.done $0x0  }
0xd2: {  	[sflag:s16] =	ssyncadd.s32 $0xFFFFFF80  }
0xd3: {  	[tilespmem:s1], [sflag:$0x1] =	stream.indirect.gather [hbm4b:s20+s17], $0x10, s8, s17, $0xb8;
	[tilespmem:$0x1C900] =	vst v63  }
0xd4: {  	_ = 	snop  }
0xd5: {  	[tilespmem:s22], [sflag:$0x2] =	stream.indirect.gather [hbm4b:s21+s17], $0x10, s9, s17, $0xb8;
	[tilespmem:$0x1C900] =	vst v63  }
0xd6: {  	_ = 	snop  }
0xd7: {  	[tilespmem:s5], [sflag:$0x1] =	stream.indirect.gather [hbm4b:s10+s17], $0x80, s8, s17, $0xb8;
	[tilespmem:$0x1C900] =	vst v63  }
0xd8: {  	_ =	swait.ge [sflag:s23], $0x800  }
0xd9: {  	[sflag:s23] =	ssyncset.done $0x0  }
0xda: {  	[sflag:s23] =	ssyncadd.s32 $0xFFFFF800  }
0xdb: {  	_ =	swait.ge [sflag:s12], $0x800  }
0xdc: {  	[sflag:s12] =	ssyncset.done $0x0  }
0xdd: {  	[sflag:s12] =	ssyncadd.s32 $0xFFFFF800  }
0xde: {  	_ =	swait.ge [sflag:s16], $0x800  }
0xdf: {  	[sflag:s16] =	ssyncset.done $0x0  }
0xe0: {  	s29 =	simm.s32 $0x0;
	[sflag:s16] =	ssyncadd.s32 $0xFFFFF800  }
0xe1: {  	v5 =	vld [tilespmem:s29+$0x16970]  }
0xe2: {  	v6 =	vld [tilespmem:s29+$0x17170]  }
0xe3: {  	v7 =	vld [tilespmem:s29+$0x16900]  }
0xe4: {  	v8 =	vld [tilespmem:s29+$0x17970]  }
0xe5: {  	v9 =	vld [tilespmem:s29+$0x17100]  }
0xe6: {  	v10 =	vld [tilespmem:s29+$0x16910]  }
0xe7: {  	v11 =	vld [tilespmem:s29+$0x17110];
	v5 =	vadd.f32 v6, v5  }
0xe8: {  	v12 =	vld [tilespmem:s29+$0x17120]  }
0xe9: {  	v13 =	vld [tilespmem:s29+$0x17130];
	v5 =	vadd.f32 v8, v5  }
0xea: {  	v15 =	vld [tilespmem:s29+$0x16940]  }
0xeb: {  	v16 =	vld [tilespmem:s29+$0x17140];
	v14 =	vmul.f32 $2.000000030e-01, v5  }
0xec: {  	v17 =	vld [tilespmem:s29+$0x17150];
	vm0 =	vge.f32 v5, $0.0e+00  }
0xed: {  	v18 =	vld [tilespmem:s29+$0x16960];
	v5 =	vsel vm0, v5, v14  }
0xee: {  	v19 =	vld [tilespmem:s29+$0x17900];
	v5 =	vmul.f32 $1.442695020e+00, v5  }
0xef: {  	v20 =	vld [tilespmem:s29+$0x17910]  }
0xf0: {  	v21 =	vld [tilespmem:s29+$0x17920];
	(erf) = vpow2.f32 v5  }
0xf1: {  	v22 =	vld [tilespmem:s29+$0x17930]  }
0xf2: {  	v23 =	vld [tilespmem:s29+$0x17940]  }
0xf3: {  	v24 =	vld [tilespmem:s29+$0x17950]  }
0xf4: {  	s28 =	simm.s32 $0x80;
	v25 =	vld [tilespmem:s29+$0x17960]  }
0xf5: {  	v26 =	vld [tilespmem:s28+$0x16970]  }
0xf6: {  	v6 =	vld [tilespmem:s29+$0x16920]  }
0xf7: {  	v8 =	vld [tilespmem:s29+$0x16930]  }
0xf8: {  	v28 =	vld [tilespmem:s28+$0x17170];
	v7 =	vadd.f32 v9, v7;
	v9 =	vadd.f32 v11, v10  }
0xf9: {  	v14 =	vld [tilespmem:s29+$0x16950];
	v27 =	vpop (erf)  }
0xfa: {  	v9 =	vadd.f32 v20, v9;
	v5 =	vld [tilespmem:s29+$0x17160];
	[tilespmem:s29+$0x18170] =	vst v27  }
0xfb: {  	v7 =	vadd.f32 v19, v7;
	v6 =	vadd.f32 v12, v6;
	v10 =	vld [tilespmem:s28+$0x16900]  }
0xfc: {  	v20 =	vmul.f32 $2.000000030e-01, v9;
	v12 =	vadd.f32 v16, v15;
	v8 =	vadd.f32 v13, v8;
	v11 =	vld [tilespmem:s28+$0x17970]  }
0xfd: {  	vm1 =	vge.f32 v9, $0.0e+00;
	vm0 =	vge.f32 v7, $0.0e+00;
	v6 =	vadd.f32 v21, v6;
	v13 =	vld [tilespmem:s28+$0x17100]  }
0xfe: {  	v9 =	vsel vm1, v9, v20;
	v12 =	vadd.f32 v23, v12;
	v8 =	vadd.f32 v22, v8;
	v15 =	vld [tilespmem:s28+$0x16910]  }
0xff: {  	v9 =	vmul.f32 $1.442695020e+00, v9;
	v5 =	vadd.f32 v5, v18;
	v18 =	vadd.f32 v28, v26;
	v16 =	vld [tilespmem:s28+$0x17110]  }
0x100: {  	vm2 =	vge.f32 v6, $0.0e+00;
	v55 =	vmul.f32 $2.000000030e-01, v6;
	vm4 =	vge.f32 v12, $0.0e+00;
	v19 =	vld [tilespmem:s28+$0x16920]  }
0x101: {  	v14 =	vadd.f32 v17, v14;
	v17 =	vmul.f32 $2.000000030e-01, v7;
	v54 =	vld [tilespmem:s28+$0x17120];
	v11 =	vadd.f32 v11, v18  }
0x102: {  	v59 =	vmul.f32 $2.000000030e-01, v12;
	vm3 =	vge.f32 v8, $0.0e+00;
	v56 =	vmul.f32 $2.000000030e-01, v8;
	v57 =	vld [tilespmem:s28+$0x17130]  }
0x103: {  	v6 =	vsel vm2, v6, v55;
	v7 =	vsel vm0, v7, v17;
	v58 =	vld [tilespmem:s28+$0x16940];
	v17 =	vmul.f32 $2.000000030e-01, v11  }
0x104: {  	v12 =	vsel vm4, v12, v59;
	v6 =	vmul.f32 $1.442695020e+00, v6;
	v20 =	vld [tilespmem:s28+$0x17140];
	vm0 =	vge.f32 v11, $0.0e+00  }
0x105: {  	v12 =	vmul.f32 $1.442695020e+00, v12;
	v7 =	vmul.f32 $1.442695020e+00, v7;
	v27 =	vld [tilespmem:s28+$0x16950];
	v11 =	vsel vm0, v11, v17  }
0x106: {  	v14 =	vadd.f32 v24, v14;
	v8 =	vsel vm3, v8, v56;
	v60 =	vld [tilespmem:s28+$0x17150];
	v11 =	vmul.f32 $1.442695020e+00, v11  }
0x107: {  	v8 =	vmul.f32 $1.442695020e+00, v8;
	v5 =	vadd.f32 v25, v5;
	(erf) = vpow2.f32 v7;
	v7 =	vld [tilespmem:s28+$0x16960]  }
0x108: {  	v61 =	vld [tilespmem:s28+$0x17160];
	v17 =	vmul.f32 $2.000000030e-01, v14;
	(erf) = vpow2.f32 v11  }
0x109: {  	v62 =	vld [tilespmem:s28+$0x17900];
	vm0 =	vge.f32 v14, $0.0e+00;
	v11 =	vmul.f32 $2.000000030e-01, v5;
	(erf) = vpow2.f32 v9  }
0x10a: {  	vm1 =	vge.f32 v5, $0.0e+00;
	v18 =	vld [tilespmem:s28+$0x16930];
	v14 =	vsel vm0, v14, v17;
	(erf) = vpow2.f32 v6  }
0x10b: {  	v29 =	vld [tilespmem:s28+$0x17910];
	v9 =	vmul.f32 $1.442695020e+00, v14;
	v5 =	vsel vm1, v5, v11;
	(erf) = vpow2.f32 v8  }
0x10c: {  	v30 =	vld [tilespmem:s28+$0x17920];
	v63 =	vadd.f32 v13, v10;
	v5 =	vmul.f32 $1.442695020e+00, v5;
	(erf) = vpow2.f32 v12  }
0x10d: {  	v15 =	vadd.f32 v16, v15;
	v17 =	vld [tilespmem:s28+$0x17930];
	(erf) = vpow2.f32 v9  }
0x10e: {  	v19 =	vadd.f32 v54, v19;
	v16 =	vld [tilespmem:s28+$0x17940];
	v6 =	vadd.f32 v62, v63;
	(erf) = vpow2.f32 v5  }
0x10f: {  	v10 =	vadd.f32 v20, v58;
	v13 =	vld [tilespmem:s28+$0x17950];
	v11 =	vadd.f32 v57, v18  }
0x110: {  	s30 =	simm.s32 $0x100;
	v20 =	vpop (erf);
	v8 =	vadd.f32 v60, v27;
	v12 =	vld [tilespmem:s28+$0x17960];
	vm0 =	vge.f32 v6, $0.0e+00;
	v5 =	vadd.f32 v29, v15  }
0x111: {  	s31 =	simm.s32 $0x600;
	v14 =	vld [tilespmem:s30+$0x16970];
	[tilespmem:s29+$0x18100] =	vst v20;
	v9 =	vadd.f32 v61, v7;
	v7 =	vadd.f32 v30, v19;
	v15 =	vmul.f32 $2.000000030e-01, v6;
	v18 =	vpop (erf)  }
.LBB2_6:
0x112: {  	p0 =	sne.s32 s31, $0x1E00;
	v19 =	vld [tilespmem:s30+$0x17170];
	vm1 =	vge.f32 v5, $0.0e+00;
	v20 =	vmul.f32 $2.000000030e-01, v5;
	v11 =	vadd.f32 v17, v11;
	[tilespmem:s28+$0x18170] =	vst v18;
	v17 =	vpop (erf)  }
0x113: {  	v18 =	vld [tilespmem:s30+$0x16900];
	vm2 =	vge.f32 v7, $0.0e+00;
	v21 =	vmul.f32 $2.000000030e-01, v7;
	v10 =	vadd.f32 v16, v10;
	[tilespmem:s29+$0x18110] =	vst v17;
	v16 =	vpop (erf)  }
0x114: {  	v17 =	vld [tilespmem:s30+$0x17970];
	vm3 =	vge.f32 v11, $0.0e+00;
	v22 =	vmul.f32 $2.000000030e-01, v11;
	v8 =	vadd.f32 v13, v8;
	[tilespmem:s29+$0x18120] =	vst v16;
	v13 =	vpop (erf)  }
0x115: {  	v16 =	vld [tilespmem:s30+$0x17100];
	vm4 =	vge.f32 v10, $0.0e+00;
	v23 =	vmul.f32 $2.000000030e-01, v10;
	v9 =	vadd.f32 v12, v9;
	[tilespmem:s29+$0x18130] =	vst v13;
	v12 =	vpop (erf)  }
0x116: {  	v6 =	vsel vm0, v6, v15;
	v13 =	vld [tilespmem:s30+$0x16910];
	vm0 =	vge.f32 v8, $0.0e+00;
	v15 =	vmul.f32 $2.000000030e-01, v8;
	[tilespmem:s29+$0x18140] =	vst v12;
	v12 =	vpop (erf)  }
0x117: {  	v24 =	vld [tilespmem:s30+$0x17110];
	v14 =	vadd.f32 v19, v14;
	vm5 =	vge.f32 v9, $0.0e+00;
	v19 =	vmul.f32 $2.000000030e-01, v9;
	[tilespmem:s29+$0x18150] =	vst v12;
	v12 =	vpop (erf)  }
0x118: {  	v5 =	vsel vm1, v5, v20;
	v7 =	vsel vm2, v7, v21;
	v11 =	vsel vm3, v11, v22;
	v25 =	vld [tilespmem:s30+$0x16920];
	[tilespmem:s29+$0x18160] =	vst v12;
	s29 =	smov.u32 s28;
	s28 =	smov.u32 s30  }
0x119: {  	v10 =	vsel vm4, v10, v23;
	v8 =	vsel vm0, v8, v15;
	v12 =	vld [tilespmem:s28+$0x17120];
	v14 =	vadd.f32 v17, v14  }
0x11a: {  	v6 =	vmul.f32 $1.442695020e+00, v6;
	v9 =	vsel vm5, v9, v19;
	v15 =	vadd.f32 v16, v18;
	v16 =	vld [tilespmem:s28+$0x16930]  }
0x11b: {  	v5 =	vmul.f32 $1.442695020e+00, v5;
	v17 =	vld [tilespmem:s28+$0x17130];
	v18 =	vmul.f32 $2.000000030e-01, v14  }
0x11c: {  	v7 =	vmul.f32 $1.442695020e+00, v7;
	vm0 =	vge.f32 v14, $0.0e+00;
	v19 =	vadd.f32 v24, v13;
	v13 =	vld [tilespmem:s28+$0x16940]  }
0x11d: {  	v21 =	vmul.f32 $1.442695020e+00, v10;
	v20 =	vld [tilespmem:s28+$0x17140];
	v14 =	vsel vm0, v14, v18;
	v18 =	vmul.f32 $1.442695020e+00, v11  }
0x11e: {  	v22 =	vadd.f32 v12, v25;
	v12 =	vld [tilespmem:s28+$0x16950];
	v10 =	vmul.f32 $1.442695020e+00, v14;
	v14 =	vmul.f32 $1.442695020e+00, v8  }
0x11f: {  	v23 =	vmul.f32 $1.442695020e+00, v9;
	v8 =	vld [tilespmem:s28+$0x17150];
	(erf) = vpow2.f32 v6  }
0x120: {  	v11 =	vadd.f32 v17, v16;
	v6 =	vld [tilespmem:s28+$0x16960];
	(erf) = vpow2.f32 v10  }
0x121: {  	v9 =	vld [tilespmem:s28+$0x17160];
	(erf) = vpow2.f32 v5  }
0x122: {  	v5 =	vld [tilespmem:s28+$0x17900];
	v10 =	vadd.f32 v20, v13;
	(erf) = vpow2.f32 v7  }
0x123: {  	v7 =	vld [tilespmem:s28+$0x17910];
	(erf) = vpow2.f32 v18  }
0x124: {  	v18 =	vld [tilespmem:s28+$0x17920];
	v8 =	vadd.f32 v8, v12;
	(erf) = vpow2.f32 v21  }
.Ltmp6:
0x125: {  	v17 =	vld [tilespmem:s28+$0x17930];
	(erf) = vpow2.f32 v14;
	(pc) =	sbr.rel @p0 .LBB2_6-.Ltmp6, $4  }
0x126: {  	v16 =	vld [tilespmem:s28+$0x17940];
	v9 =	vadd.f32 v9, v6;
	(erf) = vpow2.f32 v23  }
0x127: {  	v6 =	vadd.f32 v5, v15;
	v13 =	vld [tilespmem:s28+$0x17950]  }
0x128: {  	s30 =	sshra.s32 s31, $0x2;
	v5 =	vadd.f32 v7, v19;
	v12 =	vld [tilespmem:s28+$0x17960];
	v19 =	vpop (erf)  }
0x129: {  	s31 =	sadd.s32 $0x200, s31;
	v14 =	vld [tilespmem:s30+$0x16970];
	vm0 =	vge.f32 v6, $0.0e+00;
	v15 =	vmul.f32 $2.000000030e-01, v6;
	v7 =	vadd.f32 v18, v22;
	v18 =	vpop (erf);
	[tilespmem:s29+$0x18100] =	vst v19  }
0x12a: {  	v19 =	vld [tilespmem:s30+$0x17170];
	[tilespmem:s28+$0x18170] =	vst v18;
	v53 =	vpop (erf)  }
0x12b: {  	v20 =	vld [tilespmem:s30+$0x16900];
	[tilespmem:s29+$0x18110] =	vst v53;
	v54 =	vpop (erf)  }
0x12c: {  	v21 =	vld [tilespmem:s30+$0x17970];
	[tilespmem:s29+$0x18120] =	vst v54;
	v55 =	vpop (erf)  }
0x12d: {  	v22 =	vld [tilespmem:s30+$0x17100];
	[tilespmem:s29+$0x18130] =	vst v55;
	v56 =	vpop (erf)  }
0x12e: {  	v23 =	vld [tilespmem:s30+$0x16910];
	[tilespmem:s29+$0x18140] =	vst v56;
	v57 =	vpop (erf)  }
0x12f: {  	vm1 =	vge.f32 v5, $0.0e+00;
	v11 =	vadd.f32 v17, v11;
	v24 =	vld [tilespmem:s30+$0x17110];
	[tilespmem:s29+$0x18150] =	vst v57;
	v17 =	vpop (erf)  }
0x130: {  	v25 =	vmul.f32 $2.000000030e-01, v5;
	vm2 =	vge.f32 v7, $0.0e+00;
	v10 =	vadd.f32 v16, v10;
	v18 =	vld [tilespmem:s30+$0x16920];
	[tilespmem:s29+$0x18160] =	vst v17  }
0x131: {  	v16 =	vmul.f32 $2.000000030e-01, v7;
	v6 =	vsel vm0, v6, v15;
	v14 =	vadd.f32 v19, v14;
	v17 =	vld [tilespmem:s30+$0x17120]  }
0x132: {  	vm3 =	vge.f32 v11, $0.0e+00;
	v58 =	vmul.f32 $2.000000030e-01, v11;
	v8 =	vadd.f32 v13, v8;
	v13 =	vld [tilespmem:s30+$0x16930]  }
0x133: {  	v5 =	vsel vm1, v5, v25;
	v9 =	vadd.f32 v12, v9;
	v12 =	vadd.f32 v21, v14;
	v14 =	vld [tilespmem:s30+$0x17130]  }
0x134: {  	v6 =	vmul.f32 $1.442695020e+00, v6;
	vm4 =	vge.f32 v10, $0.0e+00;
	v26 =	vmul.f32 $2.000000030e-01, v10;
	v59 =	vld [tilespmem:s30+$0x16940]  }
0x135: {  	v7 =	vsel vm2, v7, v16;
	v15 =	vmul.f32 $2.000000030e-01, v8;
	v60 =	vld [tilespmem:s30+$0x17140];
	v16 =	vmul.f32 $2.000000030e-01, v12  }
0x136: {  	v5 =	vmul.f32 $1.442695020e+00, v5;
	vm7 =	vge.f32 v8, $0.0e+00;
	v61 =	vld [tilespmem:s30+$0x16950];
	vm8 =	vge.f32 v12, $0.0e+00  }
0x137: {  	v7 =	vmul.f32 $1.442695020e+00, v7;
	v8 =	vsel vm7, v8, v15;
	v15 =	vld [tilespmem:s30+$0x16960];
	v12 =	vsel vm8, v12, v16  }
0x138: {  	v11 =	vsel vm3, v11, v58;
	(erf) = vpow2.f32 v6;
	v6 =	vld [tilespmem:s30+$0x17160];
	v12 =	vmul.f32 $1.442695020e+00, v12  }
0x139: {  	v10 =	vsel vm4, v10, v26;
	v62 =	vmul.f32 $2.000000030e-01, v9;
	v11 =	vmul.f32 $1.442695020e+00, v11;
	v16 =	vld [tilespmem:s30+$0x17150]  }
0x13a: {  	vm9 =	vge.f32 v9, $0.0e+00;
	v10 =	vmul.f32 $1.442695020e+00, v10;
	(erf) = vpow2.f32 v12;
	v12 =	vld [tilespmem:s30+$0x17900]  }
0x13b: {  	v9 =	vsel vm9, v9, v62;
	v8 =	vmul.f32 $1.442695020e+00, v8;
	(erf) = vpow2.f32 v5;
	v5 =	vld [tilespmem:s30+$0x17910]  }
0x13c: {  	v20 =	vadd.f32 v22, v20;
	v9 =	vmul.f32 $1.442695020e+00, v9;
	(erf) = vpow2.f32 v7;
	v7 =	vld [tilespmem:s30+$0x17920]  }
0x13d: {  	v63 =	vadd.f32 v24, v23;
	v17 =	vadd.f32 v17, v18;
	(erf) = vpow2.f32 v11;
	v11 =	vld [tilespmem:s30+$0x17930]  }
0x13e: {  	v13 =	vadd.f32 v14, v13;
	v14 =	vadd.f32 v60, v59;
	(erf) = vpow2.f32 v10  }
0x13f: {  	v6 =	vadd.f32 v6, v15;
	v10 =	vld [tilespmem:s30+$0x17940];
	(erf) = vpow2.f32 v8;
	v8 =	vadd.f32 v12, v20  }
0x140: {  	v16 =	vadd.f32 v16, v61;
	v12 =	vld [tilespmem:s30+$0x17950];
	v5 =	vadd.f32 v5, v63  }
0x141: {  	(erf) = vpow2.f32 v9;
	vm10 =	vge.f32 v8, $0.0e+00;
	v7 =	vadd.f32 v7, v17  }
0x142: {  	v9 =	vld [tilespmem:s30+$0x17960];
	v15 =	vmul.f32 $2.000000030e-01, v8;
	vm11 =	vge.f32 v5, $0.0e+00;
	v11 =	vadd.f32 v11, v13  }
0x143: {  	v17 =	vmul.f32 $2.000000030e-01, v5;
	vm12 =	vge.f32 v7, $0.0e+00;
	v13 =	vmul.f32 $2.000000030e-01, v7  }
0x144: {  	v10 =	vadd.f32 v10, v14;
	v8 =	vsel vm10, v8, v15;
	vm13 =	vge.f32 v11, $0.0e+00  }
0x145: {  	v14 =	vmul.f32 $2.000000030e-01, v11;
	v12 =	vadd.f32 v12, v16;
	v5 =	vsel vm11, v5, v17  }
0x146: {  	v8 =	vmul.f32 $1.442695020e+00, v8;
	vm14 =	vge.f32 v10, $0.0e+00;
	v16 =	vmul.f32 $2.000000030e-01, v10  }
0x147: {  	v6 =	vadd.f32 v9, v6;
	v7 =	vsel vm12, v7, v13;
	v5 =	vmul.f32 $1.442695020e+00, v5  }
0x148: {  	vm15 =	vge.f32 v12, $0.0e+00;
	v9 =	vmul.f32 $2.000000030e-01, v12;
	v11 =	vsel vm13, v11, v14  }
0x149: {  	v7 =	vmul.f32 $1.442695020e+00, v7;
	(erf) = vpow2.f32 v8;
	vm5 =	vge.f32 v6, $0.0e+00  }
0x14a: {  	v15 =	vmul.f32 $2.000000030e-01, v6;
	v10 =	vsel vm14, v10, v16;
	v11 =	vmul.f32 $1.442695020e+00, v11;
	v8 =	vpop (erf)  }
0x14b: {  	(erf) = vpow2.f32 v5;
	[tilespmem:s28+$0x18100] =	vst v8;
	v8 =	vsel vm15, v12, v9;
	v9 =	vmul.f32 $1.442695020e+00, v10  }
0x14c: {  	v5 =	vpop (erf);
	(erf) = vpow2.f32 v7;
	v6 =	vsel vm5, v6, v15;
	v7 =	vmul.f32 $1.442695020e+00, v8  }
0x14d: {  	[tilespmem:s30+$0x18170] =	vst v5;
	v5 =	vpop (erf);
	(erf) = vpow2.f32 v11;
	v6 =	vmul.f32 $1.442695020e+00, v6  }
0x14e: {  	[tilespmem:s28+$0x18110] =	vst v5;
	v5 =	vpop (erf);
	(erf) = vpow2.f32 v9  }
0x14f: {  	[tilespmem:s28+$0x18120] =	vst v5;
	v5 =	vpop (erf);
	(erf) = vpow2.f32 v7  }
0x150: {  	[tilespmem:s28+$0x18130] =	vst v5;
	v5 =	vpop (erf);
	(erf) = vpow2.f32 v6  }
0x151: {  	v6 =	vpop (erf);
	[tilespmem:s28+$0x18140] =	vst v5  }
0x152: {  	[tilespmem:s28+$0x18150] =	vst v6;
	v5 =	vpop (erf)  }
0x153: {  	[tilespmem:s28+$0x18160] =	vst v5;
	v5 =	vpop (erf)  }
0x154: {  	[tilespmem:s30+$0x18100] =	vst v5;
	v5 =	vpop (erf)  }
0x155: {  	[tilespmem:s30+$0x18110] =	vst v5;
	v5 =	vpop (erf)  }
0x156: {  	[tilespmem:s30+$0x18120] =	vst v5;
	v5 =	vpop (erf)  }
0x157: {  	[tilespmem:s30+$0x18130] =	vst v5;
	v5 =	vpop (erf)  }
0x158: {  	[tilespmem:s30+$0x18140] =	vst v5;
	v5 =	vpop (erf)  }
0x159: {  	[tilespmem:s30+$0x18150] =	vst v5;
	v5 =	vpop (erf)  }
0x15a: {  	[tilespmem:s30+$0x18160] =	vst v5  }
0x15b: {  	[spmem:s15] =	stream.indirect.scatter.add.f32 [tilespmem:s7], [sflag:$0x5], $0x10, s9, s17, $0xb8;
	[tilespmem:$0x1C900] =	vst v63  }
0x15c: {  	_ =	swait.ge [sflag:s24], $0x800  }
0x15d: {  	[sflag:s24] =	ssyncset.done $0x0  }
0x15e: {  	[sflag:s24] =	ssyncadd.s32 $0xFFFFF800  }
0x15f: {  	_ =	swait.ge [sflag:s12], $0x4000  }
0x160: {  	[sflag:s12] =	ssyncset.done $0x0  }
0x161: {  	s28 =	simm.s32 $0x18940;
	[sflag:s12] =	ssyncadd.s32 $0xFFFFC000  }
0x162: {  	s29 =	simm.s32 $0x0;
	v12 =	vld [tilespmem:s28+$0xFFFFFFD0]  }
0x163: {  	v7 =	vld [tilespmem:s29+$0x18100]  }
0x164: {  	v10 =	vld [tilespmem:s28+$0x20]  }
0x165: {  	v13 =	vld [tilespmem:s28+$0xFFFFFFC0]  }
0x166: {  	v16 =	vld [tilespmem:s28+$0xFFFFFFE0]  }
0x167: {  	v5 =	vld [tilespmem:s28+$0xFFFFFFF0]  }
0x168: {  	v6 =	vld [tilespmem:s28+$0x30];
	v14 =	vperm.xlane v7, v1;
	v11 =	vperm.xlane v7, v4  }
0x169: {  	v8 =	vld [tilespmem:s28+$0x0];
	v9 =	vperm.xlane v7, v2  }
0x16a: {  	v15 =	vmul.f32 v13, v14;
	v13 =	vmul.f32 v10, v11;
	v10 =	vld [tilespmem:s28+$0x10]  }
0x16b: {  	v7 =	vperm.xlane v7, v3  }
0x16c: {  	s30 =	simm.s32 $0x18940;
	s29 =	simm.s32 $0x40;
	v14 =	vmul.f32 v12, v14;
	v12 =	vmul.f32 v16, v9  }
.LBB2_8:
0x16d: {  	p0 =	sne.s32 s29, $0x1FC0  }
0x16e: {  	[tilespmem:s28+$0xFFFFFFC0] =	vst v15;
	v8 =	vmul.f32 v8, v7;
	v6 =	vmul.f32 v6, v11;
	s30 =	sadd.s32 $0x80, s30;
	s31 =	smov.u32 s29;
	s29 =	sadd.s32 $0x40, s29  }
0x16f: {  	v9 =	vmul.f32 v5, v9;
	v7 =	vmul.f32 v10, v7;
	[tilespmem:s28+$0x20] =	vst v13  }
0x170: {  	[tilespmem:s28+$0xFFFFFFD0] =	vst v14  }
0x171: {  	[tilespmem:s28+$0xFFFFFFE0] =	vst v12  }
0x172: {  	[tilespmem:s28+$0x30] =	vst v6  }
0x173: {  	v5 =	vld [tilespmem:s30+$0xFFFFFFF0];
	[tilespmem:s28+$0x10] =	vst v7  }
0x174: {  	v12 =	vld [tilespmem:s30+$0xFFFFFFD0];
	[tilespmem:s28+$0xFFFFFFF0] =	vst v9  }
0x175: {  	s31 =	sshra.s32 s31, $0x2;
	v13 =	vld [tilespmem:s30+$0x20];
	[tilespmem:s28+$0x0] =	vst v8;
	s28 =	smov.u32 s30  }
0x176: {  	v7 =	vld [tilespmem:s31+$0x18100]  }
0x177: {  	v6 =	vld [tilespmem:s30+$0x30]  }
0x178: {  	v14 =	vld [tilespmem:s30+$0xFFFFFFC0]  }
0x179: {  	v16 =	vld [tilespmem:s30+$0xFFFFFFE0]  }
.Ltmp7:
0x17a: {  	v8 =	vld [tilespmem:s30+$0x0];
	(pc) =	sbr.rel @p0 .LBB2_8-.Ltmp7, $4  }
0x17b: {  	v17 =	vperm.xlane v7, v1;
	v10 =	vld [tilespmem:s30+$0x10];
	v11 =	vperm.xlane v7, v4  }
0x17c: {  	v9 =	vperm.xlane v7, v2;
	v7 =	vperm.xlane v7, v3  }
0x17d: {  	v15 =	vmul.f32 v14, v17;
	v13 =	vmul.f32 v13, v11  }
0x17e: {  	v14 =	vmul.f32 v12, v17;
	v12 =	vmul.f32 v16, v9  }
0x17f: {  	[tilespmem:s28+$0xFFFFFFC0] =	vst v15  }
0x180: {  	[tilespmem:s28+$0x20] =	vst v13  }
0x181: {  	v6 =	vmul.f32 v6, v11;
	[tilespmem:s28+$0xFFFFFFD0] =	vst v14  }
0x182: {  	v5 =	vmul.f32 v5, v9;
	[tilespmem:s28+$0xFFFFFFE0] =	vst v12  }
0x183: {  	v10 =	vmul.f32 v10, v7;
	[tilespmem:s28+$0x30] =	vst v6  }
0x184: {  	v6 =	vmul.f32 v8, v7;
	[tilespmem:s28+$0xFFFFFFF0] =	vst v5  }
0x185: {  	[tilespmem:s28+$0x10] =	vst v10  }
.Ltmp8:
0x186: {  	[tilespmem:s28+$0x0] =	vst v6;
	(pc) =	sbr.rel .LBB2_10-.Ltmp8, $4  }
0x187: {  	[spmem:s14] =	stream.indirect.scatter.add.f32 [tilespmem:s5], [sflag:$0x4], $0x80, s9, s17, $0xb8;
	[tilespmem:$0x1C900] =	vst v63  }
0x188: {  	_ =	swait.ge [sflag:s6], $0x4000  }
0x189: {  	[sflag:s6] =	ssyncset.done $0x0  }
0x18a: {  	[sflag:s6] =	ssyncadd.s32 $0xFFFFC000  }
.LBB2_12:
0x18b: {  	_ =	sfence.sel $0x180000  }
0x18c: {  	[bflag:$0x0] =	sbarrier.arrive $0xFFFF  }
0x18d: {  	_ =	strace $0x90000047  }
0x18e: {  	s0 =	stileid.u32;
	[bflag:$0x2] =	sbarrier.arrive $0xFFFF  }
0x18f: {  	p0 =	sne.s32 s0, $0x0;
	s0 =	rddreg [dreg:$0x6]  }
0x190: {  	s0 =	sadd.s32 @!p0 $0x100000, s0  }
0x191: {  	[sflag:s0] =	ssyncadd.tile.s32 @!p0 $0x1;
	_ =	shalt  }
.Lfunc_end2:
_tile_overlayer_lowered:
.L_overlay_start_2:
0x192: {  	(tag) =	ssettag $0x2  }
0x193: {  	s0 =	rddreg [dreg:$0x0];
	s2 =	stileid.u32  }
0x194: {  	s1 =	rddreg [dreg:$0x1];
	p0 =	sne.s32 s2, $0x0  }
0x195: {  	s3 =	rddreg [dreg:$0x2];
	[bflag:$0x3] =	sbarrier.arrive $0xFFFF;
	s2 =	simm.s32 @!p0 $0x1C04  }
0x196: {  	[timem:s3], [sflag:s2] =	dma.local @!p0 [hbm:s0], s1  }
0x197: {  	s0 =	simm.s32 @!p0 $0x4  }
0x198: {  	_ =	swait.ge @!p0 [sflag:s0], s1  }
0x199: {  	s1 =	ssub.s32 @!p0 $0x0, s1;
	[sflag:s0] =	ssyncset.done @!p0 $0x0  }
0x19a: {  	[sflag:s0] =	ssyncadd.s32 @!p0 s1  }
0x19b: {  	[bflag:$0x3] =	sbarrier.arrive $0xFFFF  }
0x19c: {  	_ =	shalt  }

</sc_bundles>
